<compile_context>
chip_gen: v7x
topology: tpu7x:2x2x1
jax: 0.10.2.dev20260603
libtpu: 0.0.44.dev20260713+nightly
codegen_flags: <defaults>
</compile_context>

<pallas_src>
import functools

import jax
import jax.numpy as jnp
from jax import lax
from jax.experimental import pallas as pl
from jax.experimental.pallas import tpu as pltpu
from jax.experimental.pallas import tpu_sc as plsc

NC = 2
NS = 16
NW = NC * NS
CH = 128
KJ = 8
BN = 1024


def _sc_mesh():
    return plsc.VectorSubcoreMesh(core_axis_name="c", subcore_axis_name="s",
                                  num_cores=NC, num_subcores=NS)


def _make_deg_kernel(Ep, Np):
    CPT = Ep // CH // NW
    SUP = CPT // KJ
    SUPP = SUP // 2
    SP = Np // NS

    @functools.partial(
        pl.kernel,
        out_type=[jax.ShapeDtypeStruct((Np,), jnp.float32)] * NC,
        mesh=_sc_mesh(),
        scratch_types=[
            pltpu.VMEM((KJ, CH), jnp.int32),
            pltpu.VMEM((KJ, CH), jnp.int32),
            pltpu.VMEM((CH,), jnp.float32),
            pltpu.VMEM((SP,), jnp.float32),
            pltpu.VMEM_SHARED((Np,), jnp.float32),
            pltpu.SemaphoreType.DMA,
            pltpu.SemaphoreType.DMA,
        ],
        compiler_params=pltpu.CompilerParams(use_tc_tiling_on_sc=False),
        name="gcn_deg",
    )
    def degk(dst_hbm, out0_hbm, out1_hbm, idxe, idxd, ones_v, stage, acc,
             seme, semd):
        c = lax.axis_index("c")
        s = lax.axis_index("s")
        wid = c * NS + s
        base = wid * CPT
        for i in range(CH // 16):
            ones_v[pl.ds(i * 16, 16)] = jnp.ones((16,), jnp.float32)

        def zbody(i, carry):
            stage[pl.ds(i * 16, 16)] = jnp.zeros((16,), jnp.float32)
            return carry

        lax.fori_loop(0, SP // 16, zbody, 0)
        pltpu.sync_copy(stage, acc.at[pl.ds(s * SP, SP)])
        plsc.subcore_barrier()

        pltpu.sync_copy(dst_hbm.at[pl.ds(base, KJ)], idxe)

        def drain(sem):
            pltpu.make_async_copy(out0_hbm.at[pl.ds(0, KJ * CH)],
                                  stage.at[pl.ds(0, KJ * CH)], sem).wait()

        def body(p, carry):
            for j in range(KJ):
                pltpu.async_copy(ones_v, acc.at[idxe.at[j]], seme, add=True)
            pltpu.sync_copy(dst_hbm.at[pl.ds(base + (2 * p + 1) * KJ, KJ)],
                            idxd)
            drain(seme)
            for j in range(KJ):
                pltpu.async_copy(ones_v, acc.at[idxd.at[j]], semd, add=True)

            @pl.when(p < SUPP - 1)
            def _():
                pltpu.sync_copy(
                    dst_hbm.at[pl.ds(base + (2 * p + 2) * KJ, KJ)], idxe)

            drain(semd)
            return carry

        lax.fori_loop(0, SUPP, body, 0)
        plsc.subcore_barrier()
        pltpu.sync_copy(acc.at[pl.ds(s * SP, SP)], stage)

        @pl.when(c == 0)
        def _():
            pltpu.sync_copy(stage, out0_hbm.at[pl.ds(s * SP, SP)])

        @pl.when(c == 1)
        def _():
            pltpu.sync_copy(stage, out1_hbm.at[pl.ds(s * SP, SP)])

    return degk


def _make_scatter_kernel(D, Ep, Np, name):
    CPT = Ep // CH // NW
    SUP = CPT // KJ
    SUPP = SUP // 2
    SP = Np // NS
    SPH = SP // 16
    RB = KJ * CH

    @functools.partial(
        pl.kernel,
        out_type=[jax.ShapeDtypeStruct((Np, D), jnp.float32)] * NC,
        mesh=_sc_mesh(),
        scratch_types=[
            pltpu.VMEM((KJ, CH), jnp.int32),
            pltpu.VMEM((KJ, CH), jnp.int32),
            pltpu.VMEM((KJ, CH), jnp.int32),
            pltpu.VMEM((KJ, CH), jnp.int32),
            pltpu.VMEM((RB, D), jnp.float32),
            pltpu.VMEM((SPH, D), jnp.float32),
            pltpu.VMEM_SHARED((Np, D), jnp.float32),
            pltpu.SemaphoreType.DMA,
            pltpu.SemaphoreType.DMA,
        ],
        compiler_params=pltpu.CompilerParams(use_tc_tiling_on_sc=False),
        name=name,
    )
    def scat(src_hbm, dst_hbm, tbl_hbm, zeros_hbm, out0_hbm, out1_hbm,
             sie, die, sid, did, rows, stage, acc, gsem, ssem):
        c = lax.axis_index("c")
        s = lax.axis_index("s")
        wid = c * NS + s
        base = wid * CPT

        def ibody(p, carry):
            sl = pl.ds(s * SP + p * SPH, SPH)
            pltpu.sync_copy(zeros_hbm.at[sl], stage)
            pltpu.sync_copy(stage, acc.at[sl])
            return carry

        lax.fori_loop(0, 16, ibody, 0)
        plsc.subcore_barrier()

        pltpu.sync_copy(src_hbm.at[pl.ds(base, KJ)], sie)
        pltpu.sync_copy(dst_hbm.at[pl.ds(base, KJ)], die)

        def gather_fire(si):
            return [pltpu.async_copy(tbl_hbm.at[si.at[j]],
                                     rows.at[pl.ds(j * CH, CH)], gsem)
                    for j in range(KJ)]

        def scatter_fire(di):
            return [pltpu.async_copy(rows.at[pl.ds(j * CH, CH)],
                                     acc.at[di.at[j]], ssem, add=True)
                    for j in range(KJ)]

        def drain(sem):
            pltpu.make_async_copy(tbl_hbm.at[pl.ds(0, RB)], rows, sem).wait()

        def phase(si, di, nsi, ndi, nxt_row, do_load):
            gather_fire(si)

            def loads():
                pltpu.sync_copy(src_hbm.at[nxt_row], nsi)
                pltpu.sync_copy(dst_hbm.at[nxt_row], ndi)

            if do_load is True:
                loads()
            else:
                pl.when(do_load)(loads)

            drain(gsem)
            scatter_fire(di)
            drain(ssem)

        def body(p, carry):
            phase(sie, die, sid, did,
                  pl.ds(base + (2 * p + 1) * KJ, KJ), True)
            phase(sid, did, sie, die,
                  pl.ds(base + (2 * p + 2) * KJ, KJ), p < SUPP - 1)
            return carry

        lax.fori_loop(0, SUPP, body, 0)
        plsc.subcore_barrier()

        def obody(p, carry):
            sl = pl.ds(s * SP + p * SPH, SPH)
            pltpu.sync_copy(acc.at[sl], stage)

            @pl.when(c == 0)
            def _():
                pltpu.sync_copy(stage, out0_hbm.at[sl])

            @pl.when(c == 1)
            def _():
                pltpu.sync_copy(stage, out1_hbm.at[sl])
            return carry

        lax.fori_loop(0, 16, obody, 0)

    return scat


def _mm_body(xt_ref, w_ref, d0_ref, d1_ref, hs_ref):
    h = lax.dot_general(xt_ref[...], w_ref[...], (((0,), (0,)), ((), ())),
                        preferred_element_type=jnp.float32)
    deg = d0_ref[...] + d1_ref[...] + 1.0
    hs_ref[...] = h * lax.rsqrt(deg).reshape(-1, 1)


def _mid_body(a0_ref, a1_ref, hs_ref, d0_ref, d1_ref, b1t_ref, bd_ref,
              hs2_ref, *, npack):
    dinv16 = lax.rsqrt(d0_ref[...] + d1_ref[...] + 1.0)
    agg = a0_ref[...] + a1_ref[...] + hs_ref[...]
    z = jnp.maximum(agg * dinv16 + b1t_ref[...][None, :], 0.0)
    h2 = jnp.dot(z, bd_ref[...], preferred_element_type=jnp.float32)
    H16 = dinv16.shape[1] // npack
    O8 = h2.shape[1] // npack
    dinv8 = jnp.concatenate(
        [dinv16[:, a * H16:a * H16 + O8] for a in range(npack)], axis=1)
    hs2_ref[...] = h2 * dinv8


def _fin_body(a0_ref, a1_ref, hs2_ref, d0_ref, d1_ref, b2t_ref, gsum_ref,
              out_ref, *, nvalid, gw):
    dinv8 = lax.rsqrt(d0_ref[...] + d1_ref[...] + 1.0)
    agg = a0_ref[...] + a1_ref[...] + hs2_ref[...]
    logits = agg * dinv8 + b2t_ref[...][None, :]
    col = lax.broadcasted_iota(jnp.int32, logits.shape, 1)
    valid = (col % gw) < nvalid
    m = jnp.max(jnp.where(valid, logits, jnp.float32(-1e30)), axis=1,
                keepdims=True)
    e = jnp.where(valid, jnp.exp(logits - m), 0.0)
    gs = jnp.dot(e, gsum_ref[...], preferred_element_type=jnp.float32)
    out_ref[...] = logits - (jnp.log(gs) + m)


def kernel(x, edge_index, W1, b1, W2, b2):
    N, F = x.shape
    H = W1.shape[1]
    O = W2.shape[1]
    E = edge_index.shape[1]
    O8 = 8

    grain = NW * CH * KJ * 2
    Ep = ((E + grain - 1) // grain) * grain
    pad = Ep - E
    Np = ((N + NW + 1023) // 1024) * 1024
    nb = Np // BN

    src = edge_index[0]
    dst = edge_index[1]
    src_p = jnp.concatenate(
        [src, jnp.zeros((pad,), jnp.int32)]).reshape(Ep // CH, CH)
    dst_p = jnp.concatenate(
        [dst, N + (jnp.arange(pad, dtype=jnp.int32) % NW)]).reshape(Ep // CH, CH)
    zerosH = jnp.zeros((Np, H), jnp.float32)
    zerosO = jnp.zeros((Np, O8), jnp.float32)

    deg0, deg1 = _make_deg_kernel(Ep, Np)(dst_p)

    xt = jnp.swapaxes(x, 0, 1)
    hs = pl.pallas_call(
        _mm_body,
        grid=(nb,),
        in_specs=[
            pl.BlockSpec((F, BN), lambda i: (0, i)),
            pl.BlockSpec((F, H), lambda i: (0, 0)),
            pl.BlockSpec((BN,), lambda i: (i,)),
            pl.BlockSpec((BN,), lambda i: (i,)),
        ],
        out_specs=pl.BlockSpec((BN, H), lambda i: (i, 0)),
        out_shape=jax.ShapeDtypeStruct((Np, H), jnp.float32),
    )(xt, W1, deg0, deg1)

    a10, a11 = _make_scatter_kernel(H, Ep, Np, "gcn_scatter1")(
        src_p, dst_p, hs, zerosH)

    NP16 = Np * H // 128
    NP8 = Np * O8 // 128
    B16 = BN * H // 128
    B8 = BN * O8 // 128
    hsp = hs.reshape(Np * H).reshape(NP16, 128)
    a10p = a10.reshape(Np * H).reshape(NP16, 128)
    a11p = a11.reshape(Np * H).reshape(NP16, 128)
    d16_0 = jnp.repeat(deg0, H).reshape(NP16, 128)
    d16_1 = jnp.repeat(deg1, H).reshape(NP16, 128)

    W2p = jnp.pad(W2, ((0, 0), (0, O8 - O)))
    BD = jnp.kron(jnp.eye(128 // H, dtype=jnp.float32), W2p)
    b1t = jnp.tile(b1, 128 // H)
    BM = 896
    nbm = NP16 // BM
    hs2p = pl.pallas_call(
        functools.partial(_mid_body, npack=128 // H),
        grid=(nbm,),
        in_specs=[
            pl.BlockSpec((BM, 128), lambda i: (i, 0)),
            pl.BlockSpec((BM, 128), lambda i: (i, 0)),
            pl.BlockSpec((BM, 128), lambda i: (i, 0)),
            pl.BlockSpec((BM, 128), lambda i: (i, 0)),
            pl.BlockSpec((BM, 128), lambda i: (i, 0)),
            pl.BlockSpec((128,), lambda i: (0,)),
            pl.BlockSpec((128, 128 // H * O8), lambda i: (0, 0)),
        ],
        out_specs=pl.BlockSpec((BM, 128 // H * O8), lambda i: (i, 0)),
        out_shape=jax.ShapeDtypeStruct((NP16, 128 // H * O8), jnp.float32),
    )(a10p, a11p, hsp, d16_0, d16_1, b1t, BD)

    hs2 = hs2p.reshape(Np, O8)
    a20, a21 = _make_scatter_kernel(O8, Ep, Np, "gcn_scatter2")(
        src_p, dst_p, hs2, zerosO)

    a20p = a20.reshape(Np * O8).reshape(NP8, 128)
    a21p = a21.reshape(Np * O8).reshape(NP8, 128)
    hs2pp = hs2.reshape(Np * O8).reshape(NP8, 128)
    d8_0 = jnp.repeat(deg0, O8).reshape(NP8, 128)
    d8_1 = jnp.repeat(deg1, O8).reshape(NP8, 128)
    b2p = jnp.pad(b2, (0, O8 - O))
    b2t = jnp.tile(b2p, 128 // O8)
    Mones = jnp.kron(jnp.eye(128 // O8, dtype=jnp.float32),
                     jnp.ones((O8, O8), jnp.float32))
    BF = 896
    nbf = NP8 // BF
    outp = pl.pallas_call(
        functools.partial(_fin_body, nvalid=O, gw=O8),
        grid=(nbf,),
        in_specs=[
            pl.BlockSpec((BF, 128), lambda i: (i, 0)),
            pl.BlockSpec((BF, 128), lambda i: (i, 0)),
            pl.BlockSpec((BF, 128), lambda i: (i, 0)),
            pl.BlockSpec((BF, 128), lambda i: (i, 0)),
            pl.BlockSpec((BF, 128), lambda i: (i, 0)),
            pl.BlockSpec((128,), lambda i: (0,)),
            pl.BlockSpec((128, 128), lambda i: (0, 0)),
        ],
        out_specs=pl.BlockSpec((BF, 128), lambda i: (i, 0)),
        out_shape=jax.ShapeDtypeStruct((NP8, 128), jnp.float32),
    )(a20p, a21p, hs2pp, d8_0, d8_1, b2t, Mones)
    return outp.reshape(Np, O8)[:N, :O]

# --- scband reference (transcript-rebuilt; emitter-appended) ---
"""Pipeline reference for scband-gcn-4724464025782 (READ-ONLY COPY).

The authoritative reference and input builder live on the scoring server;
editing this copy changes nothing except your own understanding.
"""

import jax, jax.numpy as jnp
import numpy as np

N = 100000
E = 3200000
IN_F = 1433
HID = 16
OUT_F = 7


def setup_inputs(seed: int = 0) -> dict:
    key = jax.random.key(seed)
    k1, k2, k3, k4, k5, k6 = jax.random.split(key, 6)
    x = jax.random.normal(k1, (N, IN_F), dtype=jnp.float32)
    edge_index = jax.random.randint(k2, (2, E), 0, N, dtype=jnp.int32)
    W1 = jax.random.normal(k3, (IN_F, HID), dtype=jnp.float32) * (1.0 / np.sqrt(IN_F))
    b1 = jnp.zeros((HID,), dtype=jnp.float32)
    W2 = jax.random.normal(k4, (HID, OUT_F), dtype=jnp.float32) * (1.0 / np.sqrt(HID))
    b2 = jnp.zeros((OUT_F,), dtype=jnp.float32)
    return {"x": x, "edge_index": edge_index, "W1": W1, "b1": b1, "W2": W2, "b2": b2}


def _gcn_conv(x, edge_index, W, b):
    n = x.shape[0]
    loops = jnp.arange(n, dtype=edge_index.dtype)
    src = jnp.concatenate([edge_index[0], loops])
    dst = jnp.concatenate([edge_index[1], loops])
    # linear transform first (PyG GCNConv order)
    h = x @ W
    # symmetric normalization with self-loops (gcn_norm)
    ew = jnp.ones(src.shape[0], dtype=h.dtype)
    deg = jax.ops.segment_sum(ew, dst, num_segments=n)
    dinv = jnp.where(deg > 0, deg ** -0.5, 0.0)
    norm = dinv[src] * dinv[dst]
    msg = h[src] * norm[:, None]
    out = jax.ops.segment_sum(msg, dst, num_segments=n)
    return out + b


def reference(x, edge_index, W1, b1, W2, b2):
    h = _gcn_conv(x, edge_index, W1, b1)
    h = jax.nn.relu(h)
    # F.dropout with training=self.training: module evaluated in eval mode -> identity
    h = _gcn_conv(h, edge_index, W2, b2)
    return jax.nn.log_softmax(h, axis=1)

if __name__ == "__main__":
    import jax
    _d = setup_inputs()
    print(jax.jit(kernel)(*tuple(_d.values())))

</pallas_src>

<mosaic_0001>
#map = affine_map<(d0, d1) -> (0, 0)>
#map1 = affine_map<(d0, d1) -> (0)>
module attributes {stable_mosaic.version = 14 : i64} {
  func.func @gcn_deg(%arg0: i32, %arg1: i32, %arg2: memref<25088x128xi32, #tpu.memory_space<hbm>>, %arg3: memref<100352xf32, #tpu.memory_space<hbm>>, %arg4: memref<100352xf32, #tpu.memory_space<hbm>>, %arg5: memref<8x128xi32, #tpu.memory_space<vmem>>, %arg6: memref<8x128xi32, #tpu.memory_space<vmem>>, %arg7: memref<128xf32, #tpu.memory_space<vmem>>, %arg8: memref<6272xf32, #tpu.memory_space<vmem>>, %arg9: memref<100352xf32, #tpu.memory_space<vmem_shared>>, %arg10: memref<!tpu.dma_semaphore, #tpu.memory_space<semaphore_mem>>, %arg11: memref<!tpu.dma_semaphore, #tpu.memory_space<semaphore_mem>>) attributes {dimension_semantics = [#tpu.dimension_semantics<core_parallel>, #tpu.dimension_semantics<subcore_parallel>], iteration_bounds = array<i64: 2, 16>, scalar_prefetch = 0 : i64, scratch_operands = 7 : i64, tpu.core_type = #tpu.core_type<sc_vector_subcore>, window_params = [{transform_indices = #map}, {transform_indices = #map1}, {transform_indices = #map1}]} {
    %mul3A = arith.constant 16 : i32
    %mul3A_0 = arith.muli %arg0, %mul3A : i32
    %add3A = arith.addi %mul3A_0, %arg1 : i32
    %mul3A_1 = arith.constant 784 : i32
    %mul3A_2 = arith.muli %add3A, %mul3A_1 : i32
    %broadcast_in_dim3A = arith.constant 1.000000e+00 : f32
    %broadcast_in_dim3A_3 = vector.broadcast %broadcast_in_dim3A : f32 to vector<16xf32>
    %swap3A = arith.constant 0 : index
    %swap3A_4 = tpu.vector_load %arg7[%swap3A] {strides = array<i32>} : memref<128xf32, #tpu.memory_space<vmem>>, vector<16xf32>,
    %swap3A_5 = vector.shape_cast %swap3A_4 : vector<16xf32> to vector<16xf32>
    %swap3A_6 = vector.shape_cast %broadcast_in_dim3A_3 : vector<16xf32> to vector<16xf32>
    tpu.vector_store %arg7[%swap3A], %swap3A_6 {strides = array<i32>} : memref<128xf32, #tpu.memory_space<vmem>>, vector<16xf32>,
    %broadcast_in_dim3A_7 = arith.constant 1.000000e+00 : f32
    %broadcast_in_dim3A_8 = vector.broadcast %broadcast_in_dim3A_7 : f32 to vector<16xf32>
    %swap3A_9 = arith.constant 16 : index
    %swap3A_10 = tpu.vector_load %arg7[%swap3A_9] {strides = array<i32>} : memref<128xf32, #tpu.memory_space<vmem>>, vector<16xf32>,
    %swap3A_11 = vector.shape_cast %swap3A_10 : vector<16xf32> to vector<16xf32>
    %swap3A_12 = vector.shape_cast %broadcast_in_dim3A_8 : vector<16xf32> to vector<16xf32>
    tpu.vector_store %arg7[%swap3A_9], %swap3A_12 {strides = array<i32>} : memref<128xf32, #tpu.memory_space<vmem>>, vector<16xf32>,
    %broadcast_in_dim3A_13 = arith.constant 1.000000e+00 : f32
    %broadcast_in_dim3A_14 = vector.broadcast %broadcast_in_dim3A_13 : f32 to vector<16xf32>
    %swap3A_15 = arith.constant 32 : index
    %swap3A_16 = tpu.vector_load %arg7[%swap3A_15] {strides = array<i32>} : memref<128xf32, #tpu.memory_space<vmem>>, vector<16xf32>,
    %swap3A_17 = vector.shape_cast %swap3A_16 : vector<16xf32> to vector<16xf32>
    %swap3A_18 = vector.shape_cast %broadcast_in_dim3A_14 : vector<16xf32> to vector<16xf32>
    tpu.vector_store %arg7[%swap3A_15], %swap3A_18 {strides = array<i32>} : memref<128xf32, #tpu.memory_space<vmem>>, vector<16xf32>,
    %broadcast_in_dim3A_19 = arith.constant 1.000000e+00 : f32
    %broadcast_in_dim3A_20 = vector.broadcast %broadcast_in_dim3A_19 : f32 to vector<16xf32>
    %swap3A_21 = arith.constant 48 : index
    %swap3A_22 = tpu.vector_load %arg7[%swap3A_21] {strides = array<i32>} : memref<128xf32, #tpu.memory_space<vmem>>, vector<16xf32>,
    %swap3A_23 = vector.shape_cast %swap3A_22 : vector<16xf32> to vector<16xf32>
    %swap3A_24 = vector.shape_cast %broadcast_in_dim3A_20 : vector<16xf32> to vector<16xf32>
    tpu.vector_store %arg7[%swap3A_21], %swap3A_24 {strides = array<i32>} : memref<128xf32, #tpu.memory_space<vmem>>, vector<16xf32>,
    %broadcast_in_dim3A_25 = arith.constant 1.000000e+00 : f32
    %broadcast_in_dim3A_26 = vector.broadcast %broadcast_in_dim3A_25 : f32 to vector<16xf32>
    %swap3A_27 = arith.constant 64 : index
    %swap3A_28 = tpu.vector_load %arg7[%swap3A_27] {strides = array<i32>} : memref<128xf32, #tpu.memory_space<vmem>>, vector<16xf32>,
    %swap3A_29 = vector.shape_cast %swap3A_28 : vector<16xf32> to vector<16xf32>
    %swap3A_30 = vector.shape_cast %broadcast_in_dim3A_26 : vector<16xf32> to vector<16xf32>
    tpu.vector_store %arg7[%swap3A_27], %swap3A_30 {strides = array<i32>} : memref<128xf32, #tpu.memory_space<vmem>>, vector<16xf32>,
    %broadcast_in_dim3A_31 = arith.constant 1.000000e+00 : f32
    %broadcast_in_dim3A_32 = vector.broadcast %broadcast_in_dim3A_31 : f32 to vector<16xf32>
    %swap3A_33 = arith.constant 80 : index
    %swap3A_34 = tpu.vector_load %arg7[%swap3A_33] {strides = array<i32>} : memref<128xf32, #tpu.memory_space<vmem>>, vector<16xf32>,
    %swap3A_35 = vector.shape_cast %swap3A_34 : vector<16xf32> to vector<16xf32>
    %swap3A_36 = vector.shape_cast %broadcast_in_dim3A_32 : vector<16xf32> to vector<16xf32>
    tpu.vector_store %arg7[%swap3A_33], %swap3A_36 {strides = array<i32>} : memref<128xf32, #tpu.memory_space<vmem>>, vector<16xf32>,
    %broadcast_in_dim3A_37 = arith.constant 1.000000e+00 : f32
    %broadcast_in_dim3A_38 = vector.broadcast %broadcast_in_dim3A_37 : f32 to vector<16xf32>
    %swap3A_39 = arith.constant 96 : index
    %swap3A_40 = tpu.vector_load %arg7[%swap3A_39] {strides = array<i32>} : memref<128xf32, #tpu.memory_space<vmem>>, vector<16xf32>,
    %swap3A_41 = vector.shape_cast %swap3A_40 : vector<16xf32> to vector<16xf32>
    %swap3A_42 = vector.shape_cast %broadcast_in_dim3A_38 : vector<16xf32> to vector<16xf32>
    tpu.vector_store %arg7[%swap3A_39], %swap3A_42 {strides = array<i32>} : memref<128xf32, #tpu.memory_space<vmem>>, vector<16xf32>,
    %broadcast_in_dim3A_43 = arith.constant 1.000000e+00 : f32
    %broadcast_in_dim3A_44 = vector.broadcast %broadcast_in_dim3A_43 : f32 to vector<16xf32>
    %swap3A_45 = arith.constant 112 : index
    %swap3A_46 = tpu.vector_load %arg7[%swap3A_45] {strides = array<i32>} : memref<128xf32, #tpu.memory_space<vmem>>, vector<16xf32>,
    %swap3A_47 = vector.shape_cast %swap3A_46 : vector<16xf32> to vector<16xf32>
    %swap3A_48 = vector.shape_cast %broadcast_in_dim3A_44 : vector<16xf32> to vector<16xf32>
    tpu.vector_store %arg7[%swap3A_45], %swap3A_48 {strides = array<i32>} : memref<128xf32, #tpu.memory_space<vmem>>, vector<16xf32>,
    %scan3A = arith.constant 0 : i32
    %scan3A_49 = arith.constant 0 : i32
    %scan3A_50 = arith.constant 392 : i32
    %scan3A_51 = arith.addi %scan3A_49, %scan3A_50 : i32
    %scan3A_52 = arith.constant 1 : i32
    scf.for %scan3A_72 = %scan3A_49 to %scan3A_51 step %scan3A_52  : i32 {
      %broadcast_in_dim3A_73 = arith.constant 0.000000e+00 : f32
      %broadcast_in_dim3A_74 = vector.broadcast %broadcast_in_dim3A_73 : f32 to vector<16xf32>
      %mul3A_75 = arith.constant 16 : i32
      %mul3A_76 = arith.muli %scan3A_72, %mul3A_75 : i32
      %swap3A_77 = arith.index_cast %mul3A_76 : i32 to index
      %swap3A_78 = tpu.vector_load %arg8[%swap3A_77] {strides = array<i32>} : memref<6272xf32, #tpu.memory_space<vmem>>, vector<16xf32>,
      %swap3A_79 = vector.shape_cast %swap3A_78 : vector<16xf32> to vector<16xf32>
      %swap3A_80 = vector.shape_cast %broadcast_in_dim3A_74 : vector<16xf32> to vector<16xf32>
      tpu.vector_store %arg8[%swap3A_77], %swap3A_80 {strides = array<i32>} : memref<6272xf32, #tpu.memory_space<vmem>>, vector<16xf32>,
    }
    %scan3A_53 = arith.constant 392 : i32
    %mul3A_54 = arith.constant 6272 : i32
    %mul3A_55 = arith.muli %arg1, %mul3A_54 : i32
    "tpu.region"() ({
      %run_scoped3A = tpu.sem_alloc : memref<!tpu.dma_semaphore, #tpu.memory_space<semaphore_mem>>
      %dma_start3A = tpu.memref_slice %arg9[%mul3A_55] : memref<100352xf32, #tpu.memory_space<vmem_shared>> -> memref<6272xf32, #tpu.memory_space<vmem_shared>>
      %dma_start3A_72 = tpu.memref_slice %arg9[%mul3A_55] : memref<100352xf32, #tpu.memory_space<vmem_shared>> -> memref<6272xf32, #tpu.memory_space<vmem_shared>>
      tpu.enqueue_dma source(%arg8 : memref<6272xf32, #tpu.memory_space<vmem>>) target(%dma_start3A_72 : memref<6272xf32, #tpu.memory_space<vmem_shared>>) target_semaphore(%run_scoped3A : memref<!tpu.dma_semaphore, #tpu.memory_space<semaphore_mem>>)
      %dma_wait3A = tpu.memref_slice %arg9[%mul3A_55] : memref<100352xf32, #tpu.memory_space<vmem_shared>> -> memref<6272xf32, #tpu.memory_space<vmem_shared>>
      %dma_wait3A_73 = tpu.memref_slice %arg9[%mul3A_55] : memref<100352xf32, #tpu.memory_space<vmem_shared>> -> memref<6272xf32, #tpu.memory_space<vmem_shared>>
      tpu.wait_dma2 semaphore(%run_scoped3A : memref<!tpu.dma_semaphore, #tpu.memory_space<semaphore_mem>>) src(%arg8 : memref<6272xf32, #tpu.memory_space<vmem>>) dst(%dma_wait3A_73 : memref<6272xf32, #tpu.memory_space<vmem_shared>>)
      tpu.yield
    }) : () -> ()
    %barrier3A = arith.constant 0 : index
    tpu.barrier barrier_id(%barrier3A)
    "tpu.region"() ({
      %run_scoped3A = tpu.sem_alloc : memref<!tpu.dma_semaphore, #tpu.memory_space<semaphore_mem>>
      %dma_start3A = arith.constant 0 : i32
      %dma_start3A_72 = tpu.memref_slice %arg2[%mul3A_2, %dma_start3A] : memref<25088x128xi32, #tpu.memory_space<hbm>> -> memref<8x128xi32, #tpu.memory_space<hbm>>
      %dma_start3A_73 = arith.constant 0 : i32
      %dma_start3A_74 = tpu.memref_slice %arg2[%mul3A_2, %dma_start3A_73] : memref<25088x128xi32, #tpu.memory_space<hbm>> -> memref<8x128xi32, #tpu.memory_space<hbm>>
      tpu.enqueue_dma source(%dma_start3A_74 : memref<8x128xi32, #tpu.memory_space<hbm>>) target(%arg5 : memref<8x128xi32, #tpu.memory_space<vmem>>) target_semaphore(%run_scoped3A : memref<!tpu.dma_semaphore, #tpu.memory_space<semaphore_mem>>)
      %dma_wait3A = arith.constant 0 : i32
      %dma_wait3A_75 = tpu.memref_slice %arg2[%mul3A_2, %dma_wait3A] : memref<25088x128xi32, #tpu.memory_space<hbm>> -> memref<8x128xi32, #tpu.memory_space<hbm>>
      %dma_wait3A_76 = arith.constant 0 : i32
      %dma_wait3A_77 = tpu.memref_slice %arg2[%mul3A_2, %dma_wait3A_76] : memref<25088x128xi32, #tpu.memory_space<hbm>> -> memref<8x128xi32, #tpu.memory_space<hbm>>
      tpu.wait_dma2 semaphore(%run_scoped3A : memref<!tpu.dma_semaphore, #tpu.memory_space<semaphore_mem>>) src(%dma_wait3A_77 : memref<8x128xi32, #tpu.memory_space<hbm>>) dst(%arg5 : memref<8x128xi32, #tpu.memory_space<vmem>>)
      tpu.yield
    }) : () -> ()
    %scan3A_56 = arith.constant 0 : i32
    %scan3A_57 = arith.constant 0 : i32
    %scan3A_58 = arith.constant 49 : i32
    %scan3A_59 = arith.addi %scan3A_57, %scan3A_58 : i32
    %scan3A_60 = arith.constant 1 : i32
    scf.for %scan3A_72 = %scan3A_57 to %scan3A_59 step %scan3A_60  : i32 {
      %dma_start3A = arith.constant 0 : i32
      %dma_start3A_73 = arith.constant 0 : i32
      %dma_start3A_74 = tpu.memref_slice %arg5[%dma_start3A, %dma_start3A_73] : memref<8x128xi32, #tpu.memory_space<vmem>> -> memref<1x128xi32, #tpu.memory_space<vmem>>
      %dma_start3A_75 = tpu.memref_squeeze %dma_start3A_74 : memref<1x128xi32, #tpu.memory_space<vmem>> -> memref<128xi32, #tpu.memory_space<vmem>>
      %dma_start3A_76 = arith.constant 0 : i32
      %dma_start3A_77 = tpu.memref_slice %arg9[%dma_start3A_76] : memref<100352xf32, #tpu.memory_space<vmem_shared>> -> memref<100352xf32, #tpu.memory_space<vmem_shared>>
      tpu.enqueue_indirect_dma source(%arg7 : memref<128xf32, #tpu.memory_space<vmem>>) target(%dma_start3A_77 : memref<100352xf32, #tpu.memory_space<vmem_shared>>) offsets(%dma_start3A_75 : memref<128xi32, #tpu.memory_space<vmem>>) semaphore(%arg10 : memref<!tpu.dma_semaphore, #tpu.memory_space<semaphore_mem>>) {add = true}
      %dma_start3A_78 = arith.constant 1 : i32
      %dma_start3A_79 = arith.constant 0 : i32
      %dma_start3A_80 = tpu.memref_slice %arg5[%dma_start3A_78, %dma_start3A_79] : memref<8x128xi32, #tpu.memory_space<vmem>> -> memref<1x128xi32, #tpu.memory_space<vmem>>
      %dma_start3A_81 = tpu.memref_squeeze %dma_start3A_80 : memref<1x128xi32, #tpu.memory_space<vmem>> -> memref<128xi32, #tpu.memory_space<vmem>>
      %dma_start3A_82 = arith.constant 0 : i32
      %dma_start3A_83 = tpu.memref_slice %arg9[%dma_start3A_82] : memref<100352xf32, #tpu.memory_space<vmem_shared>> -> memref<100352xf32, #tpu.memory_space<vmem_shared>>
      tpu.enqueue_indirect_dma source(%arg7 : memref<128xf32, #tpu.memory_space<vmem>>) target(%dma_start3A_83 : memref<100352xf32, #tpu.memory_space<vmem_shared>>) offsets(%dma_start3A_81 : memref<128xi32, #tpu.memory_space<vmem>>) semaphore(%arg10 : memref<!tpu.dma_semaphore, #tpu.memory_space<semaphore_mem>>) {add = true}
      %dma_start3A_84 = arith.constant 2 : i32
      %dma_start3A_85 = arith.constant 0 : i32
      %dma_start3A_86 = tpu.memref_slice %arg5[%dma_start3A_84, %dma_start3A_85] : memref<8x128xi32, #tpu.memory_space<vmem>> -> memref<1x128xi32, #tpu.memory_space<vmem>>
      %dma_start3A_87 = tpu.memref_squeeze %dma_start3A_86 : memref<1x128xi32, #tpu.memory_space<vmem>> -> memref<128xi32, #tpu.memory_space<vmem>>
      %dma_start3A_88 = arith.constant 0 : i32
      %dma_start3A_89 = tpu.memref_slice %arg9[%dma_start3A_88] : memref<100352xf32, #tpu.memory_space<vmem_shared>> -> memref<100352xf32, #tpu.memory_space<vmem_shared>>
      tpu.enqueue_indirect_dma source(%arg7 : memref<128xf32, #tpu.memory_space<vmem>>) target(%dma_start3A_89 : memref<100352xf32, #tpu.memory_space<vmem_shared>>) offsets(%dma_start3A_87 : memref<128xi32, #tpu.memory_space<vmem>>) semaphore(%arg10 : memref<!tpu.dma_semaphore, #tpu.memory_space<semaphore_mem>>) {add = true}
      %dma_start3A_90 = arith.constant 3 : i32
      %dma_start3A_91 = arith.constant 0 : i32
      %dma_start3A_92 = tpu.memref_slice %arg5[%dma_start3A_90, %dma_start3A_91] : memref<8x128xi32, #tpu.memory_space<vmem>> -> memref<1x128xi32, #tpu.memory_space<vmem>>
      %dma_start3A_93 = tpu.memref_squeeze %dma_start3A_92 : memref<1x128xi32, #tpu.memory_space<vmem>> -> memref<128xi32, #tpu.memory_space<vmem>>
      %dma_start3A_94 = arith.constant 0 : i32
      %dma_start3A_95 = tpu.memref_slice %arg9[%dma_start3A_94] : memref<100352xf32, #tpu.memory_space<vmem_shared>> -> memref<100352xf32, #tpu.memory_space<vmem_shared>>
      tpu.enqueue_indirect_dma source(%arg7 : memref<128xf32, #tpu.memory_space<vmem>>) target(%dma_start3A_95 : memref<100352xf32, #tpu.memory_space<vmem_shared>>) offsets(%dma_start3A_93 : memref<128xi32, #tpu.memory_space<vmem>>) semaphore(%arg10 : memref<!tpu.dma_semaphore, #tpu.memory_space<semaphore_mem>>) {add = true}
      %dma_start3A_96 = arith.constant 4 : i32
      %dma_start3A_97 = arith.constant 0 : i32
      %dma_start3A_98 = tpu.memref_slice %arg5[%dma_start3A_96, %dma_start3A_97] : memref<8x128xi32, #tpu.memory_space<vmem>> -> memref<1x128xi32, #tpu.memory_space<vmem>>
      %dma_start3A_99 = tpu.memref_squeeze %dma_start3A_98 : memref<1x128xi32, #tpu.memory_space<vmem>> -> memref<128xi32, #tpu.memory_space<vmem>>
      %dma_start3A_100 = arith.constant 0 : i32
      %dma_start3A_101 = tpu.memref_slice %arg9[%dma_start3A_100] : memref<100352xf32, #tpu.memory_space<vmem_shared>> -> memref<100352xf32, #tpu.memory_space<vmem_shared>>
      tpu.enqueue_indirect_dma source(%arg7 : memref<128xf32, #tpu.memory_space<vmem>>) target(%dma_start3A_101 : memref<100352xf32, #tpu.memory_space<vmem_shared>>) offsets(%dma_start3A_99 : memref<128xi32, #tpu.memory_space<vmem>>) semaphore(%arg10 : memref<!tpu.dma_semaphore, #tpu.memory_space<semaphore_mem>>) {add = true}
      %dma_start3A_102 = arith.constant 5 : i32
      %dma_start3A_103 = arith.constant 0 : i32
      %dma_start3A_104 = tpu.memref_slice %arg5[%dma_start3A_102, %dma_start3A_103] : memref<8x128xi32, #tpu.memory_space<vmem>> -> memref<1x128xi32, #tpu.memory_space<vmem>>
      %dma_start3A_105 = tpu.memref_squeeze %dma_start3A_104 : memref<1x128xi32, #tpu.memory_space<vmem>> -> memref<128xi32, #tpu.memory_space<vmem>>
      %dma_start3A_106 = arith.constant 0 : i32
      %dma_start3A_107 = tpu.memref_slice %arg9[%dma_start3A_106] : memref<100352xf32, #tpu.memory_space<vmem_shared>> -> memref<100352xf32, #tpu.memory_space<vmem_shared>>
      tpu.enqueue_indirect_dma source(%arg7 : memref<128xf32, #tpu.memory_space<vmem>>) target(%dma_start3A_107 : memref<100352xf32, #tpu.memory_space<vmem_shared>>) offsets(%dma_start3A_105 : memref<128xi32, #tpu.memory_space<vmem>>) semaphore(%arg10 : memref<!tpu.dma_semaphore, #tpu.memory_space<semaphore_mem>>) {add = true}
      %dma_start3A_108 = arith.constant 6 : i32
      %dma_start3A_109 = arith.constant 0 : i32
      %dma_start3A_110 = tpu.memref_slice %arg5[%dma_start3A_108, %dma_start3A_109] : memref<8x128xi32, #tpu.memory_space<vmem>> -> memref<1x128xi32, #tpu.memory_space<vmem>>
      %dma_start3A_111 = tpu.memref_squeeze %dma_start3A_110 : memref<1x128xi32, #tpu.memory_space<vmem>> -> memref<128xi32, #tpu.memory_space<vmem>>
      %dma_start3A_112 = arith.constant 0 : i32
      %dma_start3A_113 = tpu.memref_slice %arg9[%dma_start3A_112] : memref<100352xf32, #tpu.memory_space<vmem_shared>> -> memref<100352xf32, #tpu.memory_space<vmem_shared>>
      tpu.enqueue_indirect_dma source(%arg7 : memref<128xf32, #tpu.memory_space<vmem>>) target(%dma_start3A_113 : memref<100352xf32, #tpu.memory_space<vmem_shared>>) offsets(%dma_start3A_111 : memref<128xi32, #tpu.memory_space<vmem>>) semaphore(%arg10 : memref<!tpu.dma_semaphore, #tpu.memory_space<semaphore_mem>>) {add = true}
      %dma_start3A_114 = arith.constant 7 : i32
      %dma_start3A_115 = arith.constant 0 : i32
      %dma_start3A_116 = tpu.memref_slice %arg5[%dma_start3A_114, %dma_start3A_115] : memref<8x128xi32, #tpu.memory_space<vmem>> -> memref<1x128xi32, #tpu.memory_space<vmem>>
      %dma_start3A_117 = tpu.memref_squeeze %dma_start3A_116 : memref<1x128xi32, #tpu.memory_space<vmem>> -> memref<128xi32, #tpu.memory_space<vmem>>
      %dma_start3A_118 = arith.constant 0 : i32
      %dma_start3A_119 = tpu.memref_slice %arg9[%dma_start3A_118] : memref<100352xf32, #tpu.memory_space<vmem_shared>> -> memref<100352xf32, #tpu.memory_space<vmem_shared>>
      tpu.enqueue_indirect_dma source(%arg7 : memref<128xf32, #tpu.memory_space<vmem>>) target(%dma_start3A_119 : memref<100352xf32, #tpu.memory_space<vmem_shared>>) offsets(%dma_start3A_117 : memref<128xi32, #tpu.memory_space<vmem>>) semaphore(%arg10 : memref<!tpu.dma_semaphore, #tpu.memory_space<semaphore_mem>>) {add = true}
      %mul3A_120 = arith.constant 2 : i32
      %mul3A_121 = arith.muli %mul3A_120, %scan3A_72 : i32
      %add3A_122 = arith.constant 1 : i32
      %add3A_123 = arith.addi %mul3A_121, %add3A_122 : i32
      %mul3A_124 = arith.constant 8 : i32
      %mul3A_125 = arith.muli %add3A_123, %mul3A_124 : i32
      %add3A_126 = arith.addi %mul3A_2, %mul3A_125 : i32
      "tpu.region"() ({
        %run_scoped3A = tpu.sem_alloc : memref<!tpu.dma_semaphore, #tpu.memory_space<semaphore_mem>>
        %dma_start3A_194 = arith.constant 0 : i32
        %dma_start3A_195 = tpu.memref_slice %arg2[%add3A_126, %dma_start3A_194] : memref<25088x128xi32, #tpu.memory_space<hbm>> -> memref<8x128xi32, #tpu.memory_space<hbm>>
        %dma_start3A_196 = arith.constant 0 : i32
        %dma_start3A_197 = tpu.memref_slice %arg2[%add3A_126, %dma_start3A_196] : memref<25088x128xi32, #tpu.memory_space<hbm>> -> memref<8x128xi32, #tpu.memory_space<hbm>>
        tpu.enqueue_dma source(%dma_start3A_197 : memref<8x128xi32, #tpu.memory_space<hbm>>) target(%arg6 : memref<8x128xi32, #tpu.memory_space<vmem>>) target_semaphore(%run_scoped3A : memref<!tpu.dma_semaphore, #tpu.memory_space<semaphore_mem>>)
        %dma_wait3A_198 = arith.constant 0 : i32
        %dma_wait3A_199 = tpu.memref_slice %arg2[%add3A_126, %dma_wait3A_198] : memref<25088x128xi32, #tpu.memory_space<hbm>> -> memref<8x128xi32, #tpu.memory_space<hbm>>
        %dma_wait3A_200 = arith.constant 0 : i32
        %dma_wait3A_201 = tpu.memref_slice %arg2[%add3A_126, %dma_wait3A_200] : memref<25088x128xi32, #tpu.memory_space<hbm>> -> memref<8x128xi32, #tpu.memory_space<hbm>>
        tpu.wait_dma2 semaphore(%run_scoped3A : memref<!tpu.dma_semaphore, #tpu.memory_space<semaphore_mem>>) src(%dma_wait3A_201 : memref<8x128xi32, #tpu.memory_space<hbm>>) dst(%arg6 : memref<8x128xi32, #tpu.memory_space<vmem>>)
        tpu.yield
      }) : () -> ()
      %dma_wait3A = arith.constant 0 : i32
      %dma_wait3A_127 = tpu.memref_slice %arg8[%dma_wait3A] : memref<6272xf32, #tpu.memory_space<vmem>> -> memref<1024xf32, #tpu.memory_space<vmem>>
      %dma_wait3A_128 = arith.constant 0 : i32
      %dma_wait3A_129 = tpu.memref_slice %arg3[%dma_wait3A_128] : memref<100352xf32, #tpu.memory_space<hbm>> -> memref<1024xf32, #tpu.memory_space<hbm>>
      %dma_wait3A_130 = arith.constant 0 : i32
      %dma_wait3A_131 = tpu.memref_slice %arg8[%dma_wait3A_130] : memref<6272xf32, #tpu.memory_space<vmem>> -> memref<1024xf32, #tpu.memory_space<vmem>>
      %dma_wait3A_132 = arith.constant 0 : i32
      %dma_wait3A_133 = tpu.memref_slice %arg3[%dma_wait3A_132] : memref<100352xf32, #tpu.memory_space<hbm>> -> memref<1024xf32, #tpu.memory_space<hbm>>
      tpu.wait_dma2 semaphore(%arg10 : memref<!tpu.dma_semaphore, #tpu.memory_space<semaphore_mem>>) src(%dma_wait3A_133 : memref<1024xf32, #tpu.memory_space<hbm>>) dst(%dma_wait3A_131 : memref<1024xf32, #tpu.memory_space<vmem>>)
      %dma_start3A_134 = arith.constant 0 : i32
      %dma_start3A_135 = arith.constant 0 : i32
      %dma_start3A_136 = tpu.memref_slice %arg6[%dma_start3A_134, %dma_start3A_135] : memref<8x128xi32, #tpu.memory_space<vmem>> -> memref<1x128xi32, #tpu.memory_space<vmem>>
      %dma_start3A_137 = tpu.memref_squeeze %dma_start3A_136 : memref<1x128xi32, #tpu.memory_space<vmem>> -> memref<128xi32, #tpu.memory_space<vmem>>
      %dma_start3A_138 = arith.constant 0 : i32
      %dma_start3A_139 = tpu.memref_slice %arg9[%dma_start3A_138] : memref<100352xf32, #tpu.memory_space<vmem_shared>> -> memref<100352xf32, #tpu.memory_space<vmem_shared>>
      tpu.enqueue_indirect_dma source(%arg7 : memref<128xf32, #tpu.memory_space<vmem>>) target(%dma_start3A_139 : memref<100352xf32, #tpu.memory_space<vmem_shared>>) offsets(%dma_start3A_137 : memref<128xi32, #tpu.memory_space<vmem>>) semaphore(%arg11 : memref<!tpu.dma_semaphore, #tpu.memory_space<semaphore_mem>>) {add = true}
      %dma_start3A_140 = arith.constant 1 : i32
      %dma_start3A_141 = arith.constant 0 : i32
      %dma_start3A_142 = tpu.memref_slice %arg6[%dma_start3A_140, %dma_start3A_141] : memref<8x128xi32, #tpu.memory_space<vmem>> -> memref<1x128xi32, #tpu.memory_space<vmem>>
      %dma_start3A_143 = tpu.memref_squeeze %dma_start3A_142 : memref<1x128xi32, #tpu.memory_space<vmem>> -> memref<128xi32, #tpu.memory_space<vmem>>
      %dma_start3A_144 = arith.constant 0 : i32
      %dma_start3A_145 = tpu.memref_slice %arg9[%dma_start3A_144] : memref<100352xf32, #tpu.memory_space<vmem_shared>> -> memref<100352xf32, #tpu.memory_space<vmem_shared>>
      tpu.enqueue_indirect_dma source(%arg7 : memref<128xf32, #tpu.memory_space<vmem>>) target(%dma_start3A_145 : memref<100352xf32, #tpu.memory_space<vmem_shared>>) offsets(%dma_start3A_143 : memref<128xi32, #tpu.memory_space<vmem>>) semaphore(%arg11 : memref<!tpu.dma_semaphore, #tpu.memory_space<semaphore_mem>>) {add = true}
      %dma_start3A_146 = arith.constant 2 : i32
      %dma_start3A_147 = arith.constant 0 : i32
      %dma_start3A_148 = tpu.memref_slice %arg6[%dma_start3A_146, %dma_start3A_147] : memref<8x128xi32, #tpu.memory_space<vmem>> -> memref<1x128xi32, #tpu.memory_space<vmem>>
      %dma_start3A_149 = tpu.memref_squeeze %dma_start3A_148 : memref<1x128xi32, #tpu.memory_space<vmem>> -> memref<128xi32, #tpu.memory_space<vmem>>
      %dma_start3A_150 = arith.constant 0 : i32
      %dma_start3A_151 = tpu.memref_slice %arg9[%dma_start3A_150] : memref<100352xf32, #tpu.memory_space<vmem_shared>> -> memref<100352xf32, #tpu.memory_space<vmem_shared>>
      tpu.enqueue_indirect_dma source(%arg7 : memref<128xf32, #tpu.memory_space<vmem>>) target(%dma_start3A_151 : memref<100352xf32, #tpu.memory_space<vmem_shared>>) offsets(%dma_start3A_149 : memref<128xi32, #tpu.memory_space<vmem>>) semaphore(%arg11 : memref<!tpu.dma_semaphore, #tpu.memory_space<semaphore_mem>>) {add = true}
      %dma_start3A_152 = arith.constant 3 : i32
      %dma_start3A_153 = arith.constant 0 : i32
      %dma_start3A_154 = tpu.memref_slice %arg6[%dma_start3A_152, %dma_start3A_153] : memref<8x128xi32, #tpu.memory_space<vmem>> -> memref<1x128xi32, #tpu.memory_space<vmem>>
      %dma_start3A_155 = tpu.memref_squeeze %dma_start3A_154 : memref<1x128xi32, #tpu.memory_space<vmem>> -> memref<128xi32, #tpu.memory_space<vmem>>
      %dma_start3A_156 = arith.constant 0 : i32
      %dma_start3A_157 = tpu.memref_slice %arg9[%dma_start3A_156] : memref<100352xf32, #tpu.memory_space<vmem_shared>> -> memref<100352xf32, #tpu.memory_space<vmem_shared>>
      tpu.enqueue_indirect_dma source(%arg7 : memref<128xf32, #tpu.memory_space<vmem>>) target(%dma_start3A_157 : memref<100352xf32, #tpu.memory_space<vmem_shared>>) offsets(%dma_start3A_155 : memref<128xi32, #tpu.memory_space<vmem>>) semaphore(%arg11 : memref<!tpu.dma_semaphore, #tpu.memory_space<semaphore_mem>>) {add = true}
      %dma_start3A_158 = arith.constant 4 : i32
      %dma_start3A_159 = arith.constant 0 : i32
      %dma_start3A_160 = tpu.memref_slice %arg6[%dma_start3A_158, %dma_start3A_159] : memref<8x128xi32, #tpu.memory_space<vmem>> -> memref<1x128xi32, #tpu.memory_space<vmem>>
      %dma_start3A_161 = tpu.memref_squeeze %dma_start3A_160 : memref<1x128xi32, #tpu.memory_space<vmem>> -> memref<128xi32, #tpu.memory_space<vmem>>
      %dma_start3A_162 = arith.constant 0 : i32
      %dma_start3A_163 = tpu.memref_slice %arg9[%dma_start3A_162] : memref<100352xf32, #tpu.memory_space<vmem_shared>> -> memref<100352xf32, #tpu.memory_space<vmem_shared>>
      tpu.enqueue_indirect_dma source(%arg7 : memref<128xf32, #tpu.memory_space<vmem>>) target(%dma_start3A_163 : memref<100352xf32, #tpu.memory_space<vmem_shared>>) offsets(%dma_start3A_161 : memref<128xi32, #tpu.memory_space<vmem>>) semaphore(%arg11 : memref<!tpu.dma_semaphore, #tpu.memory_space<semaphore_mem>>) {add = true}
      %dma_start3A_164 = arith.constant 5 : i32
      %dma_start3A_165 = arith.constant 0 : i32
      %dma_start3A_166 = tpu.memref_slice %arg6[%dma_start3A_164, %dma_start3A_165] : memref<8x128xi32, #tpu.memory_space<vmem>> -> memref<1x128xi32, #tpu.memory_space<vmem>>
      %dma_start3A_167 = tpu.memref_squeeze %dma_start3A_166 : memref<1x128xi32, #tpu.memory_space<vmem>> -> memref<128xi32, #tpu.memory_space<vmem>>
      %dma_start3A_168 = arith.constant 0 : i32
      %dma_start3A_169 = tpu.memref_slice %arg9[%dma_start3A_168] : memref<100352xf32, #tpu.memory_space<vmem_shared>> -> memref<100352xf32, #tpu.memory_space<vmem_shared>>
      tpu.enqueue_indirect_dma source(%arg7 : memref<128xf32, #tpu.memory_space<vmem>>) target(%dma_start3A_169 : memref<100352xf32, #tpu.memory_space<vmem_shared>>) offsets(%dma_start3A_167 : memref<128xi32, #tpu.memory_space<vmem>>) semaphore(%arg11 : memref<!tpu.dma_semaphore, #tpu.memory_space<semaphore_mem>>) {add = true}
      %dma_start3A_170 = arith.constant 6 : i32
      %dma_start3A_171 = arith.constant 0 : i32
      %dma_start3A_172 = tpu.memref_slice %arg6[%dma_start3A_170, %dma_start3A_171] : memref<8x128xi32, #tpu.memory_space<vmem>> -> memref<1x128xi32, #tpu.memory_space<vmem>>
      %dma_start3A_173 = tpu.memref_squeeze %dma_start3A_172 : memref<1x128xi32, #tpu.memory_space<vmem>> -> memref<128xi32, #tpu.memory_space<vmem>>
      %dma_start3A_174 = arith.constant 0 : i32
      %dma_start3A_175 = tpu.memref_slice %arg9[%dma_start3A_174] : memref<100352xf32, #tpu.memory_space<vmem_shared>> -> memref<100352xf32, #tpu.memory_space<vmem_shared>>
      tpu.enqueue_indirect_dma source(%arg7 : memref<128xf32, #tpu.memory_space<vmem>>) target(%dma_start3A_175 : memref<100352xf32, #tpu.memory_space<vmem_shared>>) offsets(%dma_start3A_173 : memref<128xi32, #tpu.memory_space<vmem>>) semaphore(%arg11 : memref<!tpu.dma_semaphore, #tpu.memory_space<semaphore_mem>>) {add = true}
      %dma_start3A_176 = arith.constant 7 : i32
      %dma_start3A_177 = arith.constant 0 : i32
      %dma_start3A_178 = tpu.memref_slice %arg6[%dma_start3A_176, %dma_start3A_177] : memref<8x128xi32, #tpu.memory_space<vmem>> -> memref<1x128xi32, #tpu.memory_space<vmem>>
      %dma_start3A_179 = tpu.memref_squeeze %dma_start3A_178 : memref<1x128xi32, #tpu.memory_space<vmem>> -> memref<128xi32, #tpu.memory_space<vmem>>
      %dma_start3A_180 = arith.constant 0 : i32
      %dma_start3A_181 = tpu.memref_slice %arg9[%dma_start3A_180] : memref<100352xf32, #tpu.memory_space<vmem_shared>> -> memref<100352xf32, #tpu.memory_space<vmem_shared>>
      tpu.enqueue_indirect_dma source(%arg7 : memref<128xf32, #tpu.memory_space<vmem>>) target(%dma_start3A_181 : memref<100352xf32, #tpu.memory_space<vmem_shared>>) offsets(%dma_start3A_179 : memref<128xi32, #tpu.memory_space<vmem>>) semaphore(%arg11 : memref<!tpu.dma_semaphore, #tpu.memory_space<semaphore_mem>>) {add = true}
      %lt3A = arith.constant 48 : i32
      %lt3A_182 = arith.cmpi slt, %scan3A_72, %lt3A : i32
      %convert_element_type3A_183 = arith.extui %lt3A_182 : i1 to i32
      %cond3A_184 = arith.constant 0 : i32
      %cond3A_185 = arith.cmpi ne, %convert_element_type3A_183, %cond3A_184 : i32
      scf.if %cond3A_185 {
        %mul3A_194 = arith.constant 2 : i32
        %mul3A_195 = arith.muli %mul3A_194, %scan3A_72 : i32
        %add3A_196 = arith.constant 2 : i32
        %add3A_197 = arith.addi %mul3A_195, %add3A_196 : i32
        %mul3A_198 = arith.constant 8 : i32
        %mul3A_199 = arith.muli %add3A_197, %mul3A_198 : i32
        %add3A_200 = arith.addi %mul3A_2, %mul3A_199 : i32
        "tpu.region"() ({
          %run_scoped3A = tpu.sem_alloc : memref<!tpu.dma_semaphore, #tpu.memory_space<semaphore_mem>>
          %dma_start3A_201 = arith.constant 0 : i32
          %dma_start3A_202 = tpu.memref_slice %arg2[%add3A_200, %dma_start3A_201] : memref<25088x128xi32, #tpu.memory_space<hbm>> -> memref<8x128xi32, #tpu.memory_space<hbm>>
          %dma_start3A_203 = arith.constant 0 : i32
          %dma_start3A_204 = tpu.memref_slice %arg2[%add3A_200, %dma_start3A_203] : memref<25088x128xi32, #tpu.memory_space<hbm>> -> memref<8x128xi32, #tpu.memory_space<hbm>>
          tpu.enqueue_dma source(%dma_start3A_204 : memref<8x128xi32, #tpu.memory_space<hbm>>) target(%arg5 : memref<8x128xi32, #tpu.memory_space<vmem>>) target_semaphore(%run_scoped3A : memref<!tpu.dma_semaphore, #tpu.memory_space<semaphore_mem>>)
          %dma_wait3A_205 = arith.constant 0 : i32
          %dma_wait3A_206 = tpu.memref_slice %arg2[%add3A_200, %dma_wait3A_205] : memref<25088x128xi32, #tpu.memory_space<hbm>> -> memref<8x128xi32, #tpu.memory_space<hbm>>
          %dma_wait3A_207 = arith.constant 0 : i32
          %dma_wait3A_208 = tpu.memref_slice %arg2[%add3A_200, %dma_wait3A_207] : memref<25088x128xi32, #tpu.memory_space<hbm>> -> memref<8x128xi32, #tpu.memory_space<hbm>>
          tpu.wait_dma2 semaphore(%run_scoped3A : memref<!tpu.dma_semaphore, #tpu.memory_space<semaphore_mem>>) src(%dma_wait3A_208 : memref<8x128xi32, #tpu.memory_space<hbm>>) dst(%arg5 : memref<8x128xi32, #tpu.memory_space<vmem>>)
          tpu.yield
        }) : () -> ()
      } else {
      }
      %dma_wait3A_186 = arith.constant 0 : i32
      %dma_wait3A_187 = tpu.memref_slice %arg8[%dma_wait3A_186] : memref<6272xf32, #tpu.memory_space<vmem>> -> memref<1024xf32, #tpu.memory_space<vmem>>
      %dma_wait3A_188 = arith.constant 0 : i32
      %dma_wait3A_189 = tpu.memref_slice %arg3[%dma_wait3A_188] : memref<100352xf32, #tpu.memory_space<hbm>> -> memref<1024xf32, #tpu.memory_space<hbm>>
      %dma_wait3A_190 = arith.constant 0 : i32
      %dma_wait3A_191 = tpu.memref_slice %arg8[%dma_wait3A_190] : memref<6272xf32, #tpu.memory_space<vmem>> -> memref<1024xf32, #tpu.memory_space<vmem>>
      %dma_wait3A_192 = arith.constant 0 : i32
      %dma_wait3A_193 = tpu.memref_slice %arg3[%dma_wait3A_192] : memref<100352xf32, #tpu.memory_space<hbm>> -> memref<1024xf32, #tpu.memory_space<hbm>>
      tpu.wait_dma2 semaphore(%arg11 : memref<!tpu.dma_semaphore, #tpu.memory_space<semaphore_mem>>) src(%dma_wait3A_193 : memref<1024xf32, #tpu.memory_space<hbm>>) dst(%dma_wait3A_191 : memref<1024xf32, #tpu.memory_space<vmem>>)
    }
    %scan3A_61 = arith.constant 49 : i32
    %barrier3A_62 = arith.constant 0 : index
    tpu.barrier barrier_id(%barrier3A_62)
    %mul3A_63 = arith.constant 6272 : i32
    %mul3A_64 = arith.muli %arg1, %mul3A_63 : i32
    "tpu.region"() ({
      %run_scoped3A = tpu.sem_alloc : memref<!tpu.dma_semaphore, #tpu.memory_space<semaphore_mem>>
      %dma_start3A = tpu.memref_slice %arg9[%mul3A_64] : memref<100352xf32, #tpu.memory_space<vmem_shared>> -> memref<6272xf32, #tpu.memory_space<vmem_shared>>
      %dma_start3A_72 = tpu.memref_slice %arg9[%mul3A_64] : memref<100352xf32, #tpu.memory_space<vmem_shared>> -> memref<6272xf32, #tpu.memory_space<vmem_shared>>
      tpu.enqueue_dma source(%dma_start3A_72 : memref<6272xf32, #tpu.memory_space<vmem_shared>>) target(%arg8 : memref<6272xf32, #tpu.memory_space<vmem>>) target_semaphore(%run_scoped3A : memref<!tpu.dma_semaphore, #tpu.memory_space<semaphore_mem>>)
      %dma_wait3A = tpu.memref_slice %arg9[%mul3A_64] : memref<100352xf32, #tpu.memory_space<vmem_shared>> -> memref<6272xf32, #tpu.memory_space<vmem_shared>>
      %dma_wait3A_73 = tpu.memref_slice %arg9[%mul3A_64] : memref<100352xf32, #tpu.memory_space<vmem_shared>> -> memref<6272xf32, #tpu.memory_space<vmem_shared>>
      tpu.wait_dma2 semaphore(%run_scoped3A : memref<!tpu.dma_semaphore, #tpu.memory_space<semaphore_mem>>) src(%dma_wait3A_73 : memref<6272xf32, #tpu.memory_space<vmem_shared>>) dst(%arg8 : memref<6272xf32, #tpu.memory_space<vmem>>)
      tpu.yield
    }) : () -> ()
    %eq3A = arith.constant 0 : i32
    %eq3A_65 = arith.cmpi eq, %arg0, %eq3A : i32
    %convert_element_type3A = arith.extui %eq3A_65 : i1 to i32
    %cond3A = arith.constant 0 : i32
    %cond3A_66 = arith.cmpi ne, %convert_element_type3A, %cond3A : i32
    scf.if %cond3A_66 {
      %mul3A_72 = arith.constant 6272 : i32
      %mul3A_73 = arith.muli %arg1, %mul3A_72 : i32
      "tpu.region"() ({
        %run_scoped3A = tpu.sem_alloc : memref<!tpu.dma_semaphore, #tpu.memory_space<semaphore_mem>>
        %dma_start3A = tpu.memref_slice %arg3[%mul3A_73] : memref<100352xf32, #tpu.memory_space<hbm>> -> memref<6272xf32, #tpu.memory_space<hbm>>
        %dma_start3A_74 = tpu.memref_slice %arg3[%mul3A_73] : memref<100352xf32, #tpu.memory_space<hbm>> -> memref<6272xf32, #tpu.memory_space<hbm>>
        tpu.enqueue_dma source(%arg8 : memref<6272xf32, #tpu.memory_space<vmem>>) target(%dma_start3A_74 : memref<6272xf32, #tpu.memory_space<hbm>>) target_semaphore(%run_scoped3A : memref<!tpu.dma_semaphore, #tpu.memory_space<semaphore_mem>>)
        %dma_wait3A = tpu.memref_slice %arg3[%mul3A_73] : memref<100352xf32, #tpu.memory_space<hbm>> -> memref<6272xf32, #tpu.memory_space<hbm>>
        %dma_wait3A_75 = tpu.memref_slice %arg3[%mul3A_73] : memref<100352xf32, #tpu.memory_space<hbm>> -> memref<6272xf32, #tpu.memory_space<hbm>>
        tpu.wait_dma2 semaphore(%run_scoped3A : memref<!tpu.dma_semaphore, #tpu.memory_space<semaphore_mem>>) src(%arg8 : memref<6272xf32, #tpu.memory_space<vmem>>) dst(%dma_wait3A_75 : memref<6272xf32, #tpu.memory_space<hbm>>)
        tpu.yield
      }) : () -> ()
    } else {
    }
    %eq3A_67 = arith.constant 1 : i32
    %eq3A_68 = arith.cmpi eq, %arg0, %eq3A_67 : i32
    %convert_element_type3A_69 = arith.extui %eq3A_68 : i1 to i32
    %cond3A_70 = arith.constant 0 : i32
    %cond3A_71 = arith.cmpi ne, %convert_element_type3A_69, %cond3A_70 : i32
    scf.if %cond3A_71 {
      %mul3A_72 = arith.constant 6272 : i32
      %mul3A_73 = arith.muli %arg1, %mul3A_72 : i32
      "tpu.region"() ({
        %run_scoped3A = tpu.sem_alloc : memref<!tpu.dma_semaphore, #tpu.memory_space<semaphore_mem>>
        %dma_start3A = tpu.memref_slice %arg4[%mul3A_73] : memref<100352xf32, #tpu.memory_space<hbm>> -> memref<6272xf32, #tpu.memory_space<hbm>>
        %dma_start3A_74 = tpu.memref_slice %arg4[%mul3A_73] : memref<100352xf32, #tpu.memory_space<hbm>> -> memref<6272xf32, #tpu.memory_space<hbm>>
        tpu.enqueue_dma source(%arg8 : memref<6272xf32, #tpu.memory_space<vmem>>) target(%dma_start3A_74 : memref<6272xf32, #tpu.memory_space<hbm>>) target_semaphore(%run_scoped3A : memref<!tpu.dma_semaphore, #tpu.memory_space<semaphore_mem>>)
        %dma_wait3A = tpu.memref_slice %arg4[%mul3A_73] : memref<100352xf32, #tpu.memory_space<hbm>> -> memref<6272xf32, #tpu.memory_space<hbm>>
        %dma_wait3A_75 = tpu.memref_slice %arg4[%mul3A_73] : memref<100352xf32, #tpu.memory_space<hbm>> -> memref<6272xf32, #tpu.memory_space<hbm>>
        tpu.wait_dma2 semaphore(%run_scoped3A : memref<!tpu.dma_semaphore, #tpu.memory_space<semaphore_mem>>) src(%arg8 : memref<6272xf32, #tpu.memory_space<vmem>>) dst(%dma_wait3A_75 : memref<6272xf32, #tpu.memory_space<hbm>>)
        tpu.yield
      }) : () -> ()
    } else {
    }
    return
  }
}

#map = affine_map<(d0, d1) -> (0, 0)>
module attributes {stable_mosaic.version = 14 : i64} {
  func.func @gcn_scatter2(%arg0: i32, %arg1: i32, %arg2: memref<25088x128xi32, #tpu.memory_space<hbm>>, %arg3: memref<25088x128xi32, #tpu.memory_space<hbm>>, %arg4: memref<100352x8xf32, #tpu.memory_space<hbm>>, %arg5: memref<100352x8xf32, #tpu.memory_space<hbm>>, %arg6: memref<100352x8xf32, #tpu.memory_space<hbm>>, %arg7: memref<100352x8xf32, #tpu.memory_space<hbm>>, %arg8: memref<8x128xi32, #tpu.memory_space<vmem>>, %arg9: memref<8x128xi32, #tpu.memory_space<vmem>>, %arg10: memref<8x128xi32, #tpu.memory_space<vmem>>, %arg11: memref<8x128xi32, #tpu.memory_space<vmem>>, %arg12: memref<1024x8xf32, #tpu.memory_space<vmem>>, %arg13: memref<392x8xf32, #tpu.memory_space<vmem>>, %arg14: memref<100352x8xf32, #tpu.memory_space<vmem_shared>>, %arg15: memref<!tpu.dma_semaphore, #tpu.memory_space<semaphore_mem>>, %arg16: memref<!tpu.dma_semaphore, #tpu.memory_space<semaphore_mem>>) attributes {dimension_semantics = [#tpu.dimension_semantics<core_parallel>, #tpu.dimension_semantics<subcore_parallel>], iteration_bounds = array<i64: 2, 16>, scalar_prefetch = 0 : i64, scratch_operands = 9 : i64, tpu.core_type = #tpu.core_type<sc_vector_subcore>, window_params = [{transform_indices = #map}, {transform_indices = #map}, {transform_indices = #map}, {transform_indices = #map}, {transform_indices = #map}, {transform_indices = #map}]} {
    %mul3A = arith.constant 16 : i32
    %mul3A_0 = arith.muli %arg0, %mul3A : i32
    %add3A = arith.addi %mul3A_0, %arg1 : i32
    %mul3A_1 = arith.constant 784 : i32
    %mul3A_2 = arith.muli %add3A, %mul3A_1 : i32
    %scan3A = arith.constant 0 : i32
    %scan3A_3 = arith.constant 0 : i32
    %scan3A_4 = arith.constant 16 : i32
    %scan3A_5 = arith.addi %scan3A_3, %scan3A_4 : i32
    %scan3A_6 = arith.constant 1 : i32
    scf.for %scan3A_21 = %scan3A_3 to %scan3A_5 step %scan3A_6  : i32 {
      %mul3A_22 = arith.constant 6272 : i32
      %mul3A_23 = arith.muli %arg1, %mul3A_22 : i32
      %mul3A_24 = arith.constant 392 : i32
      %mul3A_25 = arith.muli %scan3A_21, %mul3A_24 : i32
      %add3A_26 = arith.addi %mul3A_23, %mul3A_25 : i32
      "tpu.region"() ({
        %run_scoped3A = tpu.sem_alloc : memref<!tpu.dma_semaphore, #tpu.memory_space<semaphore_mem>>
        %dma_start3A = arith.constant 0 : i32
        %dma_start3A_27 = tpu.memref_slice %arg5[%add3A_26, %dma_start3A] : memref<100352x8xf32, #tpu.memory_space<hbm>> -> memref<392x8xf32, #tpu.memory_space<hbm>>
        %dma_start3A_28 = arith.constant 0 : i32
        %dma_start3A_29 = tpu.memref_slice %arg5[%add3A_26, %dma_start3A_28] : memref<100352x8xf32, #tpu.memory_space<hbm>> -> memref<392x8xf32, #tpu.memory_space<hbm>>
        tpu.enqueue_dma source(%dma_start3A_29 : memref<392x8xf32, #tpu.memory_space<hbm>>) target(%arg13 : memref<392x8xf32, #tpu.memory_space<vmem>>) target_semaphore(%run_scoped3A : memref<!tpu.dma_semaphore, #tpu.memory_space<semaphore_mem>>)
        %dma_wait3A = arith.constant 0 : i32
        %dma_wait3A_30 = tpu.memref_slice %arg5[%add3A_26, %dma_wait3A] : memref<100352x8xf32, #tpu.memory_space<hbm>> -> memref<392x8xf32, #tpu.memory_space<hbm>>
        %dma_wait3A_31 = arith.constant 0 : i32
        %dma_wait3A_32 = tpu.memref_slice %arg5[%add3A_26, %dma_wait3A_31] : memref<100352x8xf32, #tpu.memory_space<hbm>> -> memref<392x8xf32, #tpu.memory_space<hbm>>
        tpu.wait_dma2 semaphore(%run_scoped3A : memref<!tpu.dma_semaphore, #tpu.memory_space<semaphore_mem>>) src(%dma_wait3A_32 : memref<392x8xf32, #tpu.memory_space<hbm>>) dst(%arg13 : memref<392x8xf32, #tpu.memory_space<vmem>>)
        tpu.yield
      }) : () -> ()
      "tpu.region"() ({
        %run_scoped3A = tpu.sem_alloc : memref<!tpu.dma_semaphore, #tpu.memory_space<semaphore_mem>>
        %dma_start3A = arith.constant 0 : i32
        %dma_start3A_27 = tpu.memref_slice %arg14[%add3A_26, %dma_start3A] : memref<100352x8xf32, #tpu.memory_space<vmem_shared>> -> memref<392x8xf32, #tpu.memory_space<vmem_shared>>
        %dma_start3A_28 = arith.constant 0 : i32
        %dma_start3A_29 = tpu.memref_slice %arg14[%add3A_26, %dma_start3A_28] : memref<100352x8xf32, #tpu.memory_space<vmem_shared>> -> memref<392x8xf32, #tpu.memory_space<vmem_shared>>
        tpu.enqueue_dma source(%arg13 : memref<392x8xf32, #tpu.memory_space<vmem>>) target(%dma_start3A_29 : memref<392x8xf32, #tpu.memory_space<vmem_shared>>) target_semaphore(%run_scoped3A : memref<!tpu.dma_semaphore, #tpu.memory_space<semaphore_mem>>)
        %dma_wait3A = arith.constant 0 : i32
        %dma_wait3A_30 = tpu.memref_slice %arg14[%add3A_26, %dma_wait3A] : memref<100352x8xf32, #tpu.memory_space<vmem_shared>> -> memref<392x8xf32, #tpu.memory_space<vmem_shared>>
        %dma_wait3A_31 = arith.constant 0 : i32
        %dma_wait3A_32 = tpu.memref_slice %arg14[%add3A_26, %dma_wait3A_31] : memref<100352x8xf32, #tpu.memory_space<vmem_shared>> -> memref<392x8xf32, #tpu.memory_space<vmem_shared>>
        tpu.wait_dma2 semaphore(%run_scoped3A : memref<!tpu.dma_semaphore, #tpu.memory_space<semaphore_mem>>) src(%arg13 : memref<392x8xf32, #tpu.memory_space<vmem>>) dst(%dma_wait3A_32 : memref<392x8xf32, #tpu.memory_space<vmem_shared>>)
        tpu.yield
      }) : () -> ()
    }
    %scan3A_7 = arith.constant 16 : i32
    %barrier3A = arith.constant 0 : index
    tpu.barrier barrier_id(%barrier3A)
    "tpu.region"() ({
      %run_scoped3A = tpu.sem_alloc : memref<!tpu.dma_semaphore, #tpu.memory_space<semaphore_mem>>
      %dma_start3A = arith.constant 0 : i32
      %dma_start3A_21 = tpu.memref_slice %arg2[%mul3A_2, %dma_start3A] : memref<25088x128xi32, #tpu.memory_space<hbm>> -> memref<8x128xi32, #tpu.memory_space<hbm>>
      %dma_start3A_22 = arith.constant 0 : i32
      %dma_start3A_23 = tpu.memref_slice %arg2[%mul3A_2, %dma_start3A_22] : memref<25088x128xi32, #tpu.memory_space<hbm>> -> memref<8x128xi32, #tpu.memory_space<hbm>>
      tpu.enqueue_dma source(%dma_start3A_23 : memref<8x128xi32, #tpu.memory_space<hbm>>) target(%arg8 : memref<8x128xi32, #tpu.memory_space<vmem>>) target_semaphore(%run_scoped3A : memref<!tpu.dma_semaphore, #tpu.memory_space<semaphore_mem>>)
      %dma_wait3A = arith.constant 0 : i32
      %dma_wait3A_24 = tpu.memref_slice %arg2[%mul3A_2, %dma_wait3A] : memref<25088x128xi32, #tpu.memory_space<hbm>> -> memref<8x128xi32, #tpu.memory_space<hbm>>
      %dma_wait3A_25 = arith.constant 0 : i32
      %dma_wait3A_26 = tpu.memref_slice %arg2[%mul3A_2, %dma_wait3A_25] : memref<25088x128xi32, #tpu.memory_space<hbm>> -> memref<8x128xi32, #tpu.memory_space<hbm>>
      tpu.wait_dma2 semaphore(%run_scoped3A : memref<!tpu.dma_semaphore, #tpu.memory_space<semaphore_mem>>) src(%dma_wait3A_26 : memref<8x128xi32, #tpu.memory_space<hbm>>) dst(%arg8 : memref<8x128xi32, #tpu.memory_space<vmem>>)
      tpu.yield
    }) : () -> ()
    "tpu.region"() ({
      %run_scoped3A = tpu.sem_alloc : memref<!tpu.dma_semaphore, #tpu.memory_space<semaphore_mem>>
      %dma_start3A = arith.constant 0 : i32
      %dma_start3A_21 = tpu.memref_slice %arg3[%mul3A_2, %dma_start3A] : memref<25088x128xi32, #tpu.memory_space<hbm>> -> memref<8x128xi32, #tpu.memory_space<hbm>>
      %dma_start3A_22 = arith.constant 0 : i32
      %dma_start3A_23 = tpu.memref_slice %arg3[%mul3A_2, %dma_start3A_22] : memref<25088x128xi32, #tpu.memory_space<hbm>> -> memref<8x128xi32, #tpu.memory_space<hbm>>
      tpu.enqueue_dma source(%dma_start3A_23 : memref<8x128xi32, #tpu.memory_space<hbm>>) target(%arg9 : memref<8x128xi32, #tpu.memory_space<vmem>>) target_semaphore(%run_scoped3A : memref<!tpu.dma_semaphore, #tpu.memory_space<semaphore_mem>>)
      %dma_wait3A = arith.constant 0 : i32
      %dma_wait3A_24 = tpu.memref_slice %arg3[%mul3A_2, %dma_wait3A] : memref<25088x128xi32, #tpu.memory_space<hbm>> -> memref<8x128xi32, #tpu.memory_space<hbm>>
      %dma_wait3A_25 = arith.constant 0 : i32
      %dma_wait3A_26 = tpu.memref_slice %arg3[%mul3A_2, %dma_wait3A_25] : memref<25088x128xi32, #tpu.memory_space<hbm>> -> memref<8x128xi32, #tpu.memory_space<hbm>>
      tpu.wait_dma2 semaphore(%run_scoped3A : memref<!tpu.dma_semaphore, #tpu.memory_space<semaphore_mem>>) src(%dma_wait3A_26 : memref<8x128xi32, #tpu.memory_space<hbm>>) dst(%arg9 : memref<8x128xi32, #tpu.memory_space<vmem>>)
      tpu.yield
    }) : () -> ()
    %scan3A_8 = arith.constant 0 : i32
    %scan3A_9 = arith.constant 0 : i32
    %scan3A_10 = arith.constant 49 : i32
    %scan3A_11 = arith.addi %scan3A_9, %scan3A_10 : i32
    %scan3A_12 = arith.constant 1 : i32
    scf.for %scan3A_21 = %scan3A_9 to %scan3A_11 step %scan3A_12  : i32 {
      %mul3A_22 = arith.constant 2 : i32
      %mul3A_23 = arith.muli %mul3A_22, %scan3A_21 : i32
      %add3A_24 = arith.constant 1 : i32
      %add3A_25 = arith.addi %mul3A_23, %add3A_24 : i32
      %mul3A_26 = arith.constant 8 : i32
      %mul3A_27 = arith.muli %add3A_25, %mul3A_26 : i32
      %add3A_28 = arith.addi %mul3A_2, %mul3A_27 : i32
      %dma_start3A = arith.constant 0 : i32
      %dma_start3A_29 = arith.constant 0 : i32
      %dma_start3A_30 = arith.constant 0 : i32
      %dma_start3A_31 = tpu.memref_slice %arg12[%dma_start3A_29, %dma_start3A_30] : memref<1024x8xf32, #tpu.memory_space<vmem>> -> memref<128x8xf32, #tpu.memory_space<vmem>>
      %dma_start3A_32 = arith.constant 0 : i32
      %dma_start3A_33 = tpu.memref_slice %arg8[%dma_start3A, %dma_start3A_32] : memref<8x128xi32, #tpu.memory_space<vmem>> -> memref<1x128xi32, #tpu.memory_space<vmem>>
      %dma_start3A_34 = tpu.memref_squeeze %dma_start3A_33 : memref<1x128xi32, #tpu.memory_space<vmem>> -> memref<128xi32, #tpu.memory_space<vmem>>
      %dma_start3A_35 = arith.constant 0 : i32
      %dma_start3A_36 = arith.constant 0 : i32
      %dma_start3A_37 = tpu.memref_slice %arg4[%dma_start3A_35, %dma_start3A_36] : memref<100352x8xf32, #tpu.memory_space<hbm>> -> memref<100352x8xf32, #tpu.memory_space<hbm>>
      tpu.enqueue_indirect_dma source(%dma_start3A_37 : memref<100352x8xf32, #tpu.memory_space<hbm>>) target(%dma_start3A_31 : memref<128x8xf32, #tpu.memory_space<vmem>>) offsets(%dma_start3A_34 : memref<128xi32, #tpu.memory_space<vmem>>) semaphore(%arg15 : memref<!tpu.dma_semaphore, #tpu.memory_space<semaphore_mem>>)
      %dma_start3A_38 = arith.constant 1 : i32
      %dma_start3A_39 = arith.constant 128 : i32
      %dma_start3A_40 = arith.constant 0 : i32
      %dma_start3A_41 = tpu.memref_slice %arg12[%dma_start3A_39, %dma_start3A_40] : memref<1024x8xf32, #tpu.memory_space<vmem>> -> memref<128x8xf32, #tpu.memory_space<vmem>>
      %dma_start3A_42 = arith.constant 0 : i32
      %dma_start3A_43 = tpu.memref_slice %arg8[%dma_start3A_38, %dma_start3A_42] : memref<8x128xi32, #tpu.memory_space<vmem>> -> memref<1x128xi32, #tpu.memory_space<vmem>>
      %dma_start3A_44 = tpu.memref_squeeze %dma_start3A_43 : memref<1x128xi32, #tpu.memory_space<vmem>> -> memref<128xi32, #tpu.memory_space<vmem>>
      %dma_start3A_45 = arith.constant 0 : i32
      %dma_start3A_46 = arith.constant 0 : i32
      %dma_start3A_47 = tpu.memref_slice %arg4[%dma_start3A_45, %dma_start3A_46] : memref<100352x8xf32, #tpu.memory_space<hbm>> -> memref<100352x8xf32, #tpu.memory_space<hbm>>
      tpu.enqueue_indirect_dma source(%dma_start3A_47 : memref<100352x8xf32, #tpu.memory_space<hbm>>) target(%dma_start3A_41 : memref<128x8xf32, #tpu.memory_space<vmem>>) offsets(%dma_start3A_44 : memref<128xi32, #tpu.memory_space<vmem>>) semaphore(%arg15 : memref<!tpu.dma_semaphore, #tpu.memory_space<semaphore_mem>>)
      %dma_start3A_48 = arith.constant 2 : i32
      %dma_start3A_49 = arith.constant 256 : i32
      %dma_start3A_50 = arith.constant 0 : i32
      %dma_start3A_51 = tpu.memref_slice %arg12[%dma_start3A_49, %dma_start3A_50] : memref<1024x8xf32, #tpu.memory_space<vmem>> -> memref<128x8xf32, #tpu.memory_space<vmem>>
      %dma_start3A_52 = arith.constant 0 : i32
      %dma_start3A_53 = tpu.memref_slice %arg8[%dma_start3A_48, %dma_start3A_52] : memref<8x128xi32, #tpu.memory_space<vmem>> -> memref<1x128xi32, #tpu.memory_space<vmem>>
      %dma_start3A_54 = tpu.memref_squeeze %dma_start3A_53 : memref<1x128xi32, #tpu.memory_space<vmem>> -> memref<128xi32, #tpu.memory_space<vmem>>
      %dma_start3A_55 = arith.constant 0 : i32
      %dma_start3A_56 = arith.constant 0 : i32
      %dma_start3A_57 = tpu.memref_slice %arg4[%dma_start3A_55, %dma_start3A_56] : memref<100352x8xf32, #tpu.memory_space<hbm>> -> memref<100352x8xf32, #tpu.memory_space<hbm>>
      tpu.enqueue_indirect_dma source(%dma_start3A_57 : memref<100352x8xf32, #tpu.memory_space<hbm>>) target(%dma_start3A_51 : memref<128x8xf32, #tpu.memory_space<vmem>>) offsets(%dma_start3A_54 : memref<128xi32, #tpu.memory_space<vmem>>) semaphore(%arg15 : memref<!tpu.dma_semaphore, #tpu.memory_space<semaphore_mem>>)
      %dma_start3A_58 = arith.constant 3 : i32
      %dma_start3A_59 = arith.constant 384 : i32
      %dma_start3A_60 = arith.constant 0 : i32
      %dma_start3A_61 = tpu.memref_slice %arg12[%dma_start3A_59, %dma_start3A_60] : memref<1024x8xf32, #tpu.memory_space<vmem>> -> memref<128x8xf32, #tpu.memory_space<vmem>>
      %dma_start3A_62 = arith.constant 0 : i32
      %dma_start3A_63 = tpu.memref_slice %arg8[%dma_start3A_58, %dma_start3A_62] : memref<8x128xi32, #tpu.memory_space<vmem>> -> memref<1x128xi32, #tpu.memory_space<vmem>>
      %dma_start3A_64 = tpu.memref_squeeze %dma_start3A_63 : memref<1x128xi32, #tpu.memory_space<vmem>> -> memref<128xi32, #tpu.memory_space<vmem>>
      %dma_start3A_65 = arith.constant 0 : i32
      %dma_start3A_66 = arith.constant 0 : i32
      %dma_start3A_67 = tpu.memref_slice %arg4[%dma_start3A_65, %dma_start3A_66] : memref<100352x8xf32, #tpu.memory_space<hbm>> -> memref<100352x8xf32, #tpu.memory_space<hbm>>
      tpu.enqueue_indirect_dma source(%dma_start3A_67 : memref<100352x8xf32, #tpu.memory_space<hbm>>) target(%dma_start3A_61 : memref<128x8xf32, #tpu.memory_space<vmem>>) offsets(%dma_start3A_64 : memref<128xi32, #tpu.memory_space<vmem>>) semaphore(%arg15 : memref<!tpu.dma_semaphore, #tpu.memory_space<semaphore_mem>>)
      %dma_start3A_68 = arith.constant 4 : i32
      %dma_start3A_69 = arith.constant 512 : i32
      %dma_start3A_70 = arith.constant 0 : i32
      %dma_start3A_71 = tpu.memref_slice %arg12[%dma_start3A_69, %dma_start3A_70] : memref<1024x8xf32, #tpu.memory_space<vmem>> -> memref<128x8xf32, #tpu.memory_space<vmem>>
      %dma_start3A_72 = arith.constant 0 : i32
      %dma_start3A_73 = tpu.memref_slice %arg8[%dma_start3A_68, %dma_start3A_72] : memref<8x128xi32, #tpu.memory_space<vmem>> -> memref<1x128xi32, #tpu.memory_space<vmem>>
      %dma_start3A_74 = tpu.memref_squeeze %dma_start3A_73 : memref<1x128xi32, #tpu.memory_space<vmem>> -> memref<128xi32, #tpu.memory_space<vmem>>
      %dma_start3A_75 = arith.constant 0 : i32
      %dma_start3A_76 = arith.constant 0 : i32
      %dma_start3A_77 = tpu.memref_slice %arg4[%dma_start3A_75, %dma_start3A_76] : memref<100352x8xf32, #tpu.memory_space<hbm>> -> memref<100352x8xf32, #tpu.memory_space<hbm>>
      tpu.enqueue_indirect_dma source(%dma_start3A_77 : memref<100352x8xf32, #tpu.memory_space<hbm>>) target(%dma_start3A_71 : memref<128x8xf32, #tpu.memory_space<vmem>>) offsets(%dma_start3A_74 : memref<128xi32, #tpu.memory_space<vmem>>) semaphore(%arg15 : memref<!tpu.dma_semaphore, #tpu.memory_space<semaphore_mem>>)
      %dma_start3A_78 = arith.constant 5 : i32
      %dma_start3A_79 = arith.constant 640 : i32
      %dma_start3A_80 = arith.constant 0 : i32
      %dma_start3A_81 = tpu.memref_slice %arg12[%dma_start3A_79, %dma_start3A_80] : memref<1024x8xf32, #tpu.memory_space<vmem>> -> memref<128x8xf32, #tpu.memory_space<vmem>>
      %dma_start3A_82 = arith.constant 0 : i32
      %dma_start3A_83 = tpu.memref_slice %arg8[%dma_start3A_78, %dma_start3A_82] : memref<8x128xi32, #tpu.memory_space<vmem>> -> memref<1x128xi32, #tpu.memory_space<vmem>>
      %dma_start3A_84 = tpu.memref_squeeze %dma_start3A_83 : memref<1x128xi32, #tpu.memory_space<vmem>> -> memref<128xi32, #tpu.memory_space<vmem>>
      %dma_start3A_85 = arith.constant 0 : i32
      %dma_start3A_86 = arith.constant 0 : i32
      %dma_start3A_87 = tpu.memref_slice %arg4[%dma_start3A_85, %dma_start3A_86] : memref<100352x8xf32, #tpu.memory_space<hbm>> -> memref<100352x8xf32, #tpu.memory_space<hbm>>
      tpu.enqueue_indirect_dma source(%dma_start3A_87 : memref<100352x8xf32, #tpu.memory_space<hbm>>) target(%dma_start3A_81 : memref<128x8xf32, #tpu.memory_space<vmem>>) offsets(%dma_start3A_84 : memref<128xi32, #tpu.memory_space<vmem>>) semaphore(%arg15 : memref<!tpu.dma_semaphore, #tpu.memory_space<semaphore_mem>>)
      %dma_start3A_88 = arith.constant 6 : i32
      %dma_start3A_89 = arith.constant 768 : i32
      %dma_start3A_90 = arith.constant 0 : i32
      %dma_start3A_91 = tpu.memref_slice %arg12[%dma_start3A_89, %dma_start3A_90] : memref<1024x8xf32, #tpu.memory_space<vmem>> -> memref<128x8xf32, #tpu.memory_space<vmem>>
      %dma_start3A_92 = arith.constant 0 : i32
      %dma_start3A_93 = tpu.memref_slice %arg8[%dma_start3A_88, %dma_start3A_92] : memref<8x128xi32, #tpu.memory_space<vmem>> -> memref<1x128xi32, #tpu.memory_space<vmem>>
      %dma_start3A_94 = tpu.memref_squeeze %dma_start3A_93 : memref<1x128xi32, #tpu.memory_space<vmem>> -> memref<128xi32, #tpu.memory_space<vmem>>
      %dma_start3A_95 = arith.constant 0 : i32
      %dma_start3A_96 = arith.constant 0 : i32
      %dma_start3A_97 = tpu.memref_slice %arg4[%dma_start3A_95, %dma_start3A_96] : memref<100352x8xf32, #tpu.memory_space<hbm>> -> memref<100352x8xf32, #tpu.memory_space<hbm>>
      tpu.enqueue_indirect_dma source(%dma_start3A_97 : memref<100352x8xf32, #tpu.memory_space<hbm>>) target(%dma_start3A_91 : memref<128x8xf32, #tpu.memory_space<vmem>>) offsets(%dma_start3A_94 : memref<128xi32, #tpu.memory_space<vmem>>) semaphore(%arg15 : memref<!tpu.dma_semaphore, #tpu.memory_space<semaphore_mem>>)
      %dma_start3A_98 = arith.constant 7 : i32
      %dma_start3A_99 = arith.constant 896 : i32
      %dma_start3A_100 = arith.constant 0 : i32
      %dma_start3A_101 = tpu.memref_slice %arg12[%dma_start3A_99, %dma_start3A_100] : memref<1024x8xf32, #tpu.memory_space<vmem>> -> memref<128x8xf32, #tpu.memory_space<vmem>>
      %dma_start3A_102 = arith.constant 0 : i32
      %dma_start3A_103 = tpu.memref_slice %arg8[%dma_start3A_98, %dma_start3A_102] : memref<8x128xi32, #tpu.memory_space<vmem>> -> memref<1x128xi32, #tpu.memory_space<vmem>>
      %dma_start3A_104 = tpu.memref_squeeze %dma_start3A_103 : memref<1x128xi32, #tpu.memory_space<vmem>> -> memref<128xi32, #tpu.memory_space<vmem>>
      %dma_start3A_105 = arith.constant 0 : i32
      %dma_start3A_106 = arith.constant 0 : i32
      %dma_start3A_107 = tpu.memref_slice %arg4[%dma_start3A_105, %dma_start3A_106] : memref<100352x8xf32, #tpu.memory_space<hbm>> -> memref<100352x8xf32, #tpu.memory_space<hbm>>
      tpu.enqueue_indirect_dma source(%dma_start3A_107 : memref<100352x8xf32, #tpu.memory_space<hbm>>) target(%dma_start3A_101 : memref<128x8xf32, #tpu.memory_space<vmem>>) offsets(%dma_start3A_104 : memref<128xi32, #tpu.memory_space<vmem>>) semaphore(%arg15 : memref<!tpu.dma_semaphore, #tpu.memory_space<semaphore_mem>>)
      "tpu.region"() ({
        %run_scoped3A = tpu.sem_alloc : memref<!tpu.dma_semaphore, #tpu.memory_space<semaphore_mem>>
        %dma_start3A_380 = arith.constant 0 : i32
        %dma_start3A_381 = tpu.memref_slice %arg2[%add3A_28, %dma_start3A_380] : memref<25088x128xi32, #tpu.memory_space<hbm>> -> memref<8x128xi32, #tpu.memory_space<hbm>>
        %dma_start3A_382 = arith.constant 0 : i32
        %dma_start3A_383 = tpu.memref_slice %arg2[%add3A_28, %dma_start3A_382] : memref<25088x128xi32, #tpu.memory_space<hbm>> -> memref<8x128xi32, #tpu.memory_space<hbm>>
        tpu.enqueue_dma source(%dma_start3A_383 : memref<8x128xi32, #tpu.memory_space<hbm>>) target(%arg10 : memref<8x128xi32, #tpu.memory_space<vmem>>) target_semaphore(%run_scoped3A : memref<!tpu.dma_semaphore, #tpu.memory_space<semaphore_mem>>)
        %dma_wait3A_384 = arith.constant 0 : i32
        %dma_wait3A_385 = tpu.memref_slice %arg2[%add3A_28, %dma_wait3A_384] : memref<25088x128xi32, #tpu.memory_space<hbm>> -> memref<8x128xi32, #tpu.memory_space<hbm>>
        %dma_wait3A_386 = arith.constant 0 : i32
        %dma_wait3A_387 = tpu.memref_slice %arg2[%add3A_28, %dma_wait3A_386] : memref<25088x128xi32, #tpu.memory_space<hbm>> -> memref<8x128xi32, #tpu.memory_space<hbm>>
        tpu.wait_dma2 semaphore(%run_scoped3A : memref<!tpu.dma_semaphore, #tpu.memory_space<semaphore_mem>>) src(%dma_wait3A_387 : memref<8x128xi32, #tpu.memory_space<hbm>>) dst(%arg10 : memref<8x128xi32, #tpu.memory_space<vmem>>)
        tpu.yield
      }) : () -> ()
      "tpu.region"() ({
        %run_scoped3A = tpu.sem_alloc : memref<!tpu.dma_semaphore, #tpu.memory_space<semaphore_mem>>
        %dma_start3A_380 = arith.constant 0 : i32
        %dma_start3A_381 = tpu.memref_slice %arg3[%add3A_28, %dma_start3A_380] : memref<25088x128xi32, #tpu.memory_space<hbm>> -> memref<8x128xi32, #tpu.memory_space<hbm>>
        %dma_start3A_382 = arith.constant 0 : i32
        %dma_start3A_383 = tpu.memref_slice %arg3[%add3A_28, %dma_start3A_382] : memref<25088x128xi32, #tpu.memory_space<hbm>> -> memref<8x128xi32, #tpu.memory_space<hbm>>
        tpu.enqueue_dma source(%dma_start3A_383 : memref<8x128xi32, #tpu.memory_space<hbm>>) target(%arg11 : memref<8x128xi32, #tpu.memory_space<vmem>>) target_semaphore(%run_scoped3A : memref<!tpu.dma_semaphore, #tpu.memory_space<semaphore_mem>>)
        %dma_wait3A_384 = arith.constant 0 : i32
        %dma_wait3A_385 = tpu.memref_slice %arg3[%add3A_28, %dma_wait3A_384] : memref<25088x128xi32, #tpu.memory_space<hbm>> -> memref<8x128xi32, #tpu.memory_space<hbm>>
        %dma_wait3A_386 = arith.constant 0 : i32
        %dma_wait3A_387 = tpu.memref_slice %arg3[%add3A_28, %dma_wait3A_386] : memref<25088x128xi32, #tpu.memory_space<hbm>> -> memref<8x128xi32, #tpu.memory_space<hbm>>
        tpu.wait_dma2 semaphore(%run_scoped3A : memref<!tpu.dma_semaphore, #tpu.memory_space<semaphore_mem>>) src(%dma_wait3A_387 : memref<8x128xi32, #tpu.memory_space<hbm>>) dst(%arg11 : memref<8x128xi32, #tpu.memory_space<vmem>>)
        tpu.yield
      }) : () -> ()
      %dma_wait3A = arith.constant 0 : i32
      %dma_wait3A_108 = arith.constant 0 : i32
      %dma_wait3A_109 = tpu.memref_slice %arg4[%dma_wait3A, %dma_wait3A_108] : memref<100352x8xf32, #tpu.memory_space<hbm>> -> memref<1024x8xf32, #tpu.memory_space<hbm>>
      %dma_wait3A_110 = arith.constant 0 : i32
      %dma_wait3A_111 = arith.constant 0 : i32
      %dma_wait3A_112 = tpu.memref_slice %arg4[%dma_wait3A_110, %dma_wait3A_111] : memref<100352x8xf32, #tpu.memory_space<hbm>> -> memref<1024x8xf32, #tpu.memory_space<hbm>>
      tpu.wait_dma2 semaphore(%arg15 : memref<!tpu.dma_semaphore, #tpu.memory_space<semaphore_mem>>) src(%dma_wait3A_112 : memref<1024x8xf32, #tpu.memory_space<hbm>>) dst(%arg12 : memref<1024x8xf32, #tpu.memory_space<vmem>>)
      %dma_start3A_113 = arith.constant 0 : i32
      %dma_start3A_114 = arith.constant 0 : i32
      %dma_start3A_115 = arith.constant 0 : i32
      %dma_start3A_116 = tpu.memref_slice %arg12[%dma_start3A_114, %dma_start3A_115] : memref<1024x8xf32, #tpu.memory_space<vmem>> -> memref<128x8xf32, #tpu.memory_space<vmem>>
      %dma_start3A_117 = arith.constant 0 : i32
      %dma_start3A_118 = tpu.memref_slice %arg9[%dma_start3A_113, %dma_start3A_117] : memref<8x128xi32, #tpu.memory_space<vmem>> -> memref<1x128xi32, #tpu.memory_space<vmem>>
      %dma_start3A_119 = tpu.memref_squeeze %dma_start3A_118 : memref<1x128xi32, #tpu.memory_space<vmem>> -> memref<128xi32, #tpu.memory_space<vmem>>
      %dma_start3A_120 = arith.constant 0 : i32
      %dma_start3A_121 = arith.constant 0 : i32
      %dma_start3A_122 = tpu.memref_slice %arg14[%dma_start3A_120, %dma_start3A_121] : memref<100352x8xf32, #tpu.memory_space<vmem_shared>> -> memref<100352x8xf32, #tpu.memory_space<vmem_shared>>
      tpu.enqueue_indirect_dma source(%dma_start3A_116 : memref<128x8xf32, #tpu.memory_space<vmem>>) target(%dma_start3A_122 : memref<100352x8xf32, #tpu.memory_space<vmem_shared>>) offsets(%dma_start3A_119 : memref<128xi32, #tpu.memory_space<vmem>>) semaphore(%arg16 : memref<!tpu.dma_semaphore, #tpu.memory_space<semaphore_mem>>) {add = true}
      %dma_start3A_123 = arith.constant 1 : i32
      %dma_start3A_124 = arith.constant 128 : i32
      %dma_start3A_125 = arith.constant 0 : i32
      %dma_start3A_126 = tpu.memref_slice %arg12[%dma_start3A_124, %dma_start3A_125] : memref<1024x8xf32, #tpu.memory_space<vmem>> -> memref<128x8xf32, #tpu.memory_space<vmem>>
      %dma_start3A_127 = arith.constant 0 : i32
      %dma_start3A_128 = tpu.memref_slice %arg9[%dma_start3A_123, %dma_start3A_127] : memref<8x128xi32, #tpu.memory_space<vmem>> -> memref<1x128xi32, #tpu.memory_space<vmem>>
      %dma_start3A_129 = tpu.memref_squeeze %dma_start3A_128 : memref<1x128xi32, #tpu.memory_space<vmem>> -> memref<128xi32, #tpu.memory_space<vmem>>
      %dma_start3A_130 = arith.constant 0 : i32
      %dma_start3A_131 = arith.constant 0 : i32
      %dma_start3A_132 = tpu.memref_slice %arg14[%dma_start3A_130, %dma_start3A_131] : memref<100352x8xf32, #tpu.memory_space<vmem_shared>> -> memref<100352x8xf32, #tpu.memory_space<vmem_shared>>
      tpu.enqueue_indirect_dma source(%dma_start3A_126 : memref<128x8xf32, #tpu.memory_space<vmem>>) target(%dma_start3A_132 : memref<100352x8xf32, #tpu.memory_space<vmem_shared>>) offsets(%dma_start3A_129 : memref<128xi32, #tpu.memory_space<vmem>>) semaphore(%arg16 : memref<!tpu.dma_semaphore, #tpu.memory_space<semaphore_mem>>) {add = true}
      %dma_start3A_133 = arith.constant 2 : i32
      %dma_start3A_134 = arith.constant 256 : i32
      %dma_start3A_135 = arith.constant 0 : i32
      %dma_start3A_136 = tpu.memref_slice %arg12[%dma_start3A_134, %dma_start3A_135] : memref<1024x8xf32, #tpu.memory_space<vmem>> -> memref<128x8xf32, #tpu.memory_space<vmem>>
      %dma_start3A_137 = arith.constant 0 : i32
      %dma_start3A_138 = tpu.memref_slice %arg9[%dma_start3A_133, %dma_start3A_137] : memref<8x128xi32, #tpu.memory_space<vmem>> -> memref<1x128xi32, #tpu.memory_space<vmem>>
      %dma_start3A_139 = tpu.memref_squeeze %dma_start3A_138 : memref<1x128xi32, #tpu.memory_space<vmem>> -> memref<128xi32, #tpu.memory_space<vmem>>
      %dma_start3A_140 = arith.constant 0 : i32
      %dma_start3A_141 = arith.constant 0 : i32
      %dma_start3A_142 = tpu.memref_slice %arg14[%dma_start3A_140, %dma_start3A_141] : memref<100352x8xf32, #tpu.memory_space<vmem_shared>> -> memref<100352x8xf32, #tpu.memory_space<vmem_shared>>
      tpu.enqueue_indirect_dma source(%dma_start3A_136 : memref<128x8xf32, #tpu.memory_space<vmem>>) target(%dma_start3A_142 : memref<100352x8xf32, #tpu.memory_space<vmem_shared>>) offsets(%dma_start3A_139 : memref<128xi32, #tpu.memory_space<vmem>>) semaphore(%arg16 : memref<!tpu.dma_semaphore, #tpu.memory_space<semaphore_mem>>) {add = true}
      %dma_start3A_143 = arith.constant 3 : i32
      %dma_start3A_144 = arith.constant 384 : i32
      %dma_start3A_145 = arith.constant 0 : i32
      %dma_start3A_146 = tpu.memref_slice %arg12[%dma_start3A_144, %dma_start3A_145] : memref<1024x8xf32, #tpu.memory_space<vmem>> -> memref<128x8xf32, #tpu.memory_space<vmem>>
      %dma_start3A_147 = arith.constant 0 : i32
      %dma_start3A_148 = tpu.memref_slice %arg9[%dma_start3A_143, %dma_start3A_147] : memref<8x128xi32, #tpu.memory_space<vmem>> -> memref<1x128xi32, #tpu.memory_space<vmem>>
      %dma_start3A_149 = tpu.memref_squeeze %dma_start3A_148 : memref<1x128xi32, #tpu.memory_space<vmem>> -> memref<128xi32, #tpu.memory_space<vmem>>
      %dma_start3A_150 = arith.constant 0 : i32
      %dma_start3A_151 = arith.constant 0 : i32
      %dma_start3A_152 = tpu.memref_slice %arg14[%dma_start3A_150, %dma_start3A_151] : memref<100352x8xf32, #tpu.memory_space<vmem_shared>> -> memref<100352x8xf32, #tpu.memory_space<vmem_shared>>
      tpu.enqueue_indirect_dma source(%dma_start3A_146 : memref<128x8xf32, #tpu.memory_space<vmem>>) target(%dma_start3A_152 : memref<100352x8xf32, #tpu.memory_space<vmem_shared>>) offsets(%dma_start3A_149 : memref<128xi32, #tpu.memory_space<vmem>>) semaphore(%arg16 : memref<!tpu.dma_semaphore, #tpu.memory_space<semaphore_mem>>) {add = true}
      %dma_start3A_153 = arith.constant 4 : i32
      %dma_start3A_154 = arith.constant 512 : i32
      %dma_start3A_155 = arith.constant 0 : i32
      %dma_start3A_156 = tpu.memref_slice %arg12[%dma_start3A_154, %dma_start3A_155] : memref<1024x8xf32, #tpu.memory_space<vmem>> -> memref<128x8xf32, #tpu.memory_space<vmem>>
      %dma_start3A_157 = arith.constant 0 : i32
      %dma_start3A_158 = tpu.memref_slice %arg9[%dma_start3A_153, %dma_start3A_157] : memref<8x128xi32, #tpu.memory_space<vmem>> -> memref<1x128xi32, #tpu.memory_space<vmem>>
      %dma_start3A_159 = tpu.memref_squeeze %dma_start3A_158 : memref<1x128xi32, #tpu.memory_space<vmem>> -> memref<128xi32, #tpu.memory_space<vmem>>
      %dma_start3A_160 = arith.constant 0 : i32
      %dma_start3A_161 = arith.constant 0 : i32
      %dma_start3A_162 = tpu.memref_slice %arg14[%dma_start3A_160, %dma_start3A_161] : memref<100352x8xf32, #tpu.memory_space<vmem_shared>> -> memref<100352x8xf32, #tpu.memory_space<vmem_shared>>
      tpu.enqueue_indirect_dma source(%dma_start3A_156 : memref<128x8xf32, #tpu.memory_space<vmem>>) target(%dma_start3A_162 : memref<100352x8xf32, #tpu.memory_space<vmem_shared>>) offsets(%dma_start3A_159 : memref<128xi32, #tpu.memory_space<vmem>>) semaphore(%arg16 : memref<!tpu.dma_semaphore, #tpu.memory_space<semaphore_mem>>) {add = true}
      %dma_start3A_163 = arith.constant 5 : i32
      %dma_start3A_164 = arith.constant 640 : i32
      %dma_start3A_165 = arith.constant 0 : i32
      %dma_start3A_166 = tpu.memref_slice %arg12[%dma_start3A_164, %dma_start3A_165] : memref<1024x8xf32, #tpu.memory_space<vmem>> -> memref<128x8xf32, #tpu.memory_space<vmem>>
      %dma_start3A_167 = arith.constant 0 : i32
      %dma_start3A_168 = tpu.memref_slice %arg9[%dma_start3A_163, %dma_start3A_167] : memref<8x128xi32, #tpu.memory_space<vmem>> -> memref<1x128xi32, #tpu.memory_space<vmem>>
      %dma_start3A_169 = tpu.memref_squeeze %dma_start3A_168 : memref<1x128xi32, #tpu.memory_space<vmem>> -> memref<128xi32, #tpu.memory_space<vmem>>
      %dma_start3A_170 = arith.constant 0 : i32
      %dma_start3A_171 = arith.constant 0 : i32
      %dma_start3A_172 = tpu.memref_slice %arg14[%dma_start3A_170, %dma_start3A_171] : memref<100352x8xf32, #tpu.memory_space<vmem_shared>> -> memref<100352x8xf32, #tpu.memory_space<vmem_shared>>
      tpu.enqueue_indirect_dma source(%dma_start3A_166 : memref<128x8xf32, #tpu.memory_space<vmem>>) target(%dma_start3A_172 : memref<100352x8xf32, #tpu.memory_space<vmem_shared>>) offsets(%dma_start3A_169 : memref<128xi32, #tpu.memory_space<vmem>>) semaphore(%arg16 : memref<!tpu.dma_semaphore, #tpu.memory_space<semaphore_mem>>) {add = true}
      %dma_start3A_173 = arith.constant 6 : i32
      %dma_start3A_174 = arith.constant 768 : i32
      %dma_start3A_175 = arith.constant 0 : i32
      %dma_start3A_176 = tpu.memref_slice %arg12[%dma_start3A_174, %dma_start3A_175] : memref<1024x8xf32, #tpu.memory_space<vmem>> -> memref<128x8xf32, #tpu.memory_space<vmem>>
      %dma_start3A_177 = arith.constant 0 : i32
      %dma_start3A_178 = tpu.memref_slice %arg9[%dma_start3A_173, %dma_start3A_177] : memref<8x128xi32, #tpu.memory_space<vmem>> -> memref<1x128xi32, #tpu.memory_space<vmem>>
      %dma_start3A_179 = tpu.memref_squeeze %dma_start3A_178 : memref<1x128xi32, #tpu.memory_space<vmem>> -> memref<128xi32, #tpu.memory_space<vmem>>
      %dma_start3A_180 = arith.constant 0 : i32
      %dma_start3A_181 = arith.constant 0 : i32
      %dma_start3A_182 = tpu.memref_slice %arg14[%dma_start3A_180, %dma_start3A_181] : memref<100352x8xf32, #tpu.memory_space<vmem_shared>> -> memref<100352x8xf32, #tpu.memory_space<vmem_shared>>
      tpu.enqueue_indirect_dma source(%dma_start3A_176 : memref<128x8xf32, #tpu.memory_space<vmem>>) target(%dma_start3A_182 : memref<100352x8xf32, #tpu.memory_space<vmem_shared>>) offsets(%dma_start3A_179 : memref<128xi32, #tpu.memory_space<vmem>>) semaphore(%arg16 : memref<!tpu.dma_semaphore, #tpu.memory_space<semaphore_mem>>) {add = true}
      %dma_start3A_183 = arith.constant 7 : i32
      %dma_start3A_184 = arith.constant 896 : i32
      %dma_start3A_185 = arith.constant 0 : i32
      %dma_start3A_186 = tpu.memref_slice %arg12[%dma_start3A_184, %dma_start3A_185] : memref<1024x8xf32, #tpu.memory_space<vmem>> -> memref<128x8xf32, #tpu.memory_space<vmem>>
      %dma_start3A_187 = arith.constant 0 : i32
      %dma_start3A_188 = tpu.memref_slice %arg9[%dma_start3A_183, %dma_start3A_187] : memref<8x128xi32, #tpu.memory_space<vmem>> -> memref<1x128xi32, #tpu.memory_space<vmem>>
      %dma_start3A_189 = tpu.memref_squeeze %dma_start3A_188 : memref<1x128xi32, #tpu.memory_space<vmem>> -> memref<128xi32, #tpu.memory_space<vmem>>
      %dma_start3A_190 = arith.constant 0 : i32
      %dma_start3A_191 = arith.constant 0 : i32
      %dma_start3A_192 = tpu.memref_slice %arg14[%dma_start3A_190, %dma_start3A_191] : memref<100352x8xf32, #tpu.memory_space<vmem_shared>> -> memref<100352x8xf32, #tpu.memory_space<vmem_shared>>
      tpu.enqueue_indirect_dma source(%dma_start3A_186 : memref<128x8xf32, #tpu.memory_space<vmem>>) target(%dma_start3A_192 : memref<100352x8xf32, #tpu.memory_space<vmem_shared>>) offsets(%dma_start3A_189 : memref<128xi32, #tpu.memory_space<vmem>>) semaphore(%arg16 : memref<!tpu.dma_semaphore, #tpu.memory_space<semaphore_mem>>) {add = true}
      %dma_wait3A_193 = arith.constant 0 : i32
      %dma_wait3A_194 = arith.constant 0 : i32
      %dma_wait3A_195 = tpu.memref_slice %arg4[%dma_wait3A_193, %dma_wait3A_194] : memref<100352x8xf32, #tpu.memory_space<hbm>> -> memref<1024x8xf32, #tpu.memory_space<hbm>>
      %dma_wait3A_196 = arith.constant 0 : i32
      %dma_wait3A_197 = arith.constant 0 : i32
      %dma_wait3A_198 = tpu.memref_slice %arg4[%dma_wait3A_196, %dma_wait3A_197] : memref<100352x8xf32, #tpu.memory_space<hbm>> -> memref<1024x8xf32, #tpu.memory_space<hbm>>
      tpu.wait_dma2 semaphore(%arg16 : memref<!tpu.dma_semaphore, #tpu.memory_space<semaphore_mem>>) src(%dma_wait3A_198 : memref<1024x8xf32, #tpu.memory_space<hbm>>) dst(%arg12 : memref<1024x8xf32, #tpu.memory_space<vmem>>)
      %mul3A_199 = arith.constant 2 : i32
      %mul3A_200 = arith.muli %mul3A_199, %scan3A_21 : i32
      %add3A_201 = arith.constant 2 : i32
      %add3A_202 = arith.addi %mul3A_200, %add3A_201 : i32
      %mul3A_203 = arith.constant 8 : i32
      %mul3A_204 = arith.muli %add3A_202, %mul3A_203 : i32
      %add3A_205 = arith.addi %mul3A_2, %mul3A_204 : i32
      %lt3A = arith.constant 48 : i32
      %lt3A_206 = arith.cmpi slt, %scan3A_21, %lt3A : i32
      %dma_start3A_207 = arith.constant 0 : i32
      %dma_start3A_208 = arith.constant 0 : i32
      %dma_start3A_209 = arith.constant 0 : i32
      %dma_start3A_210 = tpu.memref_slice %arg12[%dma_start3A_208, %dma_start3A_209] : memref<1024x8xf32, #tpu.memory_space<vmem>> -> memref<128x8xf32, #tpu.memory_space<vmem>>
      %dma_start3A_211 = arith.constant 0 : i32
      %dma_start3A_212 = tpu.memref_slice %arg10[%dma_start3A_207, %dma_start3A_211] : memref<8x128xi32, #tpu.memory_space<vmem>> -> memref<1x128xi32, #tpu.memory_space<vmem>>
      %dma_start3A_213 = tpu.memref_squeeze %dma_start3A_212 : memref<1x128xi32, #tpu.memory_space<vmem>> -> memref<128xi32, #tpu.memory_space<vmem>>
      %dma_start3A_214 = arith.constant 0 : i32
      %dma_start3A_215 = arith.constant 0 : i32
      %dma_start3A_216 = tpu.memref_slice %arg4[%dma_start3A_214, %dma_start3A_215] : memref<100352x8xf32, #tpu.memory_space<hbm>> -> memref<100352x8xf32, #tpu.memory_space<hbm>>
      tpu.enqueue_indirect_dma source(%dma_start3A_216 : memref<100352x8xf32, #tpu.memory_space<hbm>>) target(%dma_start3A_210 : memref<128x8xf32, #tpu.memory_space<vmem>>) offsets(%dma_start3A_213 : memref<128xi32, #tpu.memory_space<vmem>>) semaphore(%arg15 : memref<!tpu.dma_semaphore, #tpu.memory_space<semaphore_mem>>)
      %dma_start3A_217 = arith.constant 1 : i32
      %dma_start3A_218 = arith.constant 128 : i32
      %dma_start3A_219 = arith.constant 0 : i32
      %dma_start3A_220 = tpu.memref_slice %arg12[%dma_start3A_218, %dma_start3A_219] : memref<1024x8xf32, #tpu.memory_space<vmem>> -> memref<128x8xf32, #tpu.memory_space<vmem>>
      %dma_start3A_221 = arith.constant 0 : i32
      %dma_start3A_222 = tpu.memref_slice %arg10[%dma_start3A_217, %dma_start3A_221] : memref<8x128xi32, #tpu.memory_space<vmem>> -> memref<1x128xi32, #tpu.memory_space<vmem>>
      %dma_start3A_223 = tpu.memref_squeeze %dma_start3A_222 : memref<1x128xi32, #tpu.memory_space<vmem>> -> memref<128xi32, #tpu.memory_space<vmem>>
      %dma_start3A_224 = arith.constant 0 : i32
      %dma_start3A_225 = arith.constant 0 : i32
      %dma_start3A_226 = tpu.memref_slice %arg4[%dma_start3A_224, %dma_start3A_225] : memref<100352x8xf32, #tpu.memory_space<hbm>> -> memref<100352x8xf32, #tpu.memory_space<hbm>>
      tpu.enqueue_indirect_dma source(%dma_start3A_226 : memref<100352x8xf32, #tpu.memory_space<hbm>>) target(%dma_start3A_220 : memref<128x8xf32, #tpu.memory_space<vmem>>) offsets(%dma_start3A_223 : memref<128xi32, #tpu.memory_space<vmem>>) semaphore(%arg15 : memref<!tpu.dma_semaphore, #tpu.memory_space<semaphore_mem>>)
      %dma_start3A_227 = arith.constant 2 : i32
      %dma_start3A_228 = arith.constant 256 : i32
      %dma_start3A_229 = arith.constant 0 : i32
      %dma_start3A_230 = tpu.memref_slice %arg12[%dma_start3A_228, %dma_start3A_229] : memref<1024x8xf32, #tpu.memory_space<vmem>> -> memref<128x8xf32, #tpu.memory_space<vmem>>
      %dma_start3A_231 = arith.constant 0 : i32
      %dma_start3A_232 = tpu.memref_slice %arg10[%dma_start3A_227, %dma_start3A_231] : memref<8x128xi32, #tpu.memory_space<vmem>> -> memref<1x128xi32, #tpu.memory_space<vmem>>
      %dma_start3A_233 = tpu.memref_squeeze %dma_start3A_232 : memref<1x128xi32, #tpu.memory_space<vmem>> -> memref<128xi32, #tpu.memory_space<vmem>>
      %dma_start3A_234 = arith.constant 0 : i32
      %dma_start3A_235 = arith.constant 0 : i32
      %dma_start3A_236 = tpu.memref_slice %arg4[%dma_start3A_234, %dma_start3A_235] : memref<100352x8xf32, #tpu.memory_space<hbm>> -> memref<100352x8xf32, #tpu.memory_space<hbm>>
      tpu.enqueue_indirect_dma source(%dma_start3A_236 : memref<100352x8xf32, #tpu.memory_space<hbm>>) target(%dma_start3A_230 : memref<128x8xf32, #tpu.memory_space<vmem>>) offsets(%dma_start3A_233 : memref<128xi32, #tpu.memory_space<vmem>>) semaphore(%arg15 : memref<!tpu.dma_semaphore, #tpu.memory_space<semaphore_mem>>)
      %dma_start3A_237 = arith.constant 3 : i32
      %dma_start3A_238 = arith.constant 384 : i32
      %dma_start3A_239 = arith.constant 0 : i32
      %dma_start3A_240 = tpu.memref_slice %arg12[%dma_start3A_238, %dma_start3A_239] : memref<1024x8xf32, #tpu.memory_space<vmem>> -> memref<128x8xf32, #tpu.memory_space<vmem>>
      %dma_start3A_241 = arith.constant 0 : i32
      %dma_start3A_242 = tpu.memref_slice %arg10[%dma_start3A_237, %dma_start3A_241] : memref<8x128xi32, #tpu.memory_space<vmem>> -> memref<1x128xi32, #tpu.memory_space<vmem>>
      %dma_start3A_243 = tpu.memref_squeeze %dma_start3A_242 : memref<1x128xi32, #tpu.memory_space<vmem>> -> memref<128xi32, #tpu.memory_space<vmem>>
      %dma_start3A_244 = arith.constant 0 : i32
      %dma_start3A_245 = arith.constant 0 : i32
      %dma_start3A_246 = tpu.memref_slice %arg4[%dma_start3A_244, %dma_start3A_245] : memref<100352x8xf32, #tpu.memory_space<hbm>> -> memref<100352x8xf32, #tpu.memory_space<hbm>>
      tpu.enqueue_indirect_dma source(%dma_start3A_246 : memref<100352x8xf32, #tpu.memory_space<hbm>>) target(%dma_start3A_240 : memref<128x8xf32, #tpu.memory_space<vmem>>) offsets(%dma_start3A_243 : memref<128xi32, #tpu.memory_space<vmem>>) semaphore(%arg15 : memref<!tpu.dma_semaphore, #tpu.memory_space<semaphore_mem>>)
      %dma_start3A_247 = arith.constant 4 : i32
      %dma_start3A_248 = arith.constant 512 : i32
      %dma_start3A_249 = arith.constant 0 : i32
      %dma_start3A_250 = tpu.memref_slice %arg12[%dma_start3A_248, %dma_start3A_249] : memref<1024x8xf32, #tpu.memory_space<vmem>> -> memref<128x8xf32, #tpu.memory_space<vmem>>
      %dma_start3A_251 = arith.constant 0 : i32
      %dma_start3A_252 = tpu.memref_slice %arg10[%dma_start3A_247, %dma_start3A_251] : memref<8x128xi32, #tpu.memory_space<vmem>> -> memref<1x128xi32, #tpu.memory_space<vmem>>
      %dma_start3A_253 = tpu.memref_squeeze %dma_start3A_252 : memref<1x128xi32, #tpu.memory_space<vmem>> -> memref<128xi32, #tpu.memory_space<vmem>>
      %dma_start3A_254 = arith.constant 0 : i32
      %dma_start3A_255 = arith.constant 0 : i32
      %dma_start3A_256 = tpu.memref_slice %arg4[%dma_start3A_254, %dma_start3A_255] : memref<100352x8xf32, #tpu.memory_space<hbm>> -> memref<100352x8xf32, #tpu.memory_space<hbm>>
      tpu.enqueue_indirect_dma source(%dma_start3A_256 : memref<100352x8xf32, #tpu.memory_space<hbm>>) target(%dma_start3A_250 : memref<128x8xf32, #tpu.memory_space<vmem>>) offsets(%dma_start3A_253 : memref<128xi32, #tpu.memory_space<vmem>>) semaphore(%arg15 : memref<!tpu.dma_semaphore, #tpu.memory_space<semaphore_mem>>)
      %dma_start3A_257 = arith.constant 5 : i32
      %dma_start3A_258 = arith.constant 640 : i32
      %dma_start3A_259 = arith.constant 0 : i32
      %dma_start3A_260 = tpu.memref_slice %arg12[%dma_start3A_258, %dma_start3A_259] : memref<1024x8xf32, #tpu.memory_space<vmem>> -> memref<128x8xf32, #tpu.memory_space<vmem>>
      %dma_start3A_261 = arith.constant 0 : i32
      %dma_start3A_262 = tpu.memref_slice %arg10[%dma_start3A_257, %dma_start3A_261] : memref<8x128xi32, #tpu.memory_space<vmem>> -> memref<1x128xi32, #tpu.memory_space<vmem>>
      %dma_start3A_263 = tpu.memref_squeeze %dma_start3A_262 : memref<1x128xi32, #tpu.memory_space<vmem>> -> memref<128xi32, #tpu.memory_space<vmem>>
      %dma_start3A_264 = arith.constant 0 : i32
      %dma_start3A_265 = arith.constant 0 : i32
      %dma_start3A_266 = tpu.memref_slice %arg4[%dma_start3A_264, %dma_start3A_265] : memref<100352x8xf32, #tpu.memory_space<hbm>> -> memref<100352x8xf32, #tpu.memory_space<hbm>>
      tpu.enqueue_indirect_dma source(%dma_start3A_266 : memref<100352x8xf32, #tpu.memory_space<hbm>>) target(%dma_start3A_260 : memref<128x8xf32, #tpu.memory_space<vmem>>) offsets(%dma_start3A_263 : memref<128xi32, #tpu.memory_space<vmem>>) semaphore(%arg15 : memref<!tpu.dma_semaphore, #tpu.memory_space<semaphore_mem>>)
      %dma_start3A_267 = arith.constant 6 : i32
      %dma_start3A_268 = arith.constant 768 : i32
      %dma_start3A_269 = arith.constant 0 : i32
      %dma_start3A_270 = tpu.memref_slice %arg12[%dma_start3A_268, %dma_start3A_269] : memref<1024x8xf32, #tpu.memory_space<vmem>> -> memref<128x8xf32, #tpu.memory_space<vmem>>
      %dma_start3A_271 = arith.constant 0 : i32
      %dma_start3A_272 = tpu.memref_slice %arg10[%dma_start3A_267, %dma_start3A_271] : memref<8x128xi32, #tpu.memory_space<vmem>> -> memref<1x128xi32, #tpu.memory_space<vmem>>
      %dma_start3A_273 = tpu.memref_squeeze %dma_start3A_272 : memref<1x128xi32, #tpu.memory_space<vmem>> -> memref<128xi32, #tpu.memory_space<vmem>>
      %dma_start3A_274 = arith.constant 0 : i32
      %dma_start3A_275 = arith.constant 0 : i32
      %dma_start3A_276 = tpu.memref_slice %arg4[%dma_start3A_274, %dma_start3A_275] : memref<100352x8xf32, #tpu.memory_space<hbm>> -> memref<100352x8xf32, #tpu.memory_space<hbm>>
      tpu.enqueue_indirect_dma source(%dma_start3A_276 : memref<100352x8xf32, #tpu.memory_space<hbm>>) target(%dma_start3A_270 : memref<128x8xf32, #tpu.memory_space<vmem>>) offsets(%dma_start3A_273 : memref<128xi32, #tpu.memory_space<vmem>>) semaphore(%arg15 : memref<!tpu.dma_semaphore, #tpu.memory_space<semaphore_mem>>)
      %dma_start3A_277 = arith.constant 7 : i32
      %dma_start3A_278 = arith.constant 896 : i32
      %dma_start3A_279 = arith.constant 0 : i32
      %dma_start3A_280 = tpu.memref_slice %arg12[%dma_start3A_278, %dma_start3A_279] : memref<1024x8xf32, #tpu.memory_space<vmem>> -> memref<128x8xf32, #tpu.memory_space<vmem>>
      %dma_start3A_281 = arith.constant 0 : i32
      %dma_start3A_282 = tpu.memref_slice %arg10[%dma_start3A_277, %dma_start3A_281] : memref<8x128xi32, #tpu.memory_space<vmem>> -> memref<1x128xi32, #tpu.memory_space<vmem>>
      %dma_start3A_283 = tpu.memref_squeeze %dma_start3A_282 : memref<1x128xi32, #tpu.memory_space<vmem>> -> memref<128xi32, #tpu.memory_space<vmem>>
      %dma_start3A_284 = arith.constant 0 : i32
      %dma_start3A_285 = arith.constant 0 : i32
      %dma_start3A_286 = tpu.memref_slice %arg4[%dma_start3A_284, %dma_start3A_285] : memref<100352x8xf32, #tpu.memory_space<hbm>> -> memref<100352x8xf32, #tpu.memory_space<hbm>>
      tpu.enqueue_indirect_dma source(%dma_start3A_286 : memref<100352x8xf32, #tpu.memory_space<hbm>>) target(%dma_start3A_280 : memref<128x8xf32, #tpu.memory_space<vmem>>) offsets(%dma_start3A_283 : memref<128xi32, #tpu.memory_space<vmem>>) semaphore(%arg15 : memref<!tpu.dma_semaphore, #tpu.memory_space<semaphore_mem>>)
      %convert_element_type3A = arith.extui %lt3A_206 : i1 to i32
      %cond3A = arith.constant 0 : i32
      %cond3A_287 = arith.cmpi ne, %convert_element_type3A, %cond3A : i32
      scf.if %cond3A_287 {
        "tpu.region"() ({
          %run_scoped3A = tpu.sem_alloc : memref<!tpu.dma_semaphore, #tpu.memory_space<semaphore_mem>>
          %dma_start3A_380 = arith.constant 0 : i32
          %dma_start3A_381 = tpu.memref_slice %arg2[%add3A_205, %dma_start3A_380] : memref<25088x128xi32, #tpu.memory_space<hbm>> -> memref<8x128xi32, #tpu.memory_space<hbm>>
          %dma_start3A_382 = arith.constant 0 : i32
          %dma_start3A_383 = tpu.memref_slice %arg2[%add3A_205, %dma_start3A_382] : memref<25088x128xi32, #tpu.memory_space<hbm>> -> memref<8x128xi32, #tpu.memory_space<hbm>>
          tpu.enqueue_dma source(%dma_start3A_383 : memref<8x128xi32, #tpu.memory_space<hbm>>) target(%arg8 : memref<8x128xi32, #tpu.memory_space<vmem>>) target_semaphore(%run_scoped3A : memref<!tpu.dma_semaphore, #tpu.memory_space<semaphore_mem>>)
          %dma_wait3A_384 = arith.constant 0 : i32
          %dma_wait3A_385 = tpu.memref_slice %arg2[%add3A_205, %dma_wait3A_384] : memref<25088x128xi32, #tpu.memory_space<hbm>> -> memref<8x128xi32, #tpu.memory_space<hbm>>
          %dma_wait3A_386 = arith.constant 0 : i32
          %dma_wait3A_387 = tpu.memref_slice %arg2[%add3A_205, %dma_wait3A_386] : memref<25088x128xi32, #tpu.memory_space<hbm>> -> memref<8x128xi32, #tpu.memory_space<hbm>>
          tpu.wait_dma2 semaphore(%run_scoped3A : memref<!tpu.dma_semaphore, #tpu.memory_space<semaphore_mem>>) src(%dma_wait3A_387 : memref<8x128xi32, #tpu.memory_space<hbm>>) dst(%arg8 : memref<8x128xi32, #tpu.memory_space<vmem>>)
          tpu.yield
        }) : () -> ()
        "tpu.region"() ({
          %run_scoped3A = tpu.sem_alloc : memref<!tpu.dma_semaphore, #tpu.memory_space<semaphore_mem>>
          %dma_start3A_380 = arith.constant 0 : i32
          %dma_start3A_381 = tpu.memref_slice %arg3[%add3A_205, %dma_start3A_380] : memref<25088x128xi32, #tpu.memory_space<hbm>> -> memref<8x128xi32, #tpu.memory_space<hbm>>
          %dma_start3A_382 = arith.constant 0 : i32
          %dma_start3A_383 = tpu.memref_slice %arg3[%add3A_205, %dma_start3A_382] : memref<25088x128xi32, #tpu.memory_space<hbm>> -> memref<8x128xi32, #tpu.memory_space<hbm>>
          tpu.enqueue_dma source(%dma_start3A_383 : memref<8x128xi32, #tpu.memory_space<hbm>>) target(%arg9 : memref<8x128xi32, #tpu.memory_space<vmem>>) target_semaphore(%run_scoped3A : memref<!tpu.dma_semaphore, #tpu.memory_space<semaphore_mem>>)
          %dma_wait3A_384 = arith.constant 0 : i32
          %dma_wait3A_385 = tpu.memref_slice %arg3[%add3A_205, %dma_wait3A_384] : memref<25088x128xi32, #tpu.memory_space<hbm>> -> memref<8x128xi32, #tpu.memory_space<hbm>>
          %dma_wait3A_386 = arith.constant 0 : i32
          %dma_wait3A_387 = tpu.memref_slice %arg3[%add3A_205, %dma_wait3A_386] : memref<25088x128xi32, #tpu.memory_space<hbm>> -> memref<8x128xi32, #tpu.memory_space<hbm>>
          tpu.wait_dma2 semaphore(%run_scoped3A : memref<!tpu.dma_semaphore, #tpu.memory_space<semaphore_mem>>) src(%dma_wait3A_387 : memref<8x128xi32, #tpu.memory_space<hbm>>) dst(%arg9 : memref<8x128xi32, #tpu.memory_space<vmem>>)
          tpu.yield
        }) : () -> ()
      } else {
      }
      %dma_wait3A_288 = arith.constant 0 : i32
      %dma_wait3A_289 = arith.constant 0 : i32
      %dma_wait3A_290 = tpu.memref_slice %arg4[%dma_wait3A_288, %dma_wait3A_289] : memref<100352x8xf32, #tpu.memory_space<hbm>> -> memref<1024x8xf32, #tpu.memory_space<hbm>>
      %dma_wait3A_291 = arith.constant 0 : i32
      %dma_wait3A_292 = arith.constant 0 : i32
      %dma_wait3A_293 = tpu.memref_slice %arg4[%dma_wait3A_291, %dma_wait3A_292] : memref<100352x8xf32, #tpu.memory_space<hbm>> -> memref<1024x8xf32, #tpu.memory_space<hbm>>
      tpu.wait_dma2 semaphore(%arg15 : memref<!tpu.dma_semaphore, #tpu.memory_space<semaphore_mem>>) src(%dma_wait3A_293 : memref<1024x8xf32, #tpu.memory_space<hbm>>) dst(%arg12 : memref<1024x8xf32, #tpu.memory_space<vmem>>)
      %dma_start3A_294 = arith.constant 0 : i32
      %dma_start3A_295 = arith.constant 0 : i32
      %dma_start3A_296 = arith.constant 0 : i32
      %dma_start3A_297 = tpu.memref_slice %arg12[%dma_start3A_295, %dma_start3A_296] : memref<1024x8xf32, #tpu.memory_space<vmem>> -> memref<128x8xf32, #tpu.memory_space<vmem>>
      %dma_start3A_298 = arith.constant 0 : i32
      %dma_start3A_299 = tpu.memref_slice %arg11[%dma_start3A_294, %dma_start3A_298] : memref<8x128xi32, #tpu.memory_space<vmem>> -> memref<1x128xi32, #tpu.memory_space<vmem>>
      %dma_start3A_300 = tpu.memref_squeeze %dma_start3A_299 : memref<1x128xi32, #tpu.memory_space<vmem>> -> memref<128xi32, #tpu.memory_space<vmem>>
      %dma_start3A_301 = arith.constant 0 : i32
      %dma_start3A_302 = arith.constant 0 : i32
      %dma_start3A_303 = tpu.memref_slice %arg14[%dma_start3A_301, %dma_start3A_302] : memref<100352x8xf32, #tpu.memory_space<vmem_shared>> -> memref<100352x8xf32, #tpu.memory_space<vmem_shared>>
      tpu.enqueue_indirect_dma source(%dma_start3A_297 : memref<128x8xf32, #tpu.memory_space<vmem>>) target(%dma_start3A_303 : memref<100352x8xf32, #tpu.memory_space<vmem_shared>>) offsets(%dma_start3A_300 : memref<128xi32, #tpu.memory_space<vmem>>) semaphore(%arg16 : memref<!tpu.dma_semaphore, #tpu.memory_space<semaphore_mem>>) {add = true}
      %dma_start3A_304 = arith.constant 1 : i32
      %dma_start3A_305 = arith.constant 128 : i32
      %dma_start3A_306 = arith.constant 0 : i32
      %dma_start3A_307 = tpu.memref_slice %arg12[%dma_start3A_305, %dma_start3A_306] : memref<1024x8xf32, #tpu.memory_space<vmem>> -> memref<128x8xf32, #tpu.memory_space<vmem>>
      %dma_start3A_308 = arith.constant 0 : i32
      %dma_start3A_309 = tpu.memref_slice %arg11[%dma_start3A_304, %dma_start3A_308] : memref<8x128xi32, #tpu.memory_space<vmem>> -> memref<1x128xi32, #tpu.memory_space<vmem>>
      %dma_start3A_310 = tpu.memref_squeeze %dma_start3A_309 : memref<1x128xi32, #tpu.memory_space<vmem>> -> memref<128xi32, #tpu.memory_space<vmem>>
      %dma_start3A_311 = arith.constant 0 : i32
      %dma_start3A_312 = arith.constant 0 : i32
      %dma_start3A_313 = tpu.memref_slice %arg14[%dma_start3A_311, %dma_start3A_312] : memref<100352x8xf32, #tpu.memory_space<vmem_shared>> -> memref<100352x8xf32, #tpu.memory_space<vmem_shared>>
      tpu.enqueue_indirect_dma source(%dma_start3A_307 : memref<128x8xf32, #tpu.memory_space<vmem>>) target(%dma_start3A_313 : memref<100352x8xf32, #tpu.memory_space<vmem_shared>>) offsets(%dma_start3A_310 : memref<128xi32, #tpu.memory_space<vmem>>) semaphore(%arg16 : memref<!tpu.dma_semaphore, #tpu.memory_space<semaphore_mem>>) {add = true}
      %dma_start3A_314 = arith.constant 2 : i32
      %dma_start3A_315 = arith.constant 256 : i32
      %dma_start3A_316 = arith.constant 0 : i32
      %dma_start3A_317 = tpu.memref_slice %arg12[%dma_start3A_315, %dma_start3A_316] : memref<1024x8xf32, #tpu.memory_space<vmem>> -> memref<128x8xf32, #tpu.memory_space<vmem>>
      %dma_start3A_318 = arith.constant 0 : i32
      %dma_start3A_319 = tpu.memref_slice %arg11[%dma_start3A_314, %dma_start3A_318] : memref<8x128xi32, #tpu.memory_space<vmem>> -> memref<1x128xi32, #tpu.memory_space<vmem>>
      %dma_start3A_320 = tpu.memref_squeeze %dma_start3A_319 : memref<1x128xi32, #tpu.memory_space<vmem>> -> memref<128xi32, #tpu.memory_space<vmem>>
      %dma_start3A_321 = arith.constant 0 : i32
      %dma_start3A_322 = arith.constant 0 : i32
      %dma_start3A_323 = tpu.memref_slice %arg14[%dma_start3A_321, %dma_start3A_322] : memref<100352x8xf32, #tpu.memory_space<vmem_shared>> -> memref<100352x8xf32, #tpu.memory_space<vmem_shared>>
      tpu.enqueue_indirect_dma source(%dma_start3A_317 : memref<128x8xf32, #tpu.memory_space<vmem>>) target(%dma_start3A_323 : memref<100352x8xf32, #tpu.memory_space<vmem_shared>>) offsets(%dma_start3A_320 : memref<128xi32, #tpu.memory_space<vmem>>) semaphore(%arg16 : memref<!tpu.dma_semaphore, #tpu.memory_space<semaphore_mem>>) {add = true}
      %dma_start3A_324 = arith.constant 3 : i32
      %dma_start3A_325 = arith.constant 384 : i32
      %dma_start3A_326 = arith.constant 0 : i32
      %dma_start3A_327 = tpu.memref_slice %arg12[%dma_start3A_325, %dma_start3A_326] : memref<1024x8xf32, #tpu.memory_space<vmem>> -> memref<128x8xf32, #tpu.memory_space<vmem>>
      %dma_start3A_328 = arith.constant 0 : i32
      %dma_start3A_329 = tpu.memref_slice %arg11[%dma_start3A_324, %dma_start3A_328] : memref<8x128xi32, #tpu.memory_space<vmem>> -> memref<1x128xi32, #tpu.memory_space<vmem>>
      %dma_start3A_330 = tpu.memref_squeeze %dma_start3A_329 : memref<1x128xi32, #tpu.memory_space<vmem>> -> memref<128xi32, #tpu.memory_space<vmem>>
      %dma_start3A_331 = arith.constant 0 : i32
      %dma_start3A_332 = arith.constant 0 : i32
      %dma_start3A_333 = tpu.memref_slice %arg14[%dma_start3A_331, %dma_start3A_332] : memref<100352x8xf32, #tpu.memory_space<vmem_shared>> -> memref<100352x8xf32, #tpu.memory_space<vmem_shared>>
      tpu.enqueue_indirect_dma source(%dma_start3A_327 : memref<128x8xf32, #tpu.memory_space<vmem>>) target(%dma_start3A_333 : memref<100352x8xf32, #tpu.memory_space<vmem_shared>>) offsets(%dma_start3A_330 : memref<128xi32, #tpu.memory_space<vmem>>) semaphore(%arg16 : memref<!tpu.dma_semaphore, #tpu.memory_space<semaphore_mem>>) {add = true}
      %dma_start3A_334 = arith.constant 4 : i32
      %dma_start3A_335 = arith.constant 512 : i32
      %dma_start3A_336 = arith.constant 0 : i32
      %dma_start3A_337 = tpu.memref_slice %arg12[%dma_start3A_335, %dma_start3A_336] : memref<1024x8xf32, #tpu.memory_space<vmem>> -> memref<128x8xf32, #tpu.memory_space<vmem>>
      %dma_start3A_338 = arith.constant 0 : i32
      %dma_start3A_339 = tpu.memref_slice %arg11[%dma_start3A_334, %dma_start3A_338] : memref<8x128xi32, #tpu.memory_space<vmem>> -> memref<1x128xi32, #tpu.memory_space<vmem>>
      %dma_start3A_340 = tpu.memref_squeeze %dma_start3A_339 : memref<1x128xi32, #tpu.memory_space<vmem>> -> memref<128xi32, #tpu.memory_space<vmem>>
      %dma_start3A_341 = arith.constant 0 : i32
      %dma_start3A_342 = arith.constant 0 : i32
      %dma_start3A_343 = tpu.memref_slice %arg14[%dma_start3A_341, %dma_start3A_342] : memref<100352x8xf32, #tpu.memory_space<vmem_shared>> -> memref<100352x8xf32, #tpu.memory_space<vmem_shared>>
      tpu.enqueue_indirect_dma source(%dma_start3A_337 : memref<128x8xf32, #tpu.memory_space<vmem>>) target(%dma_start3A_343 : memref<100352x8xf32, #tpu.memory_space<vmem_shared>>) offsets(%dma_start3A_340 : memref<128xi32, #tpu.memory_space<vmem>>) semaphore(%arg16 : memref<!tpu.dma_semaphore, #tpu.memory_space<semaphore_mem>>) {add = true}
      %dma_start3A_344 = arith.constant 5 : i32
      %dma_start3A_345 = arith.constant 640 : i32
      %dma_start3A_346 = arith.constant 0 : i32
      %dma_start3A_347 = tpu.memref_slice %arg12[%dma_start3A_345, %dma_start3A_346] : memref<1024x8xf32, #tpu.memory_space<vmem>> -> memref<128x8xf32, #tpu.memory_space<vmem>>
      %dma_start3A_348 = arith.constant 0 : i32
      %dma_start3A_349 = tpu.memref_slice %arg11[%dma_start3A_344, %dma_start3A_348] : memref<8x128xi32, #tpu.memory_space<vmem>> -> memref<1x128xi32, #tpu.memory_space<vmem>>
      %dma_start3A_350 = tpu.memref_squeeze %dma_start3A_349 : memref<1x128xi32, #tpu.memory_space<vmem>> -> memref<128xi32, #tpu.memory_space<vmem>>
      %dma_start3A_351 = arith.constant 0 : i32
      %dma_start3A_352 = arith.constant 0 : i32
      %dma_start3A_353 = tpu.memref_slice %arg14[%dma_start3A_351, %dma_start3A_352] : memref<100352x8xf32, #tpu.memory_space<vmem_shared>> -> memref<100352x8xf32, #tpu.memory_space<vmem_shared>>
      tpu.enqueue_indirect_dma source(%dma_start3A_347 : memref<128x8xf32, #tpu.memory_space<vmem>>) target(%dma_start3A_353 : memref<100352x8xf32, #tpu.memory_space<vmem_shared>>) offsets(%dma_start3A_350 : memref<128xi32, #tpu.memory_space<vmem>>) semaphore(%arg16 : memref<!tpu.dma_semaphore, #tpu.memory_space<semaphore_mem>>) {add = true}
      %dma_start3A_354 = arith.constant 6 : i32
      %dma_start3A_355 = arith.constant 768 : i32
      %dma_start3A_356 = arith.constant 0 : i32
      %dma_start3A_357 = tpu.memref_slice %arg12[%dma_start3A_355, %dma_start3A_356] : memref<1024x8xf32, #tpu.memory_space<vmem>> -> memref<128x8xf32, #tpu.memory_space<vmem>>
      %dma_start3A_358 = arith.constant 0 : i32
      %dma_start3A_359 = tpu.memref_slice %arg11[%dma_start3A_354, %dma_start3A_358] : memref<8x128xi32, #tpu.memory_space<vmem>> -> memref<1x128xi32, #tpu.memory_space<vmem>>
      %dma_start3A_360 = tpu.memref_squeeze %dma_start3A_359 : memref<1x128xi32, #tpu.memory_space<vmem>> -> memref<128xi32, #tpu.memory_space<vmem>>
      %dma_start3A_361 = arith.constant 0 : i32
      %dma_start3A_362 = arith.constant 0 : i32
      %dma_start3A_363 = tpu.memref_slice %arg14[%dma_start3A_361, %dma_start3A_362] : memref<100352x8xf32, #tpu.memory_space<vmem_shared>> -> memref<100352x8xf32, #tpu.memory_space<vmem_shared>>
      tpu.enqueue_indirect_dma source(%dma_start3A_357 : memref<128x8xf32, #tpu.memory_space<vmem>>) target(%dma_start3A_363 : memref<100352x8xf32, #tpu.memory_space<vmem_shared>>) offsets(%dma_start3A_360 : memref<128xi32, #tpu.memory_space<vmem>>) semaphore(%arg16 : memref<!tpu.dma_semaphore, #tpu.memory_space<semaphore_mem>>) {add = true}
      %dma_start3A_364 = arith.constant 7 : i32
      %dma_start3A_365 = arith.constant 896 : i32
      %dma_start3A_366 = arith.constant 0 : i32
      %dma_start3A_367 = tpu.memref_slice %arg12[%dma_start3A_365, %dma_start3A_366] : memref<1024x8xf32, #tpu.memory_space<vmem>> -> memref<128x8xf32, #tpu.memory_space<vmem>>
      %dma_start3A_368 = arith.constant 0 : i32
      %dma_start3A_369 = tpu.memref_slice %arg11[%dma_start3A_364, %dma_start3A_368] : memref<8x128xi32, #tpu.memory_space<vmem>> -> memref<1x128xi32, #tpu.memory_space<vmem>>
      %dma_start3A_370 = tpu.memref_squeeze %dma_start3A_369 : memref<1x128xi32, #tpu.memory_space<vmem>> -> memref<128xi32, #tpu.memory_space<vmem>>
      %dma_start3A_371 = arith.constant 0 : i32
      %dma_start3A_372 = arith.constant 0 : i32
      %dma_start3A_373 = tpu.memref_slice %arg14[%dma_start3A_371, %dma_start3A_372] : memref<100352x8xf32, #tpu.memory_space<vmem_shared>> -> memref<100352x8xf32, #tpu.memory_space<vmem_shared>>
      tpu.enqueue_indirect_dma source(%dma_start3A_367 : memref<128x8xf32, #tpu.memory_space<vmem>>) target(%dma_start3A_373 : memref<100352x8xf32, #tpu.memory_space<vmem_shared>>) offsets(%dma_start3A_370 : memref<128xi32, #tpu.memory_space<vmem>>) semaphore(%arg16 : memref<!tpu.dma_semaphore, #tpu.memory_space<semaphore_mem>>) {add = true}
      %dma_wait3A_374 = arith.constant 0 : i32
      %dma_wait3A_375 = arith.constant 0 : i32
      %dma_wait3A_376 = tpu.memref_slice %arg4[%dma_wait3A_374, %dma_wait3A_375] : memref<100352x8xf32, #tpu.memory_space<hbm>> -> memref<1024x8xf32, #tpu.memory_space<hbm>>
      %dma_wait3A_377 = arith.constant 0 : i32
      %dma_wait3A_378 = arith.constant 0 : i32
      %dma_wait3A_379 = tpu.memref_slice %arg4[%dma_wait3A_377, %dma_wait3A_378] : memref<100352x8xf32, #tpu.memory_space<hbm>> -> memref<1024x8xf32, #tpu.memory_space<hbm>>
      tpu.wait_dma2 semaphore(%arg16 : memref<!tpu.dma_semaphore, #tpu.memory_space<semaphore_mem>>) src(%dma_wait3A_379 : memref<1024x8xf32, #tpu.memory_space<hbm>>) dst(%arg12 : memref<1024x8xf32, #tpu.memory_space<vmem>>)
    }
    %scan3A_13 = arith.constant 49 : i32
    %barrier3A_14 = arith.constant 0 : index
    tpu.barrier barrier_id(%barrier3A_14)
    %scan3A_15 = arith.constant 0 : i32
    %scan3A_16 = arith.constant 0 : i32
    %scan3A_17 = arith.constant 16 : i32
    %scan3A_18 = arith.addi %scan3A_16, %scan3A_17 : i32
    %scan3A_19 = arith.constant 1 : i32
    scf.for %scan3A_21 = %scan3A_16 to %scan3A_18 step %scan3A_19  : i32 {
      %mul3A_22 = arith.constant 6272 : i32
      %mul3A_23 = arith.muli %arg1, %mul3A_22 : i32
      %mul3A_24 = arith.constant 392 : i32
      %mul3A_25 = arith.muli %scan3A_21, %mul3A_24 : i32
      %add3A_26 = arith.addi %mul3A_23, %mul3A_25 : i32
      "tpu.region"() ({
        %run_scoped3A = tpu.sem_alloc : memref<!tpu.dma_semaphore, #tpu.memory_space<semaphore_mem>>
        %dma_start3A = arith.constant 0 : i32
        %dma_start3A_34 = tpu.memref_slice %arg14[%add3A_26, %dma_start3A] : memref<100352x8xf32, #tpu.memory_space<vmem_shared>> -> memref<392x8xf32, #tpu.memory_space<vmem_shared>>
        %dma_start3A_35 = arith.constant 0 : i32
        %dma_start3A_36 = tpu.memref_slice %arg14[%add3A_26, %dma_start3A_35] : memref<100352x8xf32, #tpu.memory_space<vmem_shared>> -> memref<392x8xf32, #tpu.memory_space<vmem_shared>>
        tpu.enqueue_dma source(%dma_start3A_36 : memref<392x8xf32, #tpu.memory_space<vmem_shared>>) target(%arg13 : memref<392x8xf32, #tpu.memory_space<vmem>>) target_semaphore(%run_scoped3A : memref<!tpu.dma_semaphore, #tpu.memory_space<semaphore_mem>>)
        %dma_wait3A = arith.constant 0 : i32
        %dma_wait3A_37 = tpu.memref_slice %arg14[%add3A_26, %dma_wait3A] : memref<100352x8xf32, #tpu.memory_space<vmem_shared>> -> memref<392x8xf32, #tpu.memory_space<vmem_shared>>
        %dma_wait3A_38 = arith.constant 0 : i32
        %dma_wait3A_39 = tpu.memref_slice %arg14[%add3A_26, %dma_wait3A_38] : memref<100352x8xf32, #tpu.memory_space<vmem_shared>> -> memref<392x8xf32, #tpu.memory_space<vmem_shared>>
        tpu.wait_dma2 semaphore(%run_scoped3A : memref<!tpu.dma_semaphore, #tpu.memory_space<semaphore_mem>>) src(%dma_wait3A_39 : memref<392x8xf32, #tpu.memory_space<vmem_shared>>) dst(%arg13 : memref<392x8xf32, #tpu.memory_space<vmem>>)
        tpu.yield
      }) : () -> ()
      %eq3A = arith.constant 0 : i32
      %eq3A_27 = arith.cmpi eq, %arg0, %eq3A : i32
      %convert_element_type3A = arith.extui %eq3A_27 : i1 to i32
      %cond3A = arith.constant 0 : i32
      %cond3A_28 = arith.cmpi ne, %convert_element_type3A, %cond3A : i32
      scf.if %cond3A_28 {
        "tpu.region"() ({
          %run_scoped3A = tpu.sem_alloc : memref<!tpu.dma_semaphore, #tpu.memory_space<semaphore_mem>>
          %dma_start3A = arith.constant 0 : i32
          %dma_start3A_34 = tpu.memref_slice %arg6[%add3A_26, %dma_start3A] : memref<100352x8xf32, #tpu.memory_space<hbm>> -> memref<392x8xf32, #tpu.memory_space<hbm>>
          %dma_start3A_35 = arith.constant 0 : i32
          %dma_start3A_36 = tpu.memref_slice %arg6[%add3A_26, %dma_start3A_35] : memref<100352x8xf32, #tpu.memory_space<hbm>> -> memref<392x8xf32, #tpu.memory_space<hbm>>
          tpu.enqueue_dma source(%arg13 : memref<392x8xf32, #tpu.memory_space<vmem>>) target(%dma_start3A_36 : memref<392x8xf32, #tpu.memory_space<hbm>>) target_semaphore(%run_scoped3A : memref<!tpu.dma_semaphore, #tpu.memory_space<semaphore_mem>>)
          %dma_wait3A = arith.constant 0 : i32
          %dma_wait3A_37 = tpu.memref_slice %arg6[%add3A_26, %dma_wait3A] : memref<100352x8xf32, #tpu.memory_space<hbm>> -> memref<392x8xf32, #tpu.memory_space<hbm>>
          %dma_wait3A_38 = arith.constant 0 : i32
          %dma_wait3A_39 = tpu.memref_slice %arg6[%add3A_26, %dma_wait3A_38] : memref<100352x8xf32, #tpu.memory_space<hbm>> -> memref<392x8xf32, #tpu.memory_space<hbm>>
          tpu.wait_dma2 semaphore(%run_scoped3A : memref<!tpu.dma_semaphore, #tpu.memory_space<semaphore_mem>>) src(%arg13 : memref<392x8xf32, #tpu.memory_space<vmem>>) dst(%dma_wait3A_39 : memref<392x8xf32, #tpu.memory_space<hbm>>)
          tpu.yield
        }) : () -> ()
      } else {
      }
      %eq3A_29 = arith.constant 1 : i32
      %eq3A_30 = arith.cmpi eq, %arg0, %eq3A_29 : i32
      %convert_element_type3A_31 = arith.extui %eq3A_30 : i1 to i32
      %cond3A_32 = arith.constant 0 : i32
      %cond3A_33 = arith.cmpi ne, %convert_element_type3A_31, %cond3A_32 : i32
      scf.if %cond3A_33 {
        "tpu.region"() ({
          %run_scoped3A = tpu.sem_alloc : memref<!tpu.dma_semaphore, #tpu.memory_space<semaphore_mem>>
          %dma_start3A = arith.constant 0 : i32
          %dma_start3A_34 = tpu.memref_slice %arg7[%add3A_26, %dma_start3A] : memref<100352x8xf32, #tpu.memory_space<hbm>> -> memref<392x8xf32, #tpu.memory_space<hbm>>
          %dma_start3A_35 = arith.constant 0 : i32
          %dma_start3A_36 = tpu.memref_slice %arg7[%add3A_26, %dma_start3A_35] : memref<100352x8xf32, #tpu.memory_space<hbm>> -> memref<392x8xf32, #tpu.memory_space<hbm>>
          tpu.enqueue_dma source(%arg13 : memref<392x8xf32, #tpu.memory_space<vmem>>) target(%dma_start3A_36 : memref<392x8xf32, #tpu.memory_space<hbm>>) target_semaphore(%run_scoped3A : memref<!tpu.dma_semaphore, #tpu.memory_space<semaphore_mem>>)
          %dma_wait3A = arith.constant 0 : i32
          %dma_wait3A_37 = tpu.memref_slice %arg7[%add3A_26, %dma_wait3A] : memref<100352x8xf32, #tpu.memory_space<hbm>> -> memref<392x8xf32, #tpu.memory_space<hbm>>
          %dma_wait3A_38 = arith.constant 0 : i32
          %dma_wait3A_39 = tpu.memref_slice %arg7[%add3A_26, %dma_wait3A_38] : memref<100352x8xf32, #tpu.memory_space<hbm>> -> memref<392x8xf32, #tpu.memory_space<hbm>>
          tpu.wait_dma2 semaphore(%run_scoped3A : memref<!tpu.dma_semaphore, #tpu.memory_space<semaphore_mem>>) src(%arg13 : memref<392x8xf32, #tpu.memory_space<vmem>>) dst(%dma_wait3A_39 : memref<392x8xf32, #tpu.memory_space<hbm>>)
          tpu.yield
        }) : () -> ()
      } else {
      }
    }
    %scan3A_20 = arith.constant 16 : i32
    return
  }
}

#map = affine_map<(d0, d1) -> (0, 0)>
module attributes {stable_mosaic.version = 14 : i64} {
  func.func @gcn_scatter1(%arg0: i32, %arg1: i32, %arg2: memref<25088x128xi32, #tpu.memory_space<hbm>>, %arg3: memref<25088x128xi32, #tpu.memory_space<hbm>>, %arg4: memref<100352x16xf32, #tpu.memory_space<hbm>>, %arg5: memref<100352x16xf32, #tpu.memory_space<hbm>>, %arg6: memref<100352x16xf32, #tpu.memory_space<hbm>>, %arg7: memref<100352x16xf32, #tpu.memory_space<hbm>>, %arg8: memref<8x128xi32, #tpu.memory_space<vmem>>, %arg9: memref<8x128xi32, #tpu.memory_space<vmem>>, %arg10: memref<8x128xi32, #tpu.memory_space<vmem>>, %arg11: memref<8x128xi32, #tpu.memory_space<vmem>>, %arg12: memref<1024x16xf32, #tpu.memory_space<vmem>>, %arg13: memref<392x16xf32, #tpu.memory_space<vmem>>, %arg14: memref<100352x16xf32, #tpu.memory_space<vmem_shared>>, %arg15: memref<!tpu.dma_semaphore, #tpu.memory_space<semaphore_mem>>, %arg16: memref<!tpu.dma_semaphore, #tpu.memory_space<semaphore_mem>>) attributes {dimension_semantics = [#tpu.dimension_semantics<core_parallel>, #tpu.dimension_semantics<subcore_parallel>], iteration_bounds = array<i64: 2, 16>, scalar_prefetch = 0 : i64, scratch_operands = 9 : i64, tpu.core_type = #tpu.core_type<sc_vector_subcore>, window_params = [{transform_indices = #map}, {transform_indices = #map}, {transform_indices = #map}, {transform_indices = #map}, {transform_indices = #map}, {transform_indices = #map}]} {
    %mul3A = arith.constant 16 : i32
    %mul3A_0 = arith.muli %arg0, %mul3A : i32
    %add3A = arith.addi %mul3A_0, %arg1 : i32
    %mul3A_1 = arith.constant 784 : i32
    %mul3A_2 = arith.muli %add3A, %mul3A_1 : i32
    %scan3A = arith.constant 0 : i32
    %scan3A_3 = arith.constant 0 : i32
    %scan3A_4 = arith.constant 16 : i32
    %scan3A_5 = arith.addi %scan3A_3, %scan3A_4 : i32
    %scan3A_6 = arith.constant 1 : i32
    scf.for %scan3A_21 = %scan3A_3 to %scan3A_5 step %scan3A_6  : i32 {
      %mul3A_22 = arith.constant 6272 : i32
      %mul3A_23 = arith.muli %arg1, %mul3A_22 : i32
      %mul3A_24 = arith.constant 392 : i32
      %mul3A_25 = arith.muli %scan3A_21, %mul3A_24 : i32
      %add3A_26 = arith.addi %mul3A_23, %mul3A_25 : i32
      "tpu.region"() ({
        %run_scoped3A = tpu.sem_alloc : memref<!tpu.dma_semaphore, #tpu.memory_space<semaphore_mem>>
        %dma_start3A = arith.constant 0 : i32
        %dma_start3A_27 = tpu.memref_slice %arg5[%add3A_26, %dma_start3A] : memref<100352x16xf32, #tpu.memory_space<hbm>> -> memref<392x16xf32, #tpu.memory_space<hbm>>
        %dma_start3A_28 = arith.constant 0 : i32
        %dma_start3A_29 = tpu.memref_slice %arg5[%add3A_26, %dma_start3A_28] : memref<100352x16xf32, #tpu.memory_space<hbm>> -> memref<392x16xf32, #tpu.memory_space<hbm>>
        tpu.enqueue_dma source(%dma_start3A_29 : memref<392x16xf32, #tpu.memory_space<hbm>>) target(%arg13 : memref<392x16xf32, #tpu.memory_space<vmem>>) target_semaphore(%run_scoped3A : memref<!tpu.dma_semaphore, #tpu.memory_space<semaphore_mem>>)
        %dma_wait3A = arith.constant 0 : i32
        %dma_wait3A_30 = tpu.memref_slice %arg5[%add3A_26, %dma_wait3A] : memref<100352x16xf32, #tpu.memory_space<hbm>> -> memref<392x16xf32, #tpu.memory_space<hbm>>
        %dma_wait3A_31 = arith.constant 0 : i32
        %dma_wait3A_32 = tpu.memref_slice %arg5[%add3A_26, %dma_wait3A_31] : memref<100352x16xf32, #tpu.memory_space<hbm>> -> memref<392x16xf32, #tpu.memory_space<hbm>>
        tpu.wait_dma2 semaphore(%run_scoped3A : memref<!tpu.dma_semaphore, #tpu.memory_space<semaphore_mem>>) src(%dma_wait3A_32 : memref<392x16xf32, #tpu.memory_space<hbm>>) dst(%arg13 : memref<392x16xf32, #tpu.memory_space<vmem>>)
        tpu.yield
      }) : () -> ()
      "tpu.region"() ({
        %run_scoped3A = tpu.sem_alloc : memref<!tpu.dma_semaphore, #tpu.memory_space<semaphore_mem>>
        %dma_start3A = arith.constant 0 : i32
        %dma_start3A_27 = tpu.memref_slice %arg14[%add3A_26, %dma_start3A] : memref<100352x16xf32, #tpu.memory_space<vmem_shared>> -> memref<392x16xf32, #tpu.memory_space<vmem_shared>>
        %dma_start3A_28 = arith.constant 0 : i32
        %dma_start3A_29 = tpu.memref_slice %arg14[%add3A_26, %dma_start3A_28] : memref<100352x16xf32, #tpu.memory_space<vmem_shared>> -> memref<392x16xf32, #tpu.memory_space<vmem_shared>>
        tpu.enqueue_dma source(%arg13 : memref<392x16xf32, #tpu.memory_space<vmem>>) target(%dma_start3A_29 : memref<392x16xf32, #tpu.memory_space<vmem_shared>>) target_semaphore(%run_scoped3A : memref<!tpu.dma_semaphore, #tpu.memory_space<semaphore_mem>>)
        %dma_wait3A = arith.constant 0 : i32
        %dma_wait3A_30 = tpu.memref_slice %arg14[%add3A_26, %dma_wait3A] : memref<100352x16xf32, #tpu.memory_space<vmem_shared>> -> memref<392x16xf32, #tpu.memory_space<vmem_shared>>
        %dma_wait3A_31 = arith.constant 0 : i32
        %dma_wait3A_32 = tpu.memref_slice %arg14[%add3A_26, %dma_wait3A_31] : memref<100352x16xf32, #tpu.memory_space<vmem_shared>> -> memref<392x16xf32, #tpu.memory_space<vmem_shared>>
        tpu.wait_dma2 semaphore(%run_scoped3A : memref<!tpu.dma_semaphore, #tpu.memory_space<semaphore_mem>>) src(%arg13 : memref<392x16xf32, #tpu.memory_space<vmem>>) dst(%dma_wait3A_32 : memref<392x16xf32, #tpu.memory_space<vmem_shared>>)
        tpu.yield
      }) : () -> ()
    }
    %scan3A_7 = arith.constant 16 : i32
    %barrier3A = arith.constant 0 : index
    tpu.barrier barrier_id(%barrier3A)
    "tpu.region"() ({
      %run_scoped3A = tpu.sem_alloc : memref<!tpu.dma_semaphore, #tpu.memory_space<semaphore_mem>>
      %dma_start3A = arith.constant 0 : i32
      %dma_start3A_21 = tpu.memref_slice %arg2[%mul3A_2, %dma_start3A] : memref<25088x128xi32, #tpu.memory_space<hbm>> -> memref<8x128xi32, #tpu.memory_space<hbm>>
      %dma_start3A_22 = arith.constant 0 : i32
      %dma_start3A_23 = tpu.memref_slice %arg2[%mul3A_2, %dma_start3A_22] : memref<25088x128xi32, #tpu.memory_space<hbm>> -> memref<8x128xi32, #tpu.memory_space<hbm>>
      tpu.enqueue_dma source(%dma_start3A_23 : memref<8x128xi32, #tpu.memory_space<hbm>>) target(%arg8 : memref<8x128xi32, #tpu.memory_space<vmem>>) target_semaphore(%run_scoped3A : memref<!tpu.dma_semaphore, #tpu.memory_space<semaphore_mem>>)
      %dma_wait3A = arith.constant 0 : i32
      %dma_wait3A_24 = tpu.memref_slice %arg2[%mul3A_2, %dma_wait3A] : memref<25088x128xi32, #tpu.memory_space<hbm>> -> memref<8x128xi32, #tpu.memory_space<hbm>>
      %dma_wait3A_25 = arith.constant 0 : i32
      %dma_wait3A_26 = tpu.memref_slice %arg2[%mul3A_2, %dma_wait3A_25] : memref<25088x128xi32, #tpu.memory_space<hbm>> -> memref<8x128xi32, #tpu.memory_space<hbm>>
      tpu.wait_dma2 semaphore(%run_scoped3A : memref<!tpu.dma_semaphore, #tpu.memory_space<semaphore_mem>>) src(%dma_wait3A_26 : memref<8x128xi32, #tpu.memory_space<hbm>>) dst(%arg8 : memref<8x128xi32, #tpu.memory_space<vmem>>)
      tpu.yield
    }) : () -> ()
    "tpu.region"() ({
      %run_scoped3A = tpu.sem_alloc : memref<!tpu.dma_semaphore, #tpu.memory_space<semaphore_mem>>
      %dma_start3A = arith.constant 0 : i32
      %dma_start3A_21 = tpu.memref_slice %arg3[%mul3A_2, %dma_start3A] : memref<25088x128xi32, #tpu.memory_space<hbm>> -> memref<8x128xi32, #tpu.memory_space<hbm>>
      %dma_start3A_22 = arith.constant 0 : i32
      %dma_start3A_23 = tpu.memref_slice %arg3[%mul3A_2, %dma_start3A_22] : memref<25088x128xi32, #tpu.memory_space<hbm>> -> memref<8x128xi32, #tpu.memory_space<hbm>>
      tpu.enqueue_dma source(%dma_start3A_23 : memref<8x128xi32, #tpu.memory_space<hbm>>) target(%arg9 : memref<8x128xi32, #tpu.memory_space<vmem>>) target_semaphore(%run_scoped3A : memref<!tpu.dma_semaphore, #tpu.memory_space<semaphore_mem>>)
      %dma_wait3A = arith.constant 0 : i32
      %dma_wait3A_24 = tpu.memref_slice %arg3[%mul3A_2, %dma_wait3A] : memref<25088x128xi32, #tpu.memory_space<hbm>> -> memref<8x128xi32, #tpu.memory_space<hbm>>
      %dma_wait3A_25 = arith.constant 0 : i32
      %dma_wait3A_26 = tpu.memref_slice %arg3[%mul3A_2, %dma_wait3A_25] : memref<25088x128xi32, #tpu.memory_space<hbm>> -> memref<8x128xi32, #tpu.memory_space<hbm>>
      tpu.wait_dma2 semaphore(%run_scoped3A : memref<!tpu.dma_semaphore, #tpu.memory_space<semaphore_mem>>) src(%dma_wait3A_26 : memref<8x128xi32, #tpu.memory_space<hbm>>) dst(%arg9 : memref<8x128xi32, #tpu.memory_space<vmem>>)
      tpu.yield
    }) : () -> ()
    %scan3A_8 = arith.constant 0 : i32
    %scan3A_9 = arith.constant 0 : i32
    %scan3A_10 = arith.constant 49 : i32
    %scan3A_11 = arith.addi %scan3A_9, %scan3A_10 : i32
    %scan3A_12 = arith.constant 1 : i32
    scf.for %scan3A_21 = %scan3A_9 to %scan3A_11 step %scan3A_12  : i32 {
      %mul3A_22 = arith.constant 2 : i32
      %mul3A_23 = arith.muli %mul3A_22, %scan3A_21 : i32
      %add3A_24 = arith.constant 1 : i32
      %add3A_25 = arith.addi %mul3A_23, %add3A_24 : i32
      %mul3A_26 = arith.constant 8 : i32
      %mul3A_27 = arith.muli %add3A_25, %mul3A_26 : i32
      %add3A_28 = arith.addi %mul3A_2, %mul3A_27 : i32
      %dma_start3A = arith.constant 0 : i32
      %dma_start3A_29 = arith.constant 0 : i32
      %dma_start3A_30 = arith.constant 0 : i32
      %dma_start3A_31 = tpu.memref_slice %arg12[%dma_start3A_29, %dma_start3A_30] : memref<1024x16xf32, #tpu.memory_space<vmem>> -> memref<128x16xf32, #tpu.memory_space<vmem>>
      %dma_start3A_32 = arith.constant 0 : i32
      %dma_start3A_33 = tpu.memref_slice %arg8[%dma_start3A, %dma_start3A_32] : memref<8x128xi32, #tpu.memory_space<vmem>> -> memref<1x128xi32, #tpu.memory_space<vmem>>
      %dma_start3A_34 = tpu.memref_squeeze %dma_start3A_33 : memref<1x128xi32, #tpu.memory_space<vmem>> -> memref<128xi32, #tpu.memory_space<vmem>>
      %dma_start3A_35 = arith.constant 0 : i32
      %dma_start3A_36 = arith.constant 0 : i32
      %dma_start3A_37 = tpu.memref_slice %arg4[%dma_start3A_35, %dma_start3A_36] : memref<100352x16xf32, #tpu.memory_space<hbm>> -> memref<100352x16xf32, #tpu.memory_space<hbm>>
      tpu.enqueue_indirect_dma source(%dma_start3A_37 : memref<100352x16xf32, #tpu.memory_space<hbm>>) target(%dma_start3A_31 : memref<128x16xf32, #tpu.memory_space<vmem>>) offsets(%dma_start3A_34 : memref<128xi32, #tpu.memory_space<vmem>>) semaphore(%arg15 : memref<!tpu.dma_semaphore, #tpu.memory_space<semaphore_mem>>)
      %dma_start3A_38 = arith.constant 1 : i32
      %dma_start3A_39 = arith.constant 128 : i32
      %dma_start3A_40 = arith.constant 0 : i32
      %dma_start3A_41 = tpu.memref_slice %arg12[%dma_start3A_39, %dma_start3A_40] : memref<1024x16xf32, #tpu.memory_space<vmem>> -> memref<128x16xf32, #tpu.memory_space<vmem>>
      %dma_start3A_42 = arith.constant 0 : i32
      %dma_start3A_43 = tpu.memref_slice %arg8[%dma_start3A_38, %dma_start3A_42] : memref<8x128xi32, #tpu.memory_space<vmem>> -> memref<1x128xi32, #tpu.memory_space<vmem>>
      %dma_start3A_44 = tpu.memref_squeeze %dma_start3A_43 : memref<1x128xi32, #tpu.memory_space<vmem>> -> memref<128xi32, #tpu.memory_space<vmem>>
      %dma_start3A_45 = arith.constant 0 : i32
      %dma_start3A_46 = arith.constant 0 : i32
      %dma_start3A_47 = tpu.memref_slice %arg4[%dma_start3A_45, %dma_start3A_46] : memref<100352x16xf32, #tpu.memory_space<hbm>> -> memref<100352x16xf32, #tpu.memory_space<hbm>>
      tpu.enqueue_indirect_dma source(%dma_start3A_47 : memref<100352x16xf32, #tpu.memory_space<hbm>>) target(%dma_start3A_41 : memref<128x16xf32, #tpu.memory_space<vmem>>) offsets(%dma_start3A_44 : memref<128xi32, #tpu.memory_space<vmem>>) semaphore(%arg15 : memref<!tpu.dma_semaphore, #tpu.memory_space<semaphore_mem>>)
      %dma_start3A_48 = arith.constant 2 : i32
      %dma_start3A_49 = arith.constant 256 : i32
      %dma_start3A_50 = arith.constant 0 : i32
      %dma_start3A_51 = tpu.memref_slice %arg12[%dma_start3A_49, %dma_start3A_50] : memref<1024x16xf32, #tpu.memory_space<vmem>> -> memref<128x16xf32, #tpu.memory_space<vmem>>
      %dma_start3A_52 = arith.constant 0 : i32
      %dma_start3A_53 = tpu.memref_slice %arg8[%dma_start3A_48, %dma_start3A_52] : memref<8x128xi32, #tpu.memory_space<vmem>> -> memref<1x128xi32, #tpu.memory_space<vmem>>
      %dma_start3A_54 = tpu.memref_squeeze %dma_start3A_53 : memref<1x128xi32, #tpu.memory_space<vmem>> -> memref<128xi32, #tpu.memory_space<vmem>>
      %dma_start3A_55 = arith.constant 0 : i32
      %dma_start3A_56 = arith.constant 0 : i32
      %dma_start3A_57 = tpu.memref_slice %arg4[%dma_start3A_55, %dma_start3A_56] : memref<100352x16xf32, #tpu.memory_space<hbm>> -> memref<100352x16xf32, #tpu.memory_space<hbm>>
      tpu.enqueue_indirect_dma source(%dma_start3A_57 : memref<100352x16xf32, #tpu.memory_space<hbm>>) target(%dma_start3A_51 : memref<128x16xf32, #tpu.memory_space<vmem>>) offsets(%dma_start3A_54 : memref<128xi32, #tpu.memory_space<vmem>>) semaphore(%arg15 : memref<!tpu.dma_semaphore, #tpu.memory_space<semaphore_mem>>)
      %dma_start3A_58 = arith.constant 3 : i32
      %dma_start3A_59 = arith.constant 384 : i32
      %dma_start3A_60 = arith.constant 0 : i32
      %dma_start3A_61 = tpu.memref_slice %arg12[%dma_start3A_59, %dma_start3A_60] : memref<1024x16xf32, #tpu.memory_space<vmem>> -> memref<128x16xf32, #tpu.memory_space<vmem>>
      %dma_start3A_62 = arith.constant 0 : i32
      %dma_start3A_63 = tpu.memref_slice %arg8[%dma_start3A_58, %dma_start3A_62] : memref<8x128xi32, #tpu.memory_space<vmem>> -> memref<1x128xi32, #tpu.memory_space<vmem>>
      %dma_start3A_64 = tpu.memref_squeeze %dma_start3A_63 : memref<1x128xi32, #tpu.memory_space<vmem>> -> memref<128xi32, #tpu.memory_space<vmem>>
      %dma_start3A_65 = arith.constant 0 : i32
      %dma_start3A_66 = arith.constant 0 : i32
      %dma_start3A_67 = tpu.memref_slice %arg4[%dma_start3A_65, %dma_start3A_66] : memref<100352x16xf32, #tpu.memory_space<hbm>> -> memref<100352x16xf32, #tpu.memory_space<hbm>>
      tpu.enqueue_indirect_dma source(%dma_start3A_67 : memref<100352x16xf32, #tpu.memory_space<hbm>>) target(%dma_start3A_61 : memref<128x16xf32, #tpu.memory_space<vmem>>) offsets(%dma_start3A_64 : memref<128xi32, #tpu.memory_space<vmem>>) semaphore(%arg15 : memref<!tpu.dma_semaphore, #tpu.memory_space<semaphore_mem>>)
      %dma_start3A_68 = arith.constant 4 : i32
      %dma_start3A_69 = arith.constant 512 : i32
      %dma_start3A_70 = arith.constant 0 : i32
      %dma_start3A_71 = tpu.memref_slice %arg12[%dma_start3A_69, %dma_start3A_70] : memref<1024x16xf32, #tpu.memory_space<vmem>> -> memref<128x16xf32, #tpu.memory_space<vmem>>
      %dma_start3A_72 = arith.constant 0 : i32
      %dma_start3A_73 = tpu.memref_slice %arg8[%dma_start3A_68, %dma_start3A_72] : memref<8x128xi32, #tpu.memory_space<vmem>> -> memref<1x128xi32, #tpu.memory_space<vmem>>
      %dma_start3A_74 = tpu.memref_squeeze %dma_start3A_73 : memref<1x128xi32, #tpu.memory_space<vmem>> -> memref<128xi32, #tpu.memory_space<vmem>>
      %dma_start3A_75 = arith.constant 0 : i32
      %dma_start3A_76 = arith.constant 0 : i32
      %dma_start3A_77 = tpu.memref_slice %arg4[%dma_start3A_75, %dma_start3A_76] : memref<100352x16xf32, #tpu.memory_space<hbm>> -> memref<100352x16xf32, #tpu.memory_space<hbm>>
      tpu.enqueue_indirect_dma source(%dma_start3A_77 : memref<100352x16xf32, #tpu.memory_space<hbm>>) target(%dma_start3A_71 : memref<128x16xf32, #tpu.memory_space<vmem>>) offsets(%dma_start3A_74 : memref<128xi32, #tpu.memory_space<vmem>>) semaphore(%arg15 : memref<!tpu.dma_semaphore, #tpu.memory_space<semaphore_mem>>)
      %dma_start3A_78 = arith.constant 5 : i32
      %dma_start3A_79 = arith.constant 640 : i32
      %dma_start3A_80 = arith.constant 0 : i32
      %dma_start3A_81 = tpu.memref_slice %arg12[%dma_start3A_79, %dma_start3A_80] : memref<1024x16xf32, #tpu.memory_space<vmem>> -> memref<128x16xf32, #tpu.memory_space<vmem>>
      %dma_start3A_82 = arith.constant 0 : i32
      %dma_start3A_83 = tpu.memref_slice %arg8[%dma_start3A_78, %dma_start3A_82] : memref<8x128xi32, #tpu.memory_space<vmem>> -> memref<1x128xi32, #tpu.memory_space<vmem>>
      %dma_start3A_84 = tpu.memref_squeeze %dma_start3A_83 : memref<1x128xi32, #tpu.memory_space<vmem>> -> memref<128xi32, #tpu.memory_space<vmem>>
      %dma_start3A_85 = arith.constant 0 : i32
      %dma_start3A_86 = arith.constant 0 : i32
      %dma_start3A_87 = tpu.memref_slice %arg4[%dma_start3A_85, %dma_start3A_86] : memref<100352x16xf32, #tpu.memory_space<hbm>> -> memref<100352x16xf32, #tpu.memory_space<hbm>>
      tpu.enqueue_indirect_dma source(%dma_start3A_87 : memref<100352x16xf32, #tpu.memory_space<hbm>>) target(%dma_start3A_81 : memref<128x16xf32, #tpu.memory_space<vmem>>) offsets(%dma_start3A_84 : memref<128xi32, #tpu.memory_space<vmem>>) semaphore(%arg15 : memref<!tpu.dma_semaphore, #tpu.memory_space<semaphore_mem>>)
      %dma_start3A_88 = arith.constant 6 : i32
      %dma_start3A_89 = arith.constant 768 : i32
      %dma_start3A_90 = arith.constant 0 : i32
      %dma_start3A_91 = tpu.memref_slice %arg12[%dma_start3A_89, %dma_start3A_90] : memref<1024x16xf32, #tpu.memory_space<vmem>> -> memref<128x16xf32, #tpu.memory_space<vmem>>
      %dma_start3A_92 = arith.constant 0 : i32
      %dma_start3A_93 = tpu.memref_slice %arg8[%dma_start3A_88, %dma_start3A_92] : memref<8x128xi32, #tpu.memory_space<vmem>> -> memref<1x128xi32, #tpu.memory_space<vmem>>
      %dma_start3A_94 = tpu.memref_squeeze %dma_start3A_93 : memref<1x128xi32, #tpu.memory_space<vmem>> -> memref<128xi32, #tpu.memory_space<vmem>>
      %dma_start3A_95 = arith.constant 0 : i32
      %dma_start3A_96 = arith.constant 0 : i32
      %dma_start3A_97 = tpu.memref_slice %arg4[%dma_start3A_95, %dma_start3A_96] : memref<100352x16xf32, #tpu.memory_space<hbm>> -> memref<100352x16xf32, #tpu.memory_space<hbm>>
      tpu.enqueue_indirect_dma source(%dma_start3A_97 : memref<100352x16xf32, #tpu.memory_space<hbm>>) target(%dma_start3A_91 : memref<128x16xf32, #tpu.memory_space<vmem>>) offsets(%dma_start3A_94 : memref<128xi32, #tpu.memory_space<vmem>>) semaphore(%arg15 : memref<!tpu.dma_semaphore, #tpu.memory_space<semaphore_mem>>)
      %dma_start3A_98 = arith.constant 7 : i32
      %dma_start3A_99 = arith.constant 896 : i32
      %dma_start3A_100 = arith.constant 0 : i32
      %dma_start3A_101 = tpu.memref_slice %arg12[%dma_start3A_99, %dma_start3A_100] : memref<1024x16xf32, #tpu.memory_space<vmem>> -> memref<128x16xf32, #tpu.memory_space<vmem>>
      %dma_start3A_102 = arith.constant 0 : i32
      %dma_start3A_103 = tpu.memref_slice %arg8[%dma_start3A_98, %dma_start3A_102] : memref<8x128xi32, #tpu.memory_space<vmem>> -> memref<1x128xi32, #tpu.memory_space<vmem>>
      %dma_start3A_104 = tpu.memref_squeeze %dma_start3A_103 : memref<1x128xi32, #tpu.memory_space<vmem>> -> memref<128xi32, #tpu.memory_space<vmem>>
      %dma_start3A_105 = arith.constant 0 : i32
      %dma_start3A_106 = arith.constant 0 : i32
      %dma_start3A_107 = tpu.memref_slice %arg4[%dma_start3A_105, %dma_start3A_106] : memref<100352x16xf32, #tpu.memory_space<hbm>> -> memref<100352x16xf32, #tpu.memory_space<hbm>>
      tpu.enqueue_indirect_dma source(%dma_start3A_107 : memref<100352x16xf32, #tpu.memory_space<hbm>>) target(%dma_start3A_101 : memref<128x16xf32, #tpu.memory_space<vmem>>) offsets(%dma_start3A_104 : memref<128xi32, #tpu.memory_space<vmem>>) semaphore(%arg15 : memref<!tpu.dma_semaphore, #tpu.memory_space<semaphore_mem>>)
      "tpu.region"() ({
        %run_scoped3A = tpu.sem_alloc : memref<!tpu.dma_semaphore, #tpu.memory_space<semaphore_mem>>
        %dma_start3A_380 = arith.constant 0 : i32
        %dma_start3A_381 = tpu.memref_slice %arg2[%add3A_28, %dma_start3A_380] : memref<25088x128xi32, #tpu.memory_space<hbm>> -> memref<8x128xi32, #tpu.memory_space<hbm>>
        %dma_start3A_382 = arith.constant 0 : i32
        %dma_start3A_383 = tpu.memref_slice %arg2[%add3A_28, %dma_start3A_382] : memref<25088x128xi32, #tpu.memory_space<hbm>> -> memref<8x128xi32, #tpu.memory_space<hbm>>
        tpu.enqueue_dma source(%dma_start3A_383 : memref<8x128xi32, #tpu.memory_space<hbm>>) target(%arg10 : memref<8x128xi32, #tpu.memory_space<vmem>>) target_semaphore(%run_scoped3A : memref<!tpu.dma_semaphore, #tpu.memory_space<semaphore_mem>>)
        %dma_wait3A_384 = arith.constant 0 : i32
        %dma_wait3A_385 = tpu.memref_slice %arg2[%add3A_28, %dma_wait3A_384] : memref<25088x128xi32, #tpu.memory_space<hbm>> -> memref<8x128xi32, #tpu.memory_space<hbm>>
        %dma_wait3A_386 = arith.constant 0 : i32
        %dma_wait3A_387 = tpu.memref_slice %arg2[%add3A_28, %dma_wait3A_386] : memref<25088x128xi32, #tpu.memory_space<hbm>> -> memref<8x128xi32, #tpu.memory_space<hbm>>
        tpu.wait_dma2 semaphore(%run_scoped3A : memref<!tpu.dma_semaphore, #tpu.memory_space<semaphore_mem>>) src(%dma_wait3A_387 : memref<8x128xi32, #tpu.memory_space<hbm>>) dst(%arg10 : memref<8x128xi32, #tpu.memory_space<vmem>>)
        tpu.yield
      }) : () -> ()
      "tpu.region"() ({
        %run_scoped3A = tpu.sem_alloc : memref<!tpu.dma_semaphore, #tpu.memory_space<semaphore_mem>>
        %dma_start3A_380 = arith.constant 0 : i32
        %dma_start3A_381 = tpu.memref_slice %arg3[%add3A_28, %dma_start3A_380] : memref<25088x128xi32, #tpu.memory_space<hbm>> -> memref<8x128xi32, #tpu.memory_space<hbm>>
        %dma_start3A_382 = arith.constant 0 : i32
        %dma_start3A_383 = tpu.memref_slice %arg3[%add3A_28, %dma_start3A_382] : memref<25088x128xi32, #tpu.memory_space<hbm>> -> memref<8x128xi32, #tpu.memory_space<hbm>>
        tpu.enqueue_dma source(%dma_start3A_383 : memref<8x128xi32, #tpu.memory_space<hbm>>) target(%arg11 : memref<8x128xi32, #tpu.memory_space<vmem>>) target_semaphore(%run_scoped3A : memref<!tpu.dma_semaphore, #tpu.memory_space<semaphore_mem>>)
        %dma_wait3A_384 = arith.constant 0 : i32
        %dma_wait3A_385 = tpu.memref_slice %arg3[%add3A_28, %dma_wait3A_384] : memref<25088x128xi32, #tpu.memory_space<hbm>> -> memref<8x128xi32, #tpu.memory_space<hbm>>
        %dma_wait3A_386 = arith.constant 0 : i32
        %dma_wait3A_387 = tpu.memref_slice %arg3[%add3A_28, %dma_wait3A_386] : memref<25088x128xi32, #tpu.memory_space<hbm>> -> memref<8x128xi32, #tpu.memory_space<hbm>>
        tpu.wait_dma2 semaphore(%run_scoped3A : memref<!tpu.dma_semaphore, #tpu.memory_space<semaphore_mem>>) src(%dma_wait3A_387 : memref<8x128xi32, #tpu.memory_space<hbm>>) dst(%arg11 : memref<8x128xi32, #tpu.memory_space<vmem>>)
        tpu.yield
      }) : () -> ()
      %dma_wait3A = arith.constant 0 : i32
      %dma_wait3A_108 = arith.constant 0 : i32
      %dma_wait3A_109 = tpu.memref_slice %arg4[%dma_wait3A, %dma_wait3A_108] : memref<100352x16xf32, #tpu.memory_space<hbm>> -> memref<1024x16xf32, #tpu.memory_space<hbm>>
      %dma_wait3A_110 = arith.constant 0 : i32
      %dma_wait3A_111 = arith.constant 0 : i32
      %dma_wait3A_112 = tpu.memref_slice %arg4[%dma_wait3A_110, %dma_wait3A_111] : memref<100352x16xf32, #tpu.memory_space<hbm>> -> memref<1024x16xf32, #tpu.memory_space<hbm>>
      tpu.wait_dma2 semaphore(%arg15 : memref<!tpu.dma_semaphore, #tpu.memory_space<semaphore_mem>>) src(%dma_wait3A_112 : memref<1024x16xf32, #tpu.memory_space<hbm>>) dst(%arg12 : memref<1024x16xf32, #tpu.memory_space<vmem>>)
      %dma_start3A_113 = arith.constant 0 : i32
      %dma_start3A_114 = arith.constant 0 : i32
      %dma_start3A_115 = arith.constant 0 : i32
      %dma_start3A_116 = tpu.memref_slice %arg12[%dma_start3A_114, %dma_start3A_115] : memref<1024x16xf32, #tpu.memory_space<vmem>> -> memref<128x16xf32, #tpu.memory_space<vmem>>
      %dma_start3A_117 = arith.constant 0 : i32
      %dma_start3A_118 = tpu.memref_slice %arg9[%dma_start3A_113, %dma_start3A_117] : memref<8x128xi32, #tpu.memory_space<vmem>> -> memref<1x128xi32, #tpu.memory_space<vmem>>
      %dma_start3A_119 = tpu.memref_squeeze %dma_start3A_118 : memref<1x128xi32, #tpu.memory_space<vmem>> -> memref<128xi32, #tpu.memory_space<vmem>>
      %dma_start3A_120 = arith.constant 0 : i32
      %dma_start3A_121 = arith.constant 0 : i32
      %dma_start3A_122 = tpu.memref_slice %arg14[%dma_start3A_120, %dma_start3A_121] : memref<100352x16xf32, #tpu.memory_space<vmem_shared>> -> memref<100352x16xf32, #tpu.memory_space<vmem_shared>>
      tpu.enqueue_indirect_dma source(%dma_start3A_116 : memref<128x16xf32, #tpu.memory_space<vmem>>) target(%dma_start3A_122 : memref<100352x16xf32, #tpu.memory_space<vmem_shared>>) offsets(%dma_start3A_119 : memref<128xi32, #tpu.memory_space<vmem>>) semaphore(%arg16 : memref<!tpu.dma_semaphore, #tpu.memory_space<semaphore_mem>>) {add = true}
      %dma_start3A_123 = arith.constant 1 : i32
      %dma_start3A_124 = arith.constant 128 : i32
      %dma_start3A_125 = arith.constant 0 : i32
      %dma_start3A_126 = tpu.memref_slice %arg12[%dma_start3A_124, %dma_start3A_125] : memref<1024x16xf32, #tpu.memory_space<vmem>> -> memref<128x16xf32, #tpu.memory_space<vmem>>
      %dma_start3A_127 = arith.constant 0 : i32
      %dma_start3A_128 = tpu.memref_slice %arg9[%dma_start3A_123, %dma_start3A_127] : memref<8x128xi32, #tpu.memory_space<vmem>> -> memref<1x128xi32, #tpu.memory_space<vmem>>
      %dma_start3A_129 = tpu.memref_squeeze %dma_start3A_128 : memref<1x128xi32, #tpu.memory_space<vmem>> -> memref<128xi32, #tpu.memory_space<vmem>>
      %dma_start3A_130 = arith.constant 0 : i32
      %dma_start3A_131 = arith.constant 0 : i32
      %dma_start3A_132 = tpu.memref_slice %arg14[%dma_start3A_130, %dma_start3A_131] : memref<100352x16xf32, #tpu.memory_space<vmem_shared>> -> memref<100352x16xf32, #tpu.memory_space<vmem_shared>>
      tpu.enqueue_indirect_dma source(%dma_start3A_126 : memref<128x16xf32, #tpu.memory_space<vmem>>) target(%dma_start3A_132 : memref<100352x16xf32, #tpu.memory_space<vmem_shared>>) offsets(%dma_start3A_129 : memref<128xi32, #tpu.memory_space<vmem>>) semaphore(%arg16 : memref<!tpu.dma_semaphore, #tpu.memory_space<semaphore_mem>>) {add = true}
      %dma_start3A_133 = arith.constant 2 : i32
      %dma_start3A_134 = arith.constant 256 : i32
      %dma_start3A_135 = arith.constant 0 : i32
      %dma_start3A_136 = tpu.memref_slice %arg12[%dma_start3A_134, %dma_start3A_135] : memref<1024x16xf32, #tpu.memory_space<vmem>> -> memref<128x16xf32, #tpu.memory_space<vmem>>
      %dma_start3A_137 = arith.constant 0 : i32
      %dma_start3A_138 = tpu.memref_slice %arg9[%dma_start3A_133, %dma_start3A_137] : memref<8x128xi32, #tpu.memory_space<vmem>> -> memref<1x128xi32, #tpu.memory_space<vmem>>
      %dma_start3A_139 = tpu.memref_squeeze %dma_start3A_138 : memref<1x128xi32, #tpu.memory_space<vmem>> -> memref<128xi32, #tpu.memory_space<vmem>>
      %dma_start3A_140 = arith.constant 0 : i32
      %dma_start3A_141 = arith.constant 0 : i32
      %dma_start3A_142 = tpu.memref_slice %arg14[%dma_start3A_140, %dma_start3A_141] : memref<100352x16xf32, #tpu.memory_space<vmem_shared>> -> memref<100352x16xf32, #tpu.memory_space<vmem_shared>>
      tpu.enqueue_indirect_dma source(%dma_start3A_136 : memref<128x16xf32, #tpu.memory_space<vmem>>) target(%dma_start3A_142 : memref<100352x16xf32, #tpu.memory_space<vmem_shared>>) offsets(%dma_start3A_139 : memref<128xi32, #tpu.memory_space<vmem>>) semaphore(%arg16 : memref<!tpu.dma_semaphore, #tpu.memory_space<semaphore_mem>>) {add = true}
      %dma_start3A_143 = arith.constant 3 : i32
      %dma_start3A_144 = arith.constant 384 : i32
      %dma_start3A_145 = arith.constant 0 : i32
      %dma_start3A_146 = tpu.memref_slice %arg12[%dma_start3A_144, %dma_start3A_145] : memref<1024x16xf32, #tpu.memory_space<vmem>> -> memref<128x16xf32, #tpu.memory_space<vmem>>
      %dma_start3A_147 = arith.constant 0 : i32
      %dma_start3A_148 = tpu.memref_slice %arg9[%dma_start3A_143, %dma_start3A_147] : memref<8x128xi32, #tpu.memory_space<vmem>> -> memref<1x128xi32, #tpu.memory_space<vmem>>
      %dma_start3A_149 = tpu.memref_squeeze %dma_start3A_148 : memref<1x128xi32, #tpu.memory_space<vmem>> -> memref<128xi32, #tpu.memory_space<vmem>>
      %dma_start3A_150 = arith.constant 0 : i32
      %dma_start3A_151 = arith.constant 0 : i32
      %dma_start3A_152 = tpu.memref_slice %arg14[%dma_start3A_150, %dma_start3A_151] : memref<100352x16xf32, #tpu.memory_space<vmem_shared>> -> memref<100352x16xf32, #tpu.memory_space<vmem_shared>>
      tpu.enqueue_indirect_dma source(%dma_start3A_146 : memref<128x16xf32, #tpu.memory_space<vmem>>) target(%dma_start3A_152 : memref<100352x16xf32, #tpu.memory_space<vmem_shared>>) offsets(%dma_start3A_149 : memref<128xi32, #tpu.memory_space<vmem>>) semaphore(%arg16 : memref<!tpu.dma_semaphore, #tpu.memory_space<semaphore_mem>>) {add = true}
      %dma_start3A_153 = arith.constant 4 : i32
      %dma_start3A_154 = arith.constant 512 : i32
      %dma_start3A_155 = arith.constant 0 : i32
      %dma_start3A_156 = tpu.memref_slice %arg12[%dma_start3A_154, %dma_start3A_155] : memref<1024x16xf32, #tpu.memory_space<vmem>> -> memref<128x16xf32, #tpu.memory_space<vmem>>
      %dma_start3A_157 = arith.constant 0 : i32
      %dma_start3A_158 = tpu.memref_slice %arg9[%dma_start3A_153, %dma_start3A_157] : memref<8x128xi32, #tpu.memory_space<vmem>> -> memref<1x128xi32, #tpu.memory_space<vmem>>
      %dma_start3A_159 = tpu.memref_squeeze %dma_start3A_158 : memref<1x128xi32, #tpu.memory_space<vmem>> -> memref<128xi32, #tpu.memory_space<vmem>>
      %dma_start3A_160 = arith.constant 0 : i32
      %dma_start3A_161 = arith.constant 0 : i32
      %dma_start3A_162 = tpu.memref_slice %arg14[%dma_start3A_160, %dma_start3A_161] : memref<100352x16xf32, #tpu.memory_space<vmem_shared>> -> memref<100352x16xf32, #tpu.memory_space<vmem_shared>>
      tpu.enqueue_indirect_dma source(%dma_start3A_156 : memref<128x16xf32, #tpu.memory_space<vmem>>) target(%dma_start3A_162 : memref<100352x16xf32, #tpu.memory_space<vmem_shared>>) offsets(%dma_start3A_159 : memref<128xi32, #tpu.memory_space<vmem>>) semaphore(%arg16 : memref<!tpu.dma_semaphore, #tpu.memory_space<semaphore_mem>>) {add = true}
      %dma_start3A_163 = arith.constant 5 : i32
      %dma_start3A_164 = arith.constant 640 : i32
      %dma_start3A_165 = arith.constant 0 : i32
      %dma_start3A_166 = tpu.memref_slice %arg12[%dma_start3A_164, %dma_start3A_165] : memref<1024x16xf32, #tpu.memory_space<vmem>> -> memref<128x16xf32, #tpu.memory_space<vmem>>
      %dma_start3A_167 = arith.constant 0 : i32
      %dma_start3A_168 = tpu.memref_slice %arg9[%dma_start3A_163, %dma_start3A_167] : memref<8x128xi32, #tpu.memory_space<vmem>> -> memref<1x128xi32, #tpu.memory_space<vmem>>
      %dma_start3A_169 = tpu.memref_squeeze %dma_start3A_168 : memref<1x128xi32, #tpu.memory_space<vmem>> -> memref<128xi32, #tpu.memory_space<vmem>>
      %dma_start3A_170 = arith.constant 0 : i32
      %dma_start3A_171 = arith.constant 0 : i32
      %dma_start3A_172 = tpu.memref_slice %arg14[%dma_start3A_170, %dma_start3A_171] : memref<100352x16xf32, #tpu.memory_space<vmem_shared>> -> memref<100352x16xf32, #tpu.memory_space<vmem_shared>>
      tpu.enqueue_indirect_dma source(%dma_start3A_166 : memref<128x16xf32, #tpu.memory_space<vmem>>) target(%dma_start3A_172 : memref<100352x16xf32, #tpu.memory_space<vmem_shared>>) offsets(%dma_start3A_169 : memref<128xi32, #tpu.memory_space<vmem>>) semaphore(%arg16 : memref<!tpu.dma_semaphore, #tpu.memory_space<semaphore_mem>>) {add = true}
      %dma_start3A_173 = arith.constant 6 : i32
      %dma_start3A_174 = arith.constant 768 : i32
      %dma_start3A_175 = arith.constant 0 : i32
      %dma_start3A_176 = tpu.memref_slice %arg12[%dma_start3A_174, %dma_start3A_175] : memref<1024x16xf32, #tpu.memory_space<vmem>> -> memref<128x16xf32, #tpu.memory_space<vmem>>
      %dma_start3A_177 = arith.constant 0 : i32
      %dma_start3A_178 = tpu.memref_slice %arg9[%dma_start3A_173, %dma_start3A_177] : memref<8x128xi32, #tpu.memory_space<vmem>> -> memref<1x128xi32, #tpu.memory_space<vmem>>
      %dma_start3A_179 = tpu.memref_squeeze %dma_start3A_178 : memref<1x128xi32, #tpu.memory_space<vmem>> -> memref<128xi32, #tpu.memory_space<vmem>>
      %dma_start3A_180 = arith.constant 0 : i32
      %dma_start3A_181 = arith.constant 0 : i32
      %dma_start3A_182 = tpu.memref_slice %arg14[%dma_start3A_180, %dma_start3A_181] : memref<100352x16xf32, #tpu.memory_space<vmem_shared>> -> memref<100352x16xf32, #tpu.memory_space<vmem_shared>>
      tpu.enqueue_indirect_dma source(%dma_start3A_176 : memref<128x16xf32, #tpu.memory_space<vmem>>) target(%dma_start3A_182 : memref<100352x16xf32, #tpu.memory_space<vmem_shared>>) offsets(%dma_start3A_179 : memref<128xi32, #tpu.memory_space<vmem>>) semaphore(%arg16 : memref<!tpu.dma_semaphore, #tpu.memory_space<semaphore_mem>>) {add = true}
      %dma_start3A_183 = arith.constant 7 : i32
      %dma_start3A_184 = arith.constant 896 : i32
      %dma_start3A_185 = arith.constant 0 : i32
      %dma_start3A_186 = tpu.memref_slice %arg12[%dma_start3A_184, %dma_start3A_185] : memref<1024x16xf32, #tpu.memory_space<vmem>> -> memref<128x16xf32, #tpu.memory_space<vmem>>
      %dma_start3A_187 = arith.constant 0 : i32
      %dma_start3A_188 = tpu.memref_slice %arg9[%dma_start3A_183, %dma_start3A_187] : memref<8x128xi32, #tpu.memory_space<vmem>> -> memref<1x128xi32, #tpu.memory_space<vmem>>
      %dma_start3A_189 = tpu.memref_squeeze %dma_start3A_188 : memref<1x128xi32, #tpu.memory_space<vmem>> -> memref<128xi32, #tpu.memory_space<vmem>>
      %dma_start3A_190 = arith.constant 0 : i32
      %dma_start3A_191 = arith.constant 0 : i32
      %dma_start3A_192 = tpu.memref_slice %arg14[%dma_start3A_190, %dma_start3A_191] : memref<100352x16xf32, #tpu.memory_space<vmem_shared>> -> memref<100352x16xf32, #tpu.memory_space<vmem_shared>>
      tpu.enqueue_indirect_dma source(%dma_start3A_186 : memref<128x16xf32, #tpu.memory_space<vmem>>) target(%dma_start3A_192 : memref<100352x16xf32, #tpu.memory_space<vmem_shared>>) offsets(%dma_start3A_189 : memref<128xi32, #tpu.memory_space<vmem>>) semaphore(%arg16 : memref<!tpu.dma_semaphore, #tpu.memory_space<semaphore_mem>>) {add = true}
      %dma_wait3A_193 = arith.constant 0 : i32
      %dma_wait3A_194 = arith.constant 0 : i32
      %dma_wait3A_195 = tpu.memref_slice %arg4[%dma_wait3A_193, %dma_wait3A_194] : memref<100352x16xf32, #tpu.memory_space<hbm>> -> memref<1024x16xf32, #tpu.memory_space<hbm>>
      %dma_wait3A_196 = arith.constant 0 : i32
      %dma_wait3A_197 = arith.constant 0 : i32
      %dma_wait3A_198 = tpu.memref_slice %arg4[%dma_wait3A_196, %dma_wait3A_197] : memref<100352x16xf32, #tpu.memory_space<hbm>> -> memref<1024x16xf32, #tpu.memory_space<hbm>>
      tpu.wait_dma2 semaphore(%arg16 : memref<!tpu.dma_semaphore, #tpu.memory_space<semaphore_mem>>) src(%dma_wait3A_198 : memref<1024x16xf32, #tpu.memory_space<hbm>>) dst(%arg12 : memref<1024x16xf32, #tpu.memory_space<vmem>>)
      %mul3A_199 = arith.constant 2 : i32
      %mul3A_200 = arith.muli %mul3A_199, %scan3A_21 : i32
      %add3A_201 = arith.constant 2 : i32
      %add3A_202 = arith.addi %mul3A_200, %add3A_201 : i32
      %mul3A_203 = arith.constant 8 : i32
      %mul3A_204 = arith.muli %add3A_202, %mul3A_203 : i32
      %add3A_205 = arith.addi %mul3A_2, %mul3A_204 : i32
      %lt3A = arith.constant 48 : i32
      %lt3A_206 = arith.cmpi slt, %scan3A_21, %lt3A : i32
      %dma_start3A_207 = arith.constant 0 : i32
      %dma_start3A_208 = arith.constant 0 : i32
      %dma_start3A_209 = arith.constant 0 : i32
      %dma_start3A_210 = tpu.memref_slice %arg12[%dma_start3A_208, %dma_start3A_209] : memref<1024x16xf32, #tpu.memory_space<vmem>> -> memref<128x16xf32, #tpu.memory_space<vmem>>
      %dma_start3A_211 = arith.constant 0 : i32
      %dma_start3A_212 = tpu.memref_slice %arg10[%dma_start3A_207, %dma_start3A_211] : memref<8x128xi32, #tpu.memory_space<vmem>> -> memref<1x128xi32, #tpu.memory_space<vmem>>
      %dma_start3A_213 = tpu.memref_squeeze %dma_start3A_212 : memref<1x128xi32, #tpu.memory_space<vmem>> -> memref<128xi32, #tpu.memory_space<vmem>>
      %dma_start3A_214 = arith.constant 0 : i32
      %dma_start3A_215 = arith.constant 0 : i32
      %dma_start3A_216 = tpu.memref_slice %arg4[%dma_start3A_214, %dma_start3A_215] : memref<100352x16xf32, #tpu.memory_space<hbm>> -> memref<100352x16xf32, #tpu.memory_space<hbm>>
      tpu.enqueue_indirect_dma source(%dma_start3A_216 : memref<100352x16xf32, #tpu.memory_space<hbm>>) target(%dma_start3A_210 : memref<128x16xf32, #tpu.memory_space<vmem>>) offsets(%dma_start3A_213 : memref<128xi32, #tpu.memory_space<vmem>>) semaphore(%arg15 : memref<!tpu.dma_semaphore, #tpu.memory_space<semaphore_mem>>)
      %dma_start3A_217 = arith.constant 1 : i32
      %dma_start3A_218 = arith.constant 128 : i32
      %dma_start3A_219 = arith.constant 0 : i32
      %dma_start3A_220 = tpu.memref_slice %arg12[%dma_start3A_218, %dma_start3A_219] : memref<1024x16xf32, #tpu.memory_space<vmem>> -> memref<128x16xf32, #tpu.memory_space<vmem>>
      %dma_start3A_221 = arith.constant 0 : i32
      %dma_start3A_222 = tpu.memref_slice %arg10[%dma_start3A_217, %dma_start3A_221] : memref<8x128xi32, #tpu.memory_space<vmem>> -> memref<1x128xi32, #tpu.memory_space<vmem>>
      %dma_start3A_223 = tpu.memref_squeeze %dma_start3A_222 : memref<1x128xi32, #tpu.memory_space<vmem>> -> memref<128xi32, #tpu.memory_space<vmem>>
      %dma_start3A_224 = arith.constant 0 : i32
      %dma_start3A_225 = arith.constant 0 : i32
      %dma_start3A_226 = tpu.memref_slice %arg4[%dma_start3A_224, %dma_start3A_225] : memref<100352x16xf32, #tpu.memory_space<hbm>> -> memref<100352x16xf32, #tpu.memory_space<hbm>>
      tpu.enqueue_indirect_dma source(%dma_start3A_226 : memref<100352x16xf32, #tpu.memory_space<hbm>>) target(%dma_start3A_220 : memref<128x16xf32, #tpu.memory_space<vmem>>) offsets(%dma_start3A_223 : memref<128xi32, #tpu.memory_space<vmem>>) semaphore(%arg15 : memref<!tpu.dma_semaphore, #tpu.memory_space<semaphore_mem>>)
      %dma_start3A_227 = arith.constant 2 : i32
      %dma_start3A_228 = arith.constant 256 : i32
      %dma_start3A_229 = arith.constant 0 : i32
      %dma_start3A_230 = tpu.memref_slice %arg12[%dma_start3A_228, %dma_start3A_229] : memref<1024x16xf32, #tpu.memory_space<vmem>> -> memref<128x16xf32, #tpu.memory_space<vmem>>
      %dma_start3A_231 = arith.constant 0 : i32
      %dma_start3A_232 = tpu.memref_slice %arg10[%dma_start3A_227, %dma_start3A_231] : memref<8x128xi32, #tpu.memory_space<vmem>> -> memref<1x128xi32, #tpu.memory_space<vmem>>
      %dma_start3A_233 = tpu.memref_squeeze %dma_start3A_232 : memref<1x128xi32, #tpu.memory_space<vmem>> -> memref<128xi32, #tpu.memory_space<vmem>>
      %dma_start3A_234 = arith.constant 0 : i32
      %dma_start3A_235 = arith.constant 0 : i32
      %dma_start3A_236 = tpu.memref_slice %arg4[%dma_start3A_234, %dma_start3A_235] : memref<100352x16xf32, #tpu.memory_space<hbm>> -> memref<100352x16xf32, #tpu.memory_space<hbm>>
      tpu.enqueue_indirect_dma source(%dma_start3A_236 : memref<100352x16xf32, #tpu.memory_space<hbm>>) target(%dma_start3A_230 : memref<128x16xf32, #tpu.memory_space<vmem>>) offsets(%dma_start3A_233 : memref<128xi32, #tpu.memory_space<vmem>>) semaphore(%arg15 : memref<!tpu.dma_semaphore, #tpu.memory_space<semaphore_mem>>)
      %dma_start3A_237 = arith.constant 3 : i32
      %dma_start3A_238 = arith.constant 384 : i32
      %dma_start3A_239 = arith.constant 0 : i32
      %dma_start3A_240 = tpu.memref_slice %arg12[%dma_start3A_238, %dma_start3A_239] : memref<1024x16xf32, #tpu.memory_space<vmem>> -> memref<128x16xf32, #tpu.memory_space<vmem>>
      %dma_start3A_241 = arith.constant 0 : i32
      %dma_start3A_242 = tpu.memref_slice %arg10[%dma_start3A_237, %dma_start3A_241] : memref<8x128xi32, #tpu.memory_space<vmem>> -> memref<1x128xi32, #tpu.memory_space<vmem>>
      %dma_start3A_243 = tpu.memref_squeeze %dma_start3A_242 : memref<1x128xi32, #tpu.memory_space<vmem>> -> memref<128xi32, #tpu.memory_space<vmem>>
      %dma_start3A_244 = arith.constant 0 : i32
      %dma_start3A_245 = arith.constant 0 : i32
      %dma_start3A_246 = tpu.memref_slice %arg4[%dma_start3A_244, %dma_start3A_245] : memref<100352x16xf32, #tpu.memory_space<hbm>> -> memref<100352x16xf32, #tpu.memory_space<hbm>>
      tpu.enqueue_indirect_dma source(%dma_start3A_246 : memref<100352x16xf32, #tpu.memory_space<hbm>>) target(%dma_start3A_240 : memref<128x16xf32, #tpu.memory_space<vmem>>) offsets(%dma_start3A_243 : memref<128xi32, #tpu.memory_space<vmem>>) semaphore(%arg15 : memref<!tpu.dma_semaphore, #tpu.memory_space<semaphore_mem>>)
      %dma_start3A_247 = arith.constant 4 : i32
      %dma_start3A_248 = arith.constant 512 : i32
      %dma_start3A_249 = arith.constant 0 : i32
      %dma_start3A_250 = tpu.memref_slice %arg12[%dma_start3A_248, %dma_start3A_249] : memref<1024x16xf32, #tpu.memory_space<vmem>> -> memref<128x16xf32, #tpu.memory_space<vmem>>
      %dma_start3A_251 = arith.constant 0 : i32
      %dma_start3A_252 = tpu.memref_slice %arg10[%dma_start3A_247, %dma_start3A_251] : memref<8x128xi32, #tpu.memory_space<vmem>> -> memref<1x128xi32, #tpu.memory_space<vmem>>
      %dma_start3A_253 = tpu.memref_squeeze %dma_start3A_252 : memref<1x128xi32, #tpu.memory_space<vmem>> -> memref<128xi32, #tpu.memory_space<vmem>>
      %dma_start3A_254 = arith.constant 0 : i32
      %dma_start3A_255 = arith.constant 0 : i32
      %dma_start3A_256 = tpu.memref_slice %arg4[%dma_start3A_254, %dma_start3A_255] : memref<100352x16xf32, #tpu.memory_space<hbm>> -> memref<100352x16xf32, #tpu.memory_space<hbm>>
      tpu.enqueue_indirect_dma source(%dma_start3A_256 : memref<100352x16xf32, #tpu.memory_space<hbm>>) target(%dma_start3A_250 : memref<128x16xf32, #tpu.memory_space<vmem>>) offsets(%dma_start3A_253 : memref<128xi32, #tpu.memory_space<vmem>>) semaphore(%arg15 : memref<!tpu.dma_semaphore, #tpu.memory_space<semaphore_mem>>)
      %dma_start3A_257 = arith.constant 5 : i32
      %dma_start3A_258 = arith.constant 640 : i32
      %dma_start3A_259 = arith.constant 0 : i32
      %dma_start3A_260 = tpu.memref_slice %arg12[%dma_start3A_258, %dma_start3A_259] : memref<1024x16xf32, #tpu.memory_space<vmem>> -> memref<128x16xf32, #tpu.memory_space<vmem>>
      %dma_start3A_261 = arith.constant 0 : i32
      %dma_start3A_262 = tpu.memref_slice %arg10[%dma_start3A_257, %dma_start3A_261] : memref<8x128xi32, #tpu.memory_space<vmem>> -> memref<1x128xi32, #tpu.memory_space<vmem>>
      %dma_start3A_263 = tpu.memref_squeeze %dma_start3A_262 : memref<1x128xi32, #tpu.memory_space<vmem>> -> memref<128xi32, #tpu.memory_space<vmem>>
      %dma_start3A_264 = arith.constant 0 : i32
      %dma_start3A_265 = arith.constant 0 : i32
      %dma_start3A_266 = tpu.memref_slice %arg4[%dma_start3A_264, %dma_start3A_265] : memref<100352x16xf32, #tpu.memory_space<hbm>> -> memref<100352x16xf32, #tpu.memory_space<hbm>>
      tpu.enqueue_indirect_dma source(%dma_start3A_266 : memref<100352x16xf32, #tpu.memory_space<hbm>>) target(%dma_start3A_260 : memref<128x16xf32, #tpu.memory_space<vmem>>) offsets(%dma_start3A_263 : memref<128xi32, #tpu.memory_space<vmem>>) semaphore(%arg15 : memref<!tpu.dma_semaphore, #tpu.memory_space<semaphore_mem>>)
      %dma_start3A_267 = arith.constant 6 : i32
      %dma_start3A_268 = arith.constant 768 : i32
      %dma_start3A_269 = arith.constant 0 : i32
      %dma_start3A_270 = tpu.memref_slice %arg12[%dma_start3A_268, %dma_start3A_269] : memref<1024x16xf32, #tpu.memory_space<vmem>> -> memref<128x16xf32, #tpu.memory_space<vmem>>
      %dma_start3A_271 = arith.constant 0 : i32
      %dma_start3A_272 = tpu.memref_slice %arg10[%dma_start3A_267, %dma_start3A_271] : memref<8x128xi32, #tpu.memory_space<vmem>> -> memref<1x128xi32, #tpu.memory_space<vmem>>
      %dma_start3A_273 = tpu.memref_squeeze %dma_start3A_272 : memref<1x128xi32, #tpu.memory_space<vmem>> -> memref<128xi32, #tpu.memory_space<vmem>>
      %dma_start3A_274 = arith.constant 0 : i32
      %dma_start3A_275 = arith.constant 0 : i32
      %dma_start3A_276 = tpu.memref_slice %arg4[%dma_start3A_274, %dma_start3A_275] : memref<100352x16xf32, #tpu.memory_space<hbm>> -> memref<100352x16xf32, #tpu.memory_space<hbm>>
      tpu.enqueue_indirect_dma source(%dma_start3A_276 : memref<100352x16xf32, #tpu.memory_space<hbm>>) target(%dma_start3A_270 : memref<128x16xf32, #tpu.memory_space<vmem>>) offsets(%dma_start3A_273 : memref<128xi32, #tpu.memory_space<vmem>>) semaphore(%arg15 : memref<!tpu.dma_semaphore, #tpu.memory_space<semaphore_mem>>)
      %dma_start3A_277 = arith.constant 7 : i32
      %dma_start3A_278 = arith.constant 896 : i32
      %dma_start3A_279 = arith.constant 0 : i32
      %dma_start3A_280 = tpu.memref_slice %arg12[%dma_start3A_278, %dma_start3A_279] : memref<1024x16xf32, #tpu.memory_space<vmem>> -> memref<128x16xf32, #tpu.memory_space<vmem>>
      %dma_start3A_281 = arith.constant 0 : i32
      %dma_start3A_282 = tpu.memref_slice %arg10[%dma_start3A_277, %dma_start3A_281] : memref<8x128xi32, #tpu.memory_space<vmem>> -> memref<1x128xi32, #tpu.memory_space<vmem>>
      %dma_start3A_283 = tpu.memref_squeeze %dma_start3A_282 : memref<1x128xi32, #tpu.memory_space<vmem>> -> memref<128xi32, #tpu.memory_space<vmem>>
      %dma_start3A_284 = arith.constant 0 : i32
      %dma_start3A_285 = arith.constant 0 : i32
      %dma_start3A_286 = tpu.memref_slice %arg4[%dma_start3A_284, %dma_start3A_285] : memref<100352x16xf32, #tpu.memory_space<hbm>> -> memref<100352x16xf32, #tpu.memory_space<hbm>>
      tpu.enqueue_indirect_dma source(%dma_start3A_286 : memref<100352x16xf32, #tpu.memory_space<hbm>>) target(%dma_start3A_280 : memref<128x16xf32, #tpu.memory_space<vmem>>) offsets(%dma_start3A_283 : memref<128xi32, #tpu.memory_space<vmem>>) semaphore(%arg15 : memref<!tpu.dma_semaphore, #tpu.memory_space<semaphore_mem>>)
      %convert_element_type3A = arith.extui %lt3A_206 : i1 to i32
      %cond3A = arith.constant 0 : i32
      %cond3A_287 = arith.cmpi ne, %convert_element_type3A, %cond3A : i32
      scf.if %cond3A_287 {
        "tpu.region"() ({
          %run_scoped3A = tpu.sem_alloc : memref<!tpu.dma_semaphore, #tpu.memory_space<semaphore_mem>>
          %dma_start3A_380 = arith.constant 0 : i32
          %dma_start3A_381 = tpu.memref_slice %arg2[%add3A_205, %dma_start3A_380] : memref<25088x128xi32, #tpu.memory_space<hbm>> -> memref<8x128xi32, #tpu.memory_space<hbm>>
          %dma_start3A_382 = arith.constant 0 : i32
          %dma_start3A_383 = tpu.memref_slice %arg2[%add3A_205, %dma_start3A_382] : memref<25088x128xi32, #tpu.memory_space<hbm>> -> memref<8x128xi32, #tpu.memory_space<hbm>>
          tpu.enqueue_dma source(%dma_start3A_383 : memref<8x128xi32, #tpu.memory_space<hbm>>) target(%arg8 : memref<8x128xi32, #tpu.memory_space<vmem>>) target_semaphore(%run_scoped3A : memref<!tpu.dma_semaphore, #tpu.memory_space<semaphore_mem>>)
          %dma_wait3A_384 = arith.constant 0 : i32
          %dma_wait3A_385 = tpu.memref_slice %arg2[%add3A_205, %dma_wait3A_384] : memref<25088x128xi32, #tpu.memory_space<hbm>> -> memref<8x128xi32, #tpu.memory_space<hbm>>
          %dma_wait3A_386 = arith.constant 0 : i32
          %dma_wait3A_387 = tpu.memref_slice %arg2[%add3A_205, %dma_wait3A_386] : memref<25088x128xi32, #tpu.memory_space<hbm>> -> memref<8x128xi32, #tpu.memory_space<hbm>>
          tpu.wait_dma2 semaphore(%run_scoped3A : memref<!tpu.dma_semaphore, #tpu.memory_space<semaphore_mem>>) src(%dma_wait3A_387 : memref<8x128xi32, #tpu.memory_space<hbm>>) dst(%arg8 : memref<8x128xi32, #tpu.memory_space<vmem>>)
          tpu.yield
        }) : () -> ()
        "tpu.region"() ({
          %run_scoped3A = tpu.sem_alloc : memref<!tpu.dma_semaphore, #tpu.memory_space<semaphore_mem>>
          %dma_start3A_380 = arith.constant 0 : i32
          %dma_start3A_381 = tpu.memref_slice %arg3[%add3A_205, %dma_start3A_380] : memref<25088x128xi32, #tpu.memory_space<hbm>> -> memref<8x128xi32, #tpu.memory_space<hbm>>
          %dma_start3A_382 = arith.constant 0 : i32
          %dma_start3A_383 = tpu.memref_slice %arg3[%add3A_205, %dma_start3A_382] : memref<25088x128xi32, #tpu.memory_space<hbm>> -> memref<8x128xi32, #tpu.memory_space<hbm>>
          tpu.enqueue_dma source(%dma_start3A_383 : memref<8x128xi32, #tpu.memory_space<hbm>>) target(%arg9 : memref<8x128xi32, #tpu.memory_space<vmem>>) target_semaphore(%run_scoped3A : memref<!tpu.dma_semaphore, #tpu.memory_space<semaphore_mem>>)
          %dma_wait3A_384 = arith.constant 0 : i32
          %dma_wait3A_385 = tpu.memref_slice %arg3[%add3A_205, %dma_wait3A_384] : memref<25088x128xi32, #tpu.memory_space<hbm>> -> memref<8x128xi32, #tpu.memory_space<hbm>>
          %dma_wait3A_386 = arith.constant 0 : i32
          %dma_wait3A_387 = tpu.memref_slice %arg3[%add3A_205, %dma_wait3A_386] : memref<25088x128xi32, #tpu.memory_space<hbm>> -> memref<8x128xi32, #tpu.memory_space<hbm>>
          tpu.wait_dma2 semaphore(%run_scoped3A : memref<!tpu.dma_semaphore, #tpu.memory_space<semaphore_mem>>) src(%dma_wait3A_387 : memref<8x128xi32, #tpu.memory_space<hbm>>) dst(%arg9 : memref<8x128xi32, #tpu.memory_space<vmem>>)
          tpu.yield
        }) : () -> ()
      } else {
      }
      %dma_wait3A_288 = arith.constant 0 : i32
      %dma_wait3A_289 = arith.constant 0 : i32
      %dma_wait3A_290 = tpu.memref_slice %arg4[%dma_wait3A_288, %dma_wait3A_289] : memref<100352x16xf32, #tpu.memory_space<hbm>> -> memref<1024x16xf32, #tpu.memory_space<hbm>>
      %dma_wait3A_291 = arith.constant 0 : i32
      %dma_wait3A_292 = arith.constant 0 : i32
      %dma_wait3A_293 = tpu.memref_slice %arg4[%dma_wait3A_291, %dma_wait3A_292] : memref<100352x16xf32, #tpu.memory_space<hbm>> -> memref<1024x16xf32, #tpu.memory_space<hbm>>
      tpu.wait_dma2 semaphore(%arg15 : memref<!tpu.dma_semaphore, #tpu.memory_space<semaphore_mem>>) src(%dma_wait3A_293 : memref<1024x16xf32, #tpu.memory_space<hbm>>) dst(%arg12 : memref<1024x16xf32, #tpu.memory_space<vmem>>)
      %dma_start3A_294 = arith.constant 0 : i32
      %dma_start3A_295 = arith.constant 0 : i32
      %dma_start3A_296 = arith.constant 0 : i32
      %dma_start3A_297 = tpu.memref_slice %arg12[%dma_start3A_295, %dma_start3A_296] : memref<1024x16xf32, #tpu.memory_space<vmem>> -> memref<128x16xf32, #tpu.memory_space<vmem>>
      %dma_start3A_298 = arith.constant 0 : i32
      %dma_start3A_299 = tpu.memref_slice %arg11[%dma_start3A_294, %dma_start3A_298] : memref<8x128xi32, #tpu.memory_space<vmem>> -> memref<1x128xi32, #tpu.memory_space<vmem>>
      %dma_start3A_300 = tpu.memref_squeeze %dma_start3A_299 : memref<1x128xi32, #tpu.memory_space<vmem>> -> memref<128xi32, #tpu.memory_space<vmem>>
      %dma_start3A_301 = arith.constant 0 : i32
      %dma_start3A_302 = arith.constant 0 : i32
      %dma_start3A_303 = tpu.memref_slice %arg14[%dma_start3A_301, %dma_start3A_302] : memref<100352x16xf32, #tpu.memory_space<vmem_shared>> -> memref<100352x16xf32, #tpu.memory_space<vmem_shared>>
      tpu.enqueue_indirect_dma source(%dma_start3A_297 : memref<128x16xf32, #tpu.memory_space<vmem>>) target(%dma_start3A_303 : memref<100352x16xf32, #tpu.memory_space<vmem_shared>>) offsets(%dma_start3A_300 : memref<128xi32, #tpu.memory_space<vmem>>) semaphore(%arg16 : memref<!tpu.dma_semaphore, #tpu.memory_space<semaphore_mem>>) {add = true}
      %dma_start3A_304 = arith.constant 1 : i32
      %dma_start3A_305 = arith.constant 128 : i32
      %dma_start3A_306 = arith.constant 0 : i32
      %dma_start3A_307 = tpu.memref_slice %arg12[%dma_start3A_305, %dma_start3A_306] : memref<1024x16xf32, #tpu.memory_space<vmem>> -> memref<128x16xf32, #tpu.memory_space<vmem>>
      %dma_start3A_308 = arith.constant 0 : i32
      %dma_start3A_309 = tpu.memref_slice %arg11[%dma_start3A_304, %dma_start3A_308] : memref<8x128xi32, #tpu.memory_space<vmem>> -> memref<1x128xi32, #tpu.memory_space<vmem>>
      %dma_start3A_310 = tpu.memref_squeeze %dma_start3A_309 : memref<1x128xi32, #tpu.memory_space<vmem>> -> memref<128xi32, #tpu.memory_space<vmem>>
      %dma_start3A_311 = arith.constant 0 : i32
      %dma_start3A_312 = arith.constant 0 : i32
      %dma_start3A_313 = tpu.memref_slice %arg14[%dma_start3A_311, %dma_start3A_312] : memref<100352x16xf32, #tpu.memory_space<vmem_shared>> -> memref<100352x16xf32, #tpu.memory_space<vmem_shared>>
      tpu.enqueue_indirect_dma source(%dma_start3A_307 : memref<128x16xf32, #tpu.memory_space<vmem>>) target(%dma_start3A_313 : memref<100352x16xf32, #tpu.memory_space<vmem_shared>>) offsets(%dma_start3A_310 : memref<128xi32, #tpu.memory_space<vmem>>) semaphore(%arg16 : memref<!tpu.dma_semaphore, #tpu.memory_space<semaphore_mem>>) {add = true}
      %dma_start3A_314 = arith.constant 2 : i32
      %dma_start3A_315 = arith.constant 256 : i32
      %dma_start3A_316 = arith.constant 0 : i32
      %dma_start3A_317 = tpu.memref_slice %arg12[%dma_start3A_315, %dma_start3A_316] : memref<1024x16xf32, #tpu.memory_space<vmem>> -> memref<128x16xf32, #tpu.memory_space<vmem>>
      %dma_start3A_318 = arith.constant 0 : i32
      %dma_start3A_319 = tpu.memref_slice %arg11[%dma_start3A_314, %dma_start3A_318] : memref<8x128xi32, #tpu.memory_space<vmem>> -> memref<1x128xi32, #tpu.memory_space<vmem>>
      %dma_start3A_320 = tpu.memref_squeeze %dma_start3A_319 : memref<1x128xi32, #tpu.memory_space<vmem>> -> memref<128xi32, #tpu.memory_space<vmem>>
      %dma_start3A_321 = arith.constant 0 : i32
      %dma_start3A_322 = arith.constant 0 : i32
      %dma_start3A_323 = tpu.memref_slice %arg14[%dma_start3A_321, %dma_start3A_322] : memref<100352x16xf32, #tpu.memory_space<vmem_shared>> -> memref<100352x16xf32, #tpu.memory_space<vmem_shared>>
      tpu.enqueue_indirect_dma source(%dma_start3A_317 : memref<128x16xf32, #tpu.memory_space<vmem>>) target(%dma_start3A_323 : memref<100352x16xf32, #tpu.memory_space<vmem_shared>>) offsets(%dma_start3A_320 : memref<128xi32, #tpu.memory_space<vmem>>) semaphore(%arg16 : memref<!tpu.dma_semaphore, #tpu.memory_space<semaphore_mem>>) {add = true}
      %dma_start3A_324 = arith.constant 3 : i32
      %dma_start3A_325 = arith.constant 384 : i32
      %dma_start3A_326 = arith.constant 0 : i32
      %dma_start3A_327 = tpu.memref_slice %arg12[%dma_start3A_325, %dma_start3A_326] : memref<1024x16xf32, #tpu.memory_space<vmem>> -> memref<128x16xf32, #tpu.memory_space<vmem>>
      %dma_start3A_328 = arith.constant 0 : i32
      %dma_start3A_329 = tpu.memref_slice %arg11[%dma_start3A_324, %dma_start3A_328] : memref<8x128xi32, #tpu.memory_space<vmem>> -> memref<1x128xi32, #tpu.memory_space<vmem>>
      %dma_start3A_330 = tpu.memref_squeeze %dma_start3A_329 : memref<1x128xi32, #tpu.memory_space<vmem>> -> memref<128xi32, #tpu.memory_space<vmem>>
      %dma_start3A_331 = arith.constant 0 : i32
      %dma_start3A_332 = arith.constant 0 : i32
      %dma_start3A_333 = tpu.memref_slice %arg14[%dma_start3A_331, %dma_start3A_332] : memref<100352x16xf32, #tpu.memory_space<vmem_shared>> -> memref<100352x16xf32, #tpu.memory_space<vmem_shared>>
      tpu.enqueue_indirect_dma source(%dma_start3A_327 : memref<128x16xf32, #tpu.memory_space<vmem>>) target(%dma_start3A_333 : memref<100352x16xf32, #tpu.memory_space<vmem_shared>>) offsets(%dma_start3A_330 : memref<128xi32, #tpu.memory_space<vmem>>) semaphore(%arg16 : memref<!tpu.dma_semaphore, #tpu.memory_space<semaphore_mem>>) {add = true}
      %dma_start3A_334 = arith.constant 4 : i32
      %dma_start3A_335 = arith.constant 512 : i32
      %dma_start3A_336 = arith.constant 0 : i32
      %dma_start3A_337 = tpu.memref_slice %arg12[%dma_start3A_335, %dma_start3A_336] : memref<1024x16xf32, #tpu.memory_space<vmem>> -> memref<128x16xf32, #tpu.memory_space<vmem>>
      %dma_start3A_338 = arith.constant 0 : i32
      %dma_start3A_339 = tpu.memref_slice %arg11[%dma_start3A_334, %dma_start3A_338] : memref<8x128xi32, #tpu.memory_space<vmem>> -> memref<1x128xi32, #tpu.memory_space<vmem>>
      %dma_start3A_340 = tpu.memref_squeeze %dma_start3A_339 : memref<1x128xi32, #tpu.memory_space<vmem>> -> memref<128xi32, #tpu.memory_space<vmem>>
      %dma_start3A_341 = arith.constant 0 : i32
      %dma_start3A_342 = arith.constant 0 : i32
      %dma_start3A_343 = tpu.memref_slice %arg14[%dma_start3A_341, %dma_start3A_342] : memref<100352x16xf32, #tpu.memory_space<vmem_shared>> -> memref<100352x16xf32, #tpu.memory_space<vmem_shared>>
      tpu.enqueue_indirect_dma source(%dma_start3A_337 : memref<128x16xf32, #tpu.memory_space<vmem>>) target(%dma_start3A_343 : memref<100352x16xf32, #tpu.memory_space<vmem_shared>>) offsets(%dma_start3A_340 : memref<128xi32, #tpu.memory_space<vmem>>) semaphore(%arg16 : memref<!tpu.dma_semaphore, #tpu.memory_space<semaphore_mem>>) {add = true}
      %dma_start3A_344 = arith.constant 5 : i32
      %dma_start3A_345 = arith.constant 640 : i32
      %dma_start3A_346 = arith.constant 0 : i32
      %dma_start3A_347 = tpu.memref_slice %arg12[%dma_start3A_345, %dma_start3A_346] : memref<1024x16xf32, #tpu.memory_space<vmem>> -> memref<128x16xf32, #tpu.memory_space<vmem>>
      %dma_start3A_348 = arith.constant 0 : i32
      %dma_start3A_349 = tpu.memref_slice %arg11[%dma_start3A_344, %dma_start3A_348] : memref<8x128xi32, #tpu.memory_space<vmem>> -> memref<1x128xi32, #tpu.memory_space<vmem>>
      %dma_start3A_350 = tpu.memref_squeeze %dma_start3A_349 : memref<1x128xi32, #tpu.memory_space<vmem>> -> memref<128xi32, #tpu.memory_space<vmem>>
      %dma_start3A_351 = arith.constant 0 : i32
      %dma_start3A_352 = arith.constant 0 : i32
      %dma_start3A_353 = tpu.memref_slice %arg14[%dma_start3A_351, %dma_start3A_352] : memref<100352x16xf32, #tpu.memory_space<vmem_shared>> -> memref<100352x16xf32, #tpu.memory_space<vmem_shared>>
      tpu.enqueue_indirect_dma source(%dma_start3A_347 : memref<128x16xf32, #tpu.memory_space<vmem>>) target(%dma_start3A_353 : memref<100352x16xf32, #tpu.memory_space<vmem_shared>>) offsets(%dma_start3A_350 : memref<128xi32, #tpu.memory_space<vmem>>) semaphore(%arg16 : memref<!tpu.dma_semaphore, #tpu.memory_space<semaphore_mem>>) {add = true}
      %dma_start3A_354 = arith.constant 6 : i32
      %dma_start3A_355 = arith.constant 768 : i32
      %dma_start3A_356 = arith.constant 0 : i32
      %dma_start3A_357 = tpu.memref_slice %arg12[%dma_start3A_355, %dma_start3A_356] : memref<1024x16xf32, #tpu.memory_space<vmem>> -> memref<128x16xf32, #tpu.memory_space<vmem>>
      %dma_start3A_358 = arith.constant 0 : i32
      %dma_start3A_359 = tpu.memref_slice %arg11[%dma_start3A_354, %dma_start3A_358] : memref<8x128xi32, #tpu.memory_space<vmem>> -> memref<1x128xi32, #tpu.memory_space<vmem>>
      %dma_start3A_360 = tpu.memref_squeeze %dma_start3A_359 : memref<1x128xi32, #tpu.memory_space<vmem>> -> memref<128xi32, #tpu.memory_space<vmem>>
      %dma_start3A_361 = arith.constant 0 : i32
      %dma_start3A_362 = arith.constant 0 : i32
      %dma_start3A_363 = tpu.memref_slice %arg14[%dma_start3A_361, %dma_start3A_362] : memref<100352x16xf32, #tpu.memory_space<vmem_shared>> -> memref<100352x16xf32, #tpu.memory_space<vmem_shared>>
      tpu.enqueue_indirect_dma source(%dma_start3A_357 : memref<128x16xf32, #tpu.memory_space<vmem>>) target(%dma_start3A_363 : memref<100352x16xf32, #tpu.memory_space<vmem_shared>>) offsets(%dma_start3A_360 : memref<128xi32, #tpu.memory_space<vmem>>) semaphore(%arg16 : memref<!tpu.dma_semaphore, #tpu.memory_space<semaphore_mem>>) {add = true}
      %dma_start3A_364 = arith.constant 7 : i32
      %dma_start3A_365 = arith.constant 896 : i32
      %dma_start3A_366 = arith.constant 0 : i32
      %dma_start3A_367 = tpu.memref_slice %arg12[%dma_start3A_365, %dma_start3A_366] : memref<1024x16xf32, #tpu.memory_space<vmem>> -> memref<128x16xf32, #tpu.memory_space<vmem>>
      %dma_start3A_368 = arith.constant 0 : i32
      %dma_start3A_369 = tpu.memref_slice %arg11[%dma_start3A_364, %dma_start3A_368] : memref<8x128xi32, #tpu.memory_space<vmem>> -> memref<1x128xi32, #tpu.memory_space<vmem>>
      %dma_start3A_370 = tpu.memref_squeeze %dma_start3A_369 : memref<1x128xi32, #tpu.memory_space<vmem>> -> memref<128xi32, #tpu.memory_space<vmem>>
      %dma_start3A_371 = arith.constant 0 : i32
      %dma_start3A_372 = arith.constant 0 : i32
      %dma_start3A_373 = tpu.memref_slice %arg14[%dma_start3A_371, %dma_start3A_372] : memref<100352x16xf32, #tpu.memory_space<vmem_shared>> -> memref<100352x16xf32, #tpu.memory_space<vmem_shared>>
      tpu.enqueue_indirect_dma source(%dma_start3A_367 : memref<128x16xf32, #tpu.memory_space<vmem>>) target(%dma_start3A_373 : memref<100352x16xf32, #tpu.memory_space<vmem_shared>>) offsets(%dma_start3A_370 : memref<128xi32, #tpu.memory_space<vmem>>) semaphore(%arg16 : memref<!tpu.dma_semaphore, #tpu.memory_space<semaphore_mem>>) {add = true}
      %dma_wait3A_374 = arith.constant 0 : i32
      %dma_wait3A_375 = arith.constant 0 : i32
      %dma_wait3A_376 = tpu.memref_slice %arg4[%dma_wait3A_374, %dma_wait3A_375] : memref<100352x16xf32, #tpu.memory_space<hbm>> -> memref<1024x16xf32, #tpu.memory_space<hbm>>
      %dma_wait3A_377 = arith.constant 0 : i32
      %dma_wait3A_378 = arith.constant 0 : i32
      %dma_wait3A_379 = tpu.memref_slice %arg4[%dma_wait3A_377, %dma_wait3A_378] : memref<100352x16xf32, #tpu.memory_space<hbm>> -> memref<1024x16xf32, #tpu.memory_space<hbm>>
      tpu.wait_dma2 semaphore(%arg16 : memref<!tpu.dma_semaphore, #tpu.memory_space<semaphore_mem>>) src(%dma_wait3A_379 : memref<1024x16xf32, #tpu.memory_space<hbm>>) dst(%arg12 : memref<1024x16xf32, #tpu.memory_space<vmem>>)
    }
    %scan3A_13 = arith.constant 49 : i32
    %barrier3A_14 = arith.constant 0 : index
    tpu.barrier barrier_id(%barrier3A_14)
    %scan3A_15 = arith.constant 0 : i32
    %scan3A_16 = arith.constant 0 : i32
    %scan3A_17 = arith.constant 16 : i32
    %scan3A_18 = arith.addi %scan3A_16, %scan3A_17 : i32
    %scan3A_19 = arith.constant 1 : i32
    scf.for %scan3A_21 = %scan3A_16 to %scan3A_18 step %scan3A_19  : i32 {
      %mul3A_22 = arith.constant 6272 : i32
      %mul3A_23 = arith.muli %arg1, %mul3A_22 : i32
      %mul3A_24 = arith.constant 392 : i32
      %mul3A_25 = arith.muli %scan3A_21, %mul3A_24 : i32
      %add3A_26 = arith.addi %mul3A_23, %mul3A_25 : i32
      "tpu.region"() ({
        %run_scoped3A = tpu.sem_alloc : memref<!tpu.dma_semaphore, #tpu.memory_space<semaphore_mem>>
        %dma_start3A = arith.constant 0 : i32
        %dma_start3A_34 = tpu.memref_slice %arg14[%add3A_26, %dma_start3A] : memref<100352x16xf32, #tpu.memory_space<vmem_shared>> -> memref<392x16xf32, #tpu.memory_space<vmem_shared>>
        %dma_start3A_35 = arith.constant 0 : i32
        %dma_start3A_36 = tpu.memref_slice %arg14[%add3A_26, %dma_start3A_35] : memref<100352x16xf32, #tpu.memory_space<vmem_shared>> -> memref<392x16xf32, #tpu.memory_space<vmem_shared>>
        tpu.enqueue_dma source(%dma_start3A_36 : memref<392x16xf32, #tpu.memory_space<vmem_shared>>) target(%arg13 : memref<392x16xf32, #tpu.memory_space<vmem>>) target_semaphore(%run_scoped3A : memref<!tpu.dma_semaphore, #tpu.memory_space<semaphore_mem>>)
        %dma_wait3A = arith.constant 0 : i32
        %dma_wait3A_37 = tpu.memref_slice %arg14[%add3A_26, %dma_wait3A] : memref<100352x16xf32, #tpu.memory_space<vmem_shared>> -> memref<392x16xf32, #tpu.memory_space<vmem_shared>>
        %dma_wait3A_38 = arith.constant 0 : i32
        %dma_wait3A_39 = tpu.memref_slice %arg14[%add3A_26, %dma_wait3A_38] : memref<100352x16xf32, #tpu.memory_space<vmem_shared>> -> memref<392x16xf32, #tpu.memory_space<vmem_shared>>
        tpu.wait_dma2 semaphore(%run_scoped3A : memref<!tpu.dma_semaphore, #tpu.memory_space<semaphore_mem>>) src(%dma_wait3A_39 : memref<392x16xf32, #tpu.memory_space<vmem_shared>>) dst(%arg13 : memref<392x16xf32, #tpu.memory_space<vmem>>)
        tpu.yield
      }) : () -> ()
      %eq3A = arith.constant 0 : i32
      %eq3A_27 = arith.cmpi eq, %arg0, %eq3A : i32
      %convert_element_type3A = arith.extui %eq3A_27 : i1 to i32
      %cond3A = arith.constant 0 : i32
      %cond3A_28 = arith.cmpi ne, %convert_element_type3A, %cond3A : i32
      scf.if %cond3A_28 {
        "tpu.region"() ({
          %run_scoped3A = tpu.sem_alloc : memref<!tpu.dma_semaphore, #tpu.memory_space<semaphore_mem>>
          %dma_start3A = arith.constant 0 : i32
          %dma_start3A_34 = tpu.memref_slice %arg6[%add3A_26, %dma_start3A] : memref<100352x16xf32, #tpu.memory_space<hbm>> -> memref<392x16xf32, #tpu.memory_space<hbm>>
          %dma_start3A_35 = arith.constant 0 : i32
          %dma_start3A_36 = tpu.memref_slice %arg6[%add3A_26, %dma_start3A_35] : memref<100352x16xf32, #tpu.memory_space<hbm>> -> memref<392x16xf32, #tpu.memory_space<hbm>>
          tpu.enqueue_dma source(%arg13 : memref<392x16xf32, #tpu.memory_space<vmem>>) target(%dma_start3A_36 : memref<392x16xf32, #tpu.memory_space<hbm>>) target_semaphore(%run_scoped3A : memref<!tpu.dma_semaphore, #tpu.memory_space<semaphore_mem>>)
          %dma_wait3A = arith.constant 0 : i32
          %dma_wait3A_37 = tpu.memref_slice %arg6[%add3A_26, %dma_wait3A] : memref<100352x16xf32, #tpu.memory_space<hbm>> -> memref<392x16xf32, #tpu.memory_space<hbm>>
          %dma_wait3A_38 = arith.constant 0 : i32
          %dma_wait3A_39 = tpu.memref_slice %arg6[%add3A_26, %dma_wait3A_38] : memref<100352x16xf32, #tpu.memory_space<hbm>> -> memref<392x16xf32, #tpu.memory_space<hbm>>
          tpu.wait_dma2 semaphore(%run_scoped3A : memref<!tpu.dma_semaphore, #tpu.memory_space<semaphore_mem>>) src(%arg13 : memref<392x16xf32, #tpu.memory_space<vmem>>) dst(%dma_wait3A_39 : memref<392x16xf32, #tpu.memory_space<hbm>>)
          tpu.yield
        }) : () -> ()
      } else {
      }
      %eq3A_29 = arith.constant 1 : i32
      %eq3A_30 = arith.cmpi eq, %arg0, %eq3A_29 : i32
      %convert_element_type3A_31 = arith.extui %eq3A_30 : i1 to i32
      %cond3A_32 = arith.constant 0 : i32
      %cond3A_33 = arith.cmpi ne, %convert_element_type3A_31, %cond3A_32 : i32
      scf.if %cond3A_33 {
        "tpu.region"() ({
          %run_scoped3A = tpu.sem_alloc : memref<!tpu.dma_semaphore, #tpu.memory_space<semaphore_mem>>
          %dma_start3A = arith.constant 0 : i32
          %dma_start3A_34 = tpu.memref_slice %arg7[%add3A_26, %dma_start3A] : memref<100352x16xf32, #tpu.memory_space<hbm>> -> memref<392x16xf32, #tpu.memory_space<hbm>>
          %dma_start3A_35 = arith.constant 0 : i32
          %dma_start3A_36 = tpu.memref_slice %arg7[%add3A_26, %dma_start3A_35] : memref<100352x16xf32, #tpu.memory_space<hbm>> -> memref<392x16xf32, #tpu.memory_space<hbm>>
          tpu.enqueue_dma source(%arg13 : memref<392x16xf32, #tpu.memory_space<vmem>>) target(%dma_start3A_36 : memref<392x16xf32, #tpu.memory_space<hbm>>) target_semaphore(%run_scoped3A : memref<!tpu.dma_semaphore, #tpu.memory_space<semaphore_mem>>)
          %dma_wait3A = arith.constant 0 : i32
          %dma_wait3A_37 = tpu.memref_slice %arg7[%add3A_26, %dma_wait3A] : memref<100352x16xf32, #tpu.memory_space<hbm>> -> memref<392x16xf32, #tpu.memory_space<hbm>>
          %dma_wait3A_38 = arith.constant 0 : i32
          %dma_wait3A_39 = tpu.memref_slice %arg7[%add3A_26, %dma_wait3A_38] : memref<100352x16xf32, #tpu.memory_space<hbm>> -> memref<392x16xf32, #tpu.memory_space<hbm>>
          tpu.wait_dma2 semaphore(%run_scoped3A : memref<!tpu.dma_semaphore, #tpu.memory_space<semaphore_mem>>) src(%arg13 : memref<392x16xf32, #tpu.memory_space<vmem>>) dst(%dma_wait3A_39 : memref<392x16xf32, #tpu.memory_space<hbm>>)
          tpu.yield
        }) : () -> ()
      } else {
      }
    }
    %scan3A_20 = arith.constant 16 : i32
    return
  }
}

module attributes {stable_mosaic.version = 14 : i64} {
  func.func @_mm_body(%arg0: i32, %arg1: memref<1433x1024xf32, #tpu.memory_space<vmem>>, %arg2: memref<1433x16xf32, #tpu.memory_space<vmem>>, %arg3: memref<1024xf32, #tpu.memory_space<vmem>>, %arg4: memref<1024xf32, #tpu.memory_space<vmem>>, %arg5: memref<1024x16xf32, #tpu.memory_space<vmem>>) attributes {dimension_semantics = [#tpu.dimension_semantics<arbitrary>], iteration_bounds = array<i64: 98>, scalar_prefetch = 0 : i64, scratch_operands = 0 : i64, tpu.core_type = #tpu.core_type<tc>, window_params = [{transform_indices = @transform_0, window_bounds = array<i64: 1433, 1024>}, {pipeline_mode = #tpu.pipeline_mode<synchronous>, transform_indices = @transform_1, window_bounds = array<i64: 1433, 16>}, {transform_indices = @transform_2, window_bounds = array<i64: 1024>}, {transform_indices = @transform_3, window_bounds = array<i64: 1024>}, {transform_indices = @transform_4, window_bounds = array<i64: 1024, 16>}]} {
    %get3A = arith.constant 0 : index
    %get3A_0 = arith.constant 0 : index
    %get3A_1 = vector.load %arg1[%get3A, %get3A_0] : memref<1433x1024xf32, #tpu.memory_space<vmem>>, vector<1433x1024xf32>
    %get3A_2 = arith.constant 0 : index
    %get3A_3 = arith.constant 0 : index
    %get3A_4 = vector.load %arg2[%get3A_2, %get3A_3] : memref<1433x16xf32, #tpu.memory_space<vmem>>, vector<1433x16xf32>
    %dot_general3A = arith.constant dense<0.000000e+00> : vector<1024x16xf32>
    %dot_general3A_5 = tpu.matmul %get3A_1, %get3A_4, %dot_general3A {dimension_numbers = #tpu.dot_dimension_numbers<[0], [0], [1], [1], [0, 1, 1, 1], [], []>, transpose_lhs_hint = false} : vector<1433x1024xf32>, vector<1433x16xf32>, vector<1024x16xf32> -> vector<1024x16xf32>
    %get3A_6 = arith.constant 0 : index
    %get3A_7 = vector.load %arg3[%get3A_6] : memref<1024xf32, #tpu.memory_space<vmem>>, vector<1024xf32>
    %get3A_8 = arith.constant 0 : index
    %get3A_9 = vector.load %arg4[%get3A_8] : memref<1024xf32, #tpu.memory_space<vmem>>, vector<1024xf32>
    %add3A = arith.addf %get3A_7, %get3A_9 : vector<1024xf32>
    %add3A_10 = arith.constant 1.000000e+00 : f32
    %add3A_11 = vector.broadcast %add3A_10 : f32 to vector<1024xf32>
    %add3A_12 = arith.addf %add3A, %add3A_11 : vector<1024xf32>
    %rsqrt3A = math.rsqrt %add3A_12 : vector<1024xf32>
    %reshape3A = vector.shape_cast %rsqrt3A : vector<1024xf32> to vector<1024x1xf32>
    %mul3A = vector.broadcast %reshape3A : vector<1024x1xf32> to vector<1024x16xf32>
    %mul3A_13 = arith.mulf %dot_general3A_5, %mul3A : vector<1024x16xf32>
    %swap3A = arith.constant 0 : index
    %swap3A_14 = arith.constant 0 : index
    %swap3A_15 = vector.load %arg5[%swap3A, %swap3A_14] : memref<1024x16xf32, #tpu.memory_space<vmem>>, vector<1024x16xf32>
    tpu.vector_store %arg5[%swap3A, %swap3A_14], %mul3A_13 {strides = array<i32>} : memref<1024x16xf32, #tpu.memory_space<vmem>>, vector<1024x16xf32>,
    return
  }
  func.func @transform_0(%arg0: i32) -> (i32, i32) {
    %c0_i32 = arith.constant 0 : i32
    %c0_i32_0 = arith.constant 0 : i32
    return %c0_i32, %arg0 : i32, i32
  }
  func.func @transform_1(%arg0: i32) -> (i32, i32) {
    %c0_i32 = arith.constant 0 : i32
    %c0_i32_0 = arith.constant 0 : i32
    %c0_i32_1 = arith.constant 0 : i32
    return %c0_i32, %c0_i32_0 : i32, i32
  }
  func.func @transform_2(%arg0: i32) -> i32 {
    %c0_i32 = arith.constant 0 : i32
    return %arg0 : i32
  }
  func.func @transform_3(%arg0: i32) -> i32 {
    %c0_i32 = arith.constant 0 : i32
    return %arg0 : i32
  }
  func.func @transform_4(%arg0: i32) -> (i32, i32) {
    %c0_i32 = arith.constant 0 : i32
    %c0_i32_0 = arith.constant 0 : i32
    return %arg0, %c0_i32 : i32, i32
  }
}

module attributes {stable_mosaic.version = 14 : i64} {
  func.func @_mid_body(%arg0: i32, %arg1: memref<896x128xf32, #tpu.memory_space<vmem>>, %arg2: memref<896x128xf32, #tpu.memory_space<vmem>>, %arg3: memref<896x128xf32, #tpu.memory_space<vmem>>, %arg4: memref<896x128xf32, #tpu.memory_space<vmem>>, %arg5: memref<896x128xf32, #tpu.memory_space<vmem>>, %arg6: memref<128xf32, #tpu.memory_space<vmem>>, %arg7: memref<128x64xf32, #tpu.memory_space<vmem>>, %arg8: memref<896x64xf32, #tpu.memory_space<vmem>>) attributes {dimension_semantics = [#tpu.dimension_semantics<arbitrary>], iteration_bounds = array<i64: 14>, scalar_prefetch = 0 : i64, scratch_operands = 0 : i64, tpu.core_type = #tpu.core_type<tc>, window_params = [{transform_indices = @transform_0, window_bounds = array<i64: 896, 128>}, {transform_indices = @transform_1, window_bounds = array<i64: 896, 128>}, {transform_indices = @transform_2, window_bounds = array<i64: 896, 128>}, {transform_indices = @transform_3, window_bounds = array<i64: 896, 128>}, {transform_indices = @transform_4, window_bounds = array<i64: 896, 128>}, {pipeline_mode = #tpu.pipeline_mode<synchronous>, transform_indices = @transform_5, window_bounds = array<i64: 128>}, {pipeline_mode = #tpu.pipeline_mode<synchronous>, transform_indices = @transform_6, window_bounds = array<i64: 128, 64>}, {transform_indices = @transform_7, window_bounds = array<i64: 896, 64>}]} {
    %get3A = arith.constant 0 : index
    %get3A_0 = arith.constant 0 : index
    %get3A_1 = vector.load %arg4[%get3A, %get3A_0] : memref<896x128xf32, #tpu.memory_space<vmem>>, vector<896x128xf32>
    %get3A_2 = arith.constant 0 : index
    %get3A_3 = arith.constant 0 : index
    %get3A_4 = vector.load %arg5[%get3A_2, %get3A_3] : memref<896x128xf32, #tpu.memory_space<vmem>>, vector<896x128xf32>
    %add3A = arith.addf %get3A_1, %get3A_4 : vector<896x128xf32>
    %add3A_5 = arith.constant 1.000000e+00 : f32
    %add3A_6 = vector.broadcast %add3A_5 : f32 to vector<896x128xf32>
    %add3A_7 = arith.addf %add3A, %add3A_6 : vector<896x128xf32>
    %rsqrt3A = math.rsqrt %add3A_7 : vector<896x128xf32>
    %get3A_8 = arith.constant 0 : index
    %get3A_9 = arith.constant 0 : index
    %get3A_10 = vector.load %arg1[%get3A_8, %get3A_9] : memref<896x128xf32, #tpu.memory_space<vmem>>, vector<896x128xf32>
    %get3A_11 = arith.constant 0 : index
    %get3A_12 = arith.constant 0 : index
    %get3A_13 = vector.load %arg2[%get3A_11, %get3A_12] : memref<896x128xf32, #tpu.memory_space<vmem>>, vector<896x128xf32>
    %add3A_14 = arith.addf %get3A_10, %get3A_13 : vector<896x128xf32>
    %get3A_15 = arith.constant 0 : index
    %get3A_16 = arith.constant 0 : index
    %get3A_17 = vector.load %arg3[%get3A_15, %get3A_16] : memref<896x128xf32, #tpu.memory_space<vmem>>, vector<896x128xf32>
    %add3A_18 = arith.addf %add3A_14, %get3A_17 : vector<896x128xf32>
    %mul3A = arith.mulf %add3A_18, %rsqrt3A : vector<896x128xf32>
    %get3A_19 = arith.constant 0 : index
    %get3A_20 = vector.load %arg6[%get3A_19] : memref<128xf32, #tpu.memory_space<vmem>>, vector<128xf32>
    %broadcast_in_dim3A = vector.shape_cast %get3A_20 : vector<128xf32> to vector<1x128xf32>
    %add3A_21 = vector.broadcast %broadcast_in_dim3A : vector<1x128xf32> to vector<896x128xf32>
    %add3A_22 = arith.addf %mul3A, %add3A_21 : vector<896x128xf32>
    %max3A = arith.constant 0.000000e+00 : f32
    %max3A_23 = vector.broadcast %max3A : f32 to vector<896x128xf32>
    %max3A_24 = arith.maximumf %add3A_22, %max3A_23 : vector<896x128xf32>
    %get3A_25 = arith.constant 0 : index
    %get3A_26 = arith.constant 0 : index
    %get3A_27 = vector.load %arg7[%get3A_25, %get3A_26] : memref<128x64xf32, #tpu.memory_space<vmem>>, vector<128x64xf32>
    %dot_general3A = arith.constant dense<0.000000e+00> : vector<896x64xf32>
    %dot_general3A_28 = tpu.matmul %max3A_24, %get3A_27, %dot_general3A {dimension_numbers = #tpu.dot_dimension_numbers<[1], [0], [0], [1], [0, 0, 1, 1], [], []>, transpose_lhs_hint = false} : vector<896x128xf32>, vector<128x64xf32>, vector<896x64xf32> -> vector<896x64xf32>
    %slice3A = vector.extract_strided_slice %rsqrt3A {offsets = [0, 0], sizes = [896, 8], strides = [1, 1]} : vector<896x128xf32> to vector<896x8xf32>
    %slice3A_29 = vector.extract_strided_slice %rsqrt3A {offsets = [0, 16], sizes = [896, 8], strides = [1, 1]} : vector<896x128xf32> to vector<896x8xf32>
    %slice3A_30 = vector.extract_strided_slice %rsqrt3A {offsets = [0, 32], sizes = [896, 8], strides = [1, 1]} : vector<896x128xf32> to vector<896x8xf32>
    %slice3A_31 = vector.extract_strided_slice %rsqrt3A {offsets = [0, 48], sizes = [896, 8], strides = [1, 1]} : vector<896x128xf32> to vector<896x8xf32>
    %slice3A_32 = vector.extract_strided_slice %rsqrt3A {offsets = [0, 64], sizes = [896, 8], strides = [1, 1]} : vector<896x128xf32> to vector<896x8xf32>
    %slice3A_33 = vector.extract_strided_slice %rsqrt3A {offsets = [0, 80], sizes = [896, 8], strides = [1, 1]} : vector<896x128xf32> to vector<896x8xf32>
    %slice3A_34 = vector.extract_strided_slice %rsqrt3A {offsets = [0, 96], sizes = [896, 8], strides = [1, 1]} : vector<896x128xf32> to vector<896x8xf32>
    %slice3A_35 = vector.extract_strided_slice %rsqrt3A {offsets = [0, 112], sizes = [896, 8], strides = [1, 1]} : vector<896x128xf32> to vector<896x8xf32>
    %concatenate3A = tpu.concatenate %slice3A, %slice3A_29, %slice3A_30, %slice3A_31, %slice3A_32, %slice3A_33, %slice3A_34, %slice3A_35 in 1 : vector<896x8xf32>, vector<896x8xf32>, vector<896x8xf32>, vector<896x8xf32>, vector<896x8xf32>, vector<896x8xf32>, vector<896x8xf32>, vector<896x8xf32> -> vector<896x64xf32>
    %mul3A_36 = arith.mulf %dot_general3A_28, %concatenate3A : vector<896x64xf32>
    %swap3A = arith.constant 0 : index
    %swap3A_37 = arith.constant 0 : index
    %swap3A_38 = vector.load %arg8[%swap3A, %swap3A_37] : memref<896x64xf32, #tpu.memory_space<vmem>>, vector<896x64xf32>
    tpu.vector_store %arg8[%swap3A, %swap3A_37], %mul3A_36 {strides = array<i32>} : memref<896x64xf32, #tpu.memory_space<vmem>>, vector<896x64xf32>,
    return
  }
  func.func @transform_0(%arg0: i32) -> (i32, i32) {
    %c0_i32 = arith.constant 0 : i32
    %c0_i32_0 = arith.constant 0 : i32
    return %arg0, %c0_i32 : i32, i32
  }
  func.func @transform_1(%arg0: i32) -> (i32, i32) {
    %c0_i32 = arith.constant 0 : i32
    %c0_i32_0 = arith.constant 0 : i32
    return %arg0, %c0_i32 : i32, i32
  }
  func.func @transform_2(%arg0: i32) -> (i32, i32) {
    %c0_i32 = arith.constant 0 : i32
    %c0_i32_0 = arith.constant 0 : i32
    return %arg0, %c0_i32 : i32, i32
  }
  func.func @transform_3(%arg0: i32) -> (i32, i32) {
    %c0_i32 = arith.constant 0 : i32
    %c0_i32_0 = arith.constant 0 : i32
    return %arg0, %c0_i32 : i32, i32
  }
  func.func @transform_4(%arg0: i32) -> (i32, i32) {
    %c0_i32 = arith.constant 0 : i32
    %c0_i32_0 = arith.constant 0 : i32
    return %arg0, %c0_i32 : i32, i32
  }
  func.func @transform_5(%arg0: i32) -> i32 {
    %c0_i32 = arith.constant 0 : i32
    %c0_i32_0 = arith.constant 0 : i32
    return %c0_i32 : i32
  }
  func.func @transform_6(%arg0: i32) -> (i32, i32) {
    %c0_i32 = arith.constant 0 : i32
    %c0_i32_0 = arith.constant 0 : i32
    %c0_i32_1 = arith.constant 0 : i32
    return %c0_i32, %c0_i32_0 : i32, i32
  }
  func.func @transform_7(%arg0: i32) -> (i32, i32) {
    %c0_i32 = arith.constant 0 : i32
    %c0_i32_0 = arith.constant 0 : i32
    return %arg0, %c0_i32 : i32, i32
  }
}

module attributes {stable_mosaic.version = 14 : i64} {
  func.func @_fin_body(%arg0: i32, %arg1: memref<896x128xf32, #tpu.memory_space<vmem>>, %arg2: memref<896x128xf32, #tpu.memory_space<vmem>>, %arg3: memref<896x128xf32, #tpu.memory_space<vmem>>, %arg4: memref<896x128xf32, #tpu.memory_space<vmem>>, %arg5: memref<896x128xf32, #tpu.memory_space<vmem>>, %arg6: memref<128xf32, #tpu.memory_space<vmem>>, %arg7: memref<128x128xf32, #tpu.memory_space<vmem>>, %arg8: memref<896x128xf32, #tpu.memory_space<vmem>>) attributes {dimension_semantics = [#tpu.dimension_semantics<arbitrary>], iteration_bounds = array<i64: 7>, scalar_prefetch = 0 : i64, scratch_operands = 0 : i64, tpu.core_type = #tpu.core_type<tc>, window_params = [{transform_indices = @transform_0, window_bounds = array<i64: 896, 128>}, {transform_indices = @transform_1, window_bounds = array<i64: 896, 128>}, {transform_indices = @transform_2, window_bounds = array<i64: 896, 128>}, {transform_indices = @transform_3, window_bounds = array<i64: 896, 128>}, {transform_indices = @transform_4, window_bounds = array<i64: 896, 128>}, {pipeline_mode = #tpu.pipeline_mode<synchronous>, transform_indices = @transform_5, window_bounds = array<i64: 128>}, {pipeline_mode = #tpu.pipeline_mode<synchronous>, transform_indices = @transform_6, window_bounds = array<i64: 128, 128>}, {transform_indices = @transform_7, window_bounds = array<i64: 896, 128>}]} {
    %get3A = arith.constant 0 : index
    %get3A_0 = arith.constant 0 : index
    %get3A_1 = vector.load %arg4[%get3A, %get3A_0] : memref<896x128xf32, #tpu.memory_space<vmem>>, vector<896x128xf32>
    %get3A_2 = arith.constant 0 : index
    %get3A_3 = arith.constant 0 : index
    %get3A_4 = vector.load %arg5[%get3A_2, %get3A_3] : memref<896x128xf32, #tpu.memory_space<vmem>>, vector<896x128xf32>
    %add3A = arith.addf %get3A_1, %get3A_4 : vector<896x128xf32>
    %add3A_5 = arith.constant 1.000000e+00 : f32
    %add3A_6 = vector.broadcast %add3A_5 : f32 to vector<896x128xf32>
    %add3A_7 = arith.addf %add3A, %add3A_6 : vector<896x128xf32>
    %rsqrt3A = math.rsqrt %add3A_7 : vector<896x128xf32>
    %get3A_8 = arith.constant 0 : index
    %get3A_9 = arith.constant 0 : index
    %get3A_10 = vector.load %arg1[%get3A_8, %get3A_9] : memref<896x128xf32, #tpu.memory_space<vmem>>, vector<896x128xf32>
    %get3A_11 = arith.constant 0 : index
    %get3A_12 = arith.constant 0 : index
    %get3A_13 = vector.load %arg2[%get3A_11, %get3A_12] : memref<896x128xf32, #tpu.memory_space<vmem>>, vector<896x128xf32>
    %add3A_14 = arith.addf %get3A_10, %get3A_13 : vector<896x128xf32>
    %get3A_15 = arith.constant 0 : index
    %get3A_16 = arith.constant 0 : index
    %get3A_17 = vector.load %arg3[%get3A_15, %get3A_16] : memref<896x128xf32, #tpu.memory_space<vmem>>, vector<896x128xf32>
    %add3A_18 = arith.addf %add3A_14, %get3A_17 : vector<896x128xf32>
    %mul3A = arith.mulf %add3A_18, %rsqrt3A : vector<896x128xf32>
    %get3A_19 = arith.constant 0 : index
    %get3A_20 = vector.load %arg6[%get3A_19] : memref<128xf32, #tpu.memory_space<vmem>>, vector<128xf32>
    %broadcast_in_dim3A = vector.shape_cast %get3A_20 : vector<128xf32> to vector<1x128xf32>
    %add3A_21 = vector.broadcast %broadcast_in_dim3A : vector<1x128xf32> to vector<896x128xf32>
    %add3A_22 = arith.addf %mul3A, %add3A_21 : vector<896x128xf32>
    %iota3A = tpu.iota {dimensions = array<i32: 1>} : vector<896x128xi32>
    %jit3A = arith.constant 8 : i32
    %eq3A = arith.constant 0 : i32
    %eq3A_23 = arith.cmpi eq, %jit3A, %eq3A : i32
    %jit3A_24 = arith.constant 1 : i32
    %select_n3A = arith.select %eq3A_23, %jit3A_24, %jit3A : i32
    %rem3A = vector.broadcast %select_n3A : i32 to vector<896x128xi32>
    %rem3A_25 = arith.remsi %iota3A, %rem3A : vector<896x128xi32>
    %ne3A = arith.constant 0 : i32
    %ne3A_26 = vector.broadcast %ne3A : i32 to vector<896x128xi32>
    %ne3A_27 = arith.cmpi ne, %rem3A_25, %ne3A_26 : vector<896x128xi32>
    %lt3A = arith.constant 0 : i32
    %lt3A_28 = vector.broadcast %lt3A : i32 to vector<896x128xi32>
    %lt3A_29 = arith.cmpi slt, %rem3A_25, %lt3A_28 : vector<896x128xi32>
    %lt3A_30 = arith.constant 0 : i32
    %lt3A_31 = arith.cmpi slt, %select_n3A, %lt3A_30 : i32
    %ne3A_32 = vector.broadcast %lt3A_31 : i1 to vector<896x128xi1>
    %ne3A_33 = vector.broadcast %ne3A_32 : vector<896x128xi1> to vector<896x128xi1>
    %ne3A_34 = arith.xori %lt3A_29, %ne3A_33 : vector<896x128xi1>
    %and3A = arith.andi %ne3A_34, %ne3A_27 : vector<896x128xi1>
    %add3A_35 = vector.broadcast %select_n3A : i32 to vector<896x128xi32>
    %add3A_36 = arith.addi %rem3A_25, %add3A_35 : vector<896x128xi32>
    %select_n3A_37 = arith.select %and3A, %add3A_36, %rem3A_25 : vector<896x128xi1>, vector<896x128xi32>
    %lt3A_38 = arith.constant 7 : i32
    %lt3A_39 = vector.broadcast %lt3A_38 : i32 to vector<896x128xi32>
    %lt3A_40 = arith.cmpi slt, %select_n3A_37, %lt3A_39 : vector<896x128xi32>
    %jit3A_41 = arith.constant -1.000000e+30 : f32
    %broadcast_in_dim3A_42 = vector.broadcast %jit3A_41 : f32 to vector<896x128xf32>
    %select_n3A_43 = arith.select %lt3A_40, %add3A_22, %broadcast_in_dim3A_42 : vector<896x128xi1>, vector<896x128xf32>
    %reduce_max3A = arith.constant dense<0xFF800000> : vector<896xf32>
    %reduce_max3A_44 = vector.multi_reduction <maximumf>, %select_n3A_43, %reduce_max3A [1] : vector<896x128xf32> to vector<896xf32>
    %broadcast_in_dim3A_45 = vector.shape_cast %reduce_max3A_44 : vector<896xf32> to vector<896x1xf32>
    %sub3A = vector.broadcast %broadcast_in_dim3A_45 : vector<896x1xf32> to vector<896x128xf32>
    %sub3A_46 = arith.subf %add3A_22, %sub3A : vector<896x128xf32>
    %exp3A = math.exp %sub3A_46 : vector<896x128xf32>
    %jit3A_47 = arith.constant 0.000000e+00 : f32
    %broadcast_in_dim3A_48 = vector.broadcast %jit3A_47 : f32 to vector<896x128xf32>
    %select_n3A_49 = arith.select %lt3A_40, %exp3A, %broadcast_in_dim3A_48 : vector<896x128xi1>, vector<896x128xf32>
    %get3A_50 = arith.constant 0 : index
    %get3A_51 = arith.constant 0 : index
    %get3A_52 = vector.load %arg7[%get3A_50, %get3A_51] : memref<128x128xf32, #tpu.memory_space<vmem>>, vector<128x128xf32>
    %dot_general3A = arith.constant dense<0.000000e+00> : vector<896x128xf32>
    %dot_general3A_53 = tpu.matmul %select_n3A_49, %get3A_52, %dot_general3A {dimension_numbers = #tpu.dot_dimension_numbers<[1], [0], [0], [1], [0, 0, 1, 1], [], []>, transpose_lhs_hint = false} : vector<896x128xf32>, vector<128x128xf32>, vector<896x128xf32> -> vector<896x128xf32>
    %log3A = math.log %dot_general3A_53 : vector<896x128xf32>
    %add3A_54 = vector.broadcast %broadcast_in_dim3A_45 : vector<896x1xf32> to vector<896x128xf32>
    %add3A_55 = arith.addf %log3A, %add3A_54 : vector<896x128xf32>
    %sub3A_56 = arith.subf %add3A_22, %add3A_55 : vector<896x128xf32>
    %swap3A = arith.constant 0 : index
    %swap3A_57 = arith.constant 0 : index
    %swap3A_58 = vector.load %arg8[%swap3A, %swap3A_57] : memref<896x128xf32, #tpu.memory_space<vmem>>, vector<896x128xf32>
    tpu.vector_store %arg8[%swap3A, %swap3A_57], %sub3A_56 {strides = array<i32>} : memref<896x128xf32, #tpu.memory_space<vmem>>, vector<896x128xf32>,
    return
  }
  func.func @transform_0(%arg0: i32) -> (i32, i32) {
    %c0_i32 = arith.constant 0 : i32
    %c0_i32_0 = arith.constant 0 : i32
    return %arg0, %c0_i32 : i32, i32
  }
  func.func @transform_1(%arg0: i32) -> (i32, i32) {
    %c0_i32 = arith.constant 0 : i32
    %c0_i32_0 = arith.constant 0 : i32
    return %arg0, %c0_i32 : i32, i32
  }
  func.func @transform_2(%arg0: i32) -> (i32, i32) {
    %c0_i32 = arith.constant 0 : i32
    %c0_i32_0 = arith.constant 0 : i32
    return %arg0, %c0_i32 : i32, i32
  }
  func.func @transform_3(%arg0: i32) -> (i32, i32) {
    %c0_i32 = arith.constant 0 : i32
    %c0_i32_0 = arith.constant 0 : i32
    return %arg0, %c0_i32 : i32, i32
  }
  func.func @transform_4(%arg0: i32) -> (i32, i32) {
    %c0_i32 = arith.constant 0 : i32
    %c0_i32_0 = arith.constant 0 : i32
    return %arg0, %c0_i32 : i32, i32
  }
  func.func @transform_5(%arg0: i32) -> i32 {
    %c0_i32 = arith.constant 0 : i32
    %c0_i32_0 = arith.constant 0 : i32
    return %c0_i32 : i32
  }
  func.func @transform_6(%arg0: i32) -> (i32, i32) {
    %c0_i32 = arith.constant 0 : i32
    %c0_i32_0 = arith.constant 0 : i32
    %c0_i32_1 = arith.constant 0 : i32
    return %c0_i32, %c0_i32_0 : i32, i32
  }
  func.func @transform_7(%arg0: i32) -> (i32, i32) {
    %c0_i32 = arith.constant 0 : i32
    %c0_i32_0 = arith.constant 0 : i32
    return %arg0, %c0_i32 : i32, i32
  }
}

</mosaic_0001>

<sc_bundles>
// kernel: gcn_deg.3.cloned.1.call-start
scs
__scs_entry_jumppad:
0x0: {  	(pc) =	sbr.rel $0x88, $3  }
0x1: {  	(tag) =	ssettag $0x0;
	lr =	simm.s32 $0x1  }
0x2: {  	[smem:$0x3F9B] =	sst lr;
	_ =	strace $0xD0000000  }
0x3: {  	_ = 	snop  }
0x4: {  	_ = 	snop  }
0x5: {  	_ = 	snop  }
0x6: {  	_ = 	snop  }
0x7: {  	_ = 	snop  }
__scs_overlays_trampoline_lowered:
0x8: {  	[smem:$0x3FAA] =	sst s0  }
0x9: {  	[smem:$0x3FAB] =	sst s1  }
0xa: {  	[smem:$0x3FAC] =	sst s2  }
0xb: {  	[smem:$0x3FAD] =	sst s3  }
0xc: {  	[smem:$0x3FAE] =	sst s4  }
0xd: {  	[smem:$0x3FAF] =	sst s5  }
0xe: {  	[smem:$0x3FB0] =	sst s6  }
0xf: {  	[smem:$0x3FB1] =	sst s7  }
0x10: {  	[smem:$0x3FB2] =	sst s8  }
0x11: {  	[smem:$0x3FB3] =	sst s9;
	s0 =	simm.s32 @!p0 $0x0  }
0x12: {  	s1 =	sld [smem:$0x3F99];
	s0 =	simm.s32 @p0 $0x1  }
0x13: {  	[smem:$0x3FB4] =	sst s0;
	s0 =	simm.s32 @!p1 $0x0  }
0x14: {  	s2 =	sld [smem:$0x3F98];
	s0 =	simm.s32 @p1 $0x1  }
0x15: {  	[smem:$0x3FB5] =	sst s0;
	s0 =	simm.s32 @!p2 $0x0  }
0x16: {  	s3 =	sld [smem:$0x3FDB];
	s0 =	simm.s32 @p2 $0x1  }
0x17: {  	s4 =	simm.s32 $0x1BF5;
	[smem:$0x3FB7] =	sst s0  }
0x18: {  	s0 =	sld [smem:$0x3F9A];
	_ =	swait.ge [sflag:s4], $0x0  }
0x19: {  	s7 =	sld [smem:$0x3F9B]  }
0x1a: {  	s8 =	sadd.s32 $0xFFFFE003, lr  }
0x1b: {  	s9 =	sadd.s32 $0xFFFFFEF7, lr;
	s5 =	simm.s32 $0xFFFFFFFF;
	p2 =	slt.u32 s8, $0xFFFFF086  }
0x1c: {  	p1 =	slt.u32 s9, $0xF7A;
	s5 =	simm.s32 @!p2 $0x0  }
0x1d: {  	s5 =	simm.s32 @p1 $0x1;
	p0 =	seq.s32 s7, s2  }
0x1e: {  	s7 =	smul.u32 @!p0 $0xF7A, s2;
	p2 =	seq.s32 @!p0 s5, $0x0  }
0x1f: {  	s9 =	smul.u32 $0xF7A, s1;
	s8 =	simm.s32 @!p0 $0x1BF5;
	p2 =	por !p2, p0  }
0x20: {  	[sflag:s8] =	ssyncset.s32 @!p0 $0xFFFFF086;
	s6 =	sadd.s32 @!p0 s3, s7;
	s7 =	simm.s32 @!p0 $0x108  }
0x21: {  	s3 =	sadd.s32 s3, s9;
	s6 =	sadd.s32 @!p0 $0x88, s6;
	s7 =	simm.s32 @p2 $0x1082  }
0x22: {  	[simem:s7], [sflag:s8] =	dma.local @!p0 [hbm:s6], $0xF7A  }
0x23: {  	s9 =	sor.u32 $0xD0000000, s2;
	s6 =	simm.s32 $0x108;
	_ =	swait.ge @!p0 [sflag:s8], $0x0  }
0x24: {  	s3 =	sadd.s32 $0x88, s3;
	s6 =	simm.s32 @!p1 $0x1082;
	[sflag:s4] =	ssyncset.s32 $0xFFFFF086  }
0x25: {  	[simem:s6], [sflag:s4] =	dma.local [hbm:s3], $0xF7A  }
0x26: {  	[smem:$0x3F9B] =	sst s1;
	(tag) =	ssettag s2;
	_ =	strace s9  }
0x27: {  	s1 =	sld [smem:$0x3FAB]  }
0x28: {  	s2 =	sld [smem:$0x3FAC]  }
0x29: {  	s4 =	sld [smem:$0x3FAE]  }
0x2a: {  	p0 =	seq.s32 s5, $0x0;
	s5 =	sld [smem:$0x3FAF]  }
0x2b: {  	s6 =	sld [smem:$0x3FB0]  }
0x2c: {  	s7 =	sld [smem:$0x3FB1]  }
0x2d: {  	s3 =	simm.s32 $0x108;
	s8 =	sld [smem:$0x3FB2]  }
0x2e: {  	s3 =	simm.s32 @!p0 $0x1082;
	s9 =	sld [smem:$0x3FB3]  }
0x2f: {  	lr =	sadd.s32 s0, s3;
	s0 =	sld [smem:$0x3FAA]  }
0x30: {  	s3 =	sld [smem:$0x3FAD]  }
0x31: {  	[smem:$0x3FB6] =	sst s10  }
0x32: {  	s10 =	sld [smem:$0x3FB4];
	_ =	sdelay $0x3  }
0x33: {  	p0 =	seq.s32 s10, $0x1;
	s10 =	sld [smem:$0x3FB6];
	_ =	sdelay $0x3  }
0x34: {  	[smem:$0x3FB6] =	sst s10  }
0x35: {  	s10 =	sld [smem:$0x3FB5];
	_ =	sdelay $0x3  }
0x36: {  	p1 =	seq.s32 s10, $0x1;
	s10 =	sld [smem:$0x3FB6];
	_ =	sdelay $0x3  }
0x37: {  	[smem:$0x3FB6] =	sst s10  }
0x38: {  	s10 =	sld [smem:$0x3FB7]  }
0x39: {  	_ = 	snop;
	(pc) =	sbr.ind lr, $3  }
0x3a: {  	_ = 	snop  }
0x3b: {  	_ = 	snop  }
0x3c: {  	p2 =	seq.s32 s10, $0x1;
	s10 =	sld [smem:$0x3FB6]  }
0x3d: {  	_ =	shalt  }
0x3e: {  	_ =	shalt  }
0x3f: {  	_ =	shalt  }
0x40: {  	_ =	shalt  }
0x41: {  	_ =	shalt  }
0x42: {  	_ =	shalt  }
0x43: {  	_ =	shalt  }
0x44: {  	_ =	shalt  }
0x45: {  	_ =	shalt  }
0x46: {  	_ =	shalt  }
0x47: {  	_ =	shalt  }
0x48: {  	_ =	shalt  }
0x49: {  	_ =	shalt  }
0x4a: {  	_ =	shalt  }
0x4b: {  	_ =	shalt  }
0x4c: {  	_ =	shalt  }
0x4d: {  	_ =	shalt  }
0x4e: {  	_ =	shalt  }
0x4f: {  	_ =	shalt  }
0x50: {  	_ =	shalt  }
0x51: {  	_ =	shalt  }
0x52: {  	_ =	shalt  }
0x53: {  	_ =	shalt  }
0x54: {  	_ =	shalt  }
0x55: {  	_ =	shalt  }
0x56: {  	_ =	shalt  }
0x57: {  	_ =	shalt  }
0x58: {  	_ =	shalt  }
0x59: {  	_ =	shalt  }
0x5a: {  	_ =	shalt  }
0x5b: {  	_ =	shalt  }
0x5c: {  	_ =	shalt  }
0x5d: {  	_ =	shalt  }
0x5e: {  	_ =	shalt  }
0x5f: {  	_ =	shalt  }
0x60: {  	_ =	shalt  }
0x61: {  	_ =	shalt  }
0x62: {  	_ =	shalt  }
0x63: {  	_ =	shalt  }
0x64: {  	_ =	shalt  }
0x65: {  	_ =	shalt  }
0x66: {  	_ =	shalt  }
0x67: {  	_ =	shalt  }
0x68: {  	_ =	shalt  }
0x69: {  	_ =	shalt  }
0x6a: {  	_ =	shalt  }
0x6b: {  	_ =	shalt  }
0x6c: {  	_ =	shalt  }
0x6d: {  	_ =	shalt  }
0x6e: {  	_ =	shalt  }
0x6f: {  	_ =	shalt  }
0x70: {  	_ =	shalt  }
0x71: {  	_ =	shalt  }
0x72: {  	_ =	shalt  }
0x73: {  	_ =	shalt  }
0x74: {  	_ =	shalt  }
0x75: {  	_ =	shalt  }
0x76: {  	_ =	shalt  }
0x77: {  	_ =	shalt  }
0x78: {  	_ =	shalt  }
0x79: {  	_ =	shalt  }
0x7a: {  	_ =	shalt  }
0x7b: {  	_ =	shalt  }
0x7c: {  	_ =	shalt  }
0x7d: {  	_ =	shalt  }
0x7e: {  	_ =	shalt  }
0x7f: {  	_ =	shalt  }
0x80: {  	_ =	shalt  }
0x81: {  	_ =	shalt  }
0x82: {  	_ =	shalt  }
0x83: {  	_ =	shalt  }
0x84: {  	_ =	shalt  }
0x85: {  	_ =	shalt  }
0x86: {  	_ =	shalt  }
0x87: {  	_ =	shalt  }
.Lfunc_end0:
.L_simem_size_0:
called_computation_lowered:
.L_overlay_start_0:
0x88: {  	s2 =	sld [smem:$0x3FD9]  }
0x89: {  	s3 =	sld [smem:$0x3FFE];
	_ =	sdelay $0x1  }
0x8a: {  	s1 =	srdreg.scid  }
0x8b: {  	s0 =	sand.u32 $0x1, s1  }
0x8c: {  	s17 =	sshll.u32 s0, $0xA;
	s2 =	sadd.s32 s3, s2  }
0x8d: {  	s2 =	sadd.s32 s2, s17  }
0x8e: {  	[smem:$0x3FC2] =	sst s2  }
0x8f: {  	_ = 	snop  }
0x90: {  	s2 =	sld [smem:$0x3FD0];
	(tm) =	ssettm $0x1  }
0x91: {  	s18 =	sld [smem:$0x3FFB];
	_ =	sdelay $0x3  }
0x92: {  	_ =	strace s18  }
0x93: {  	s3 =	sld [smem:$0x3FFC];
	_ =	sdelay $0x3  }
0x94: {  	_ =	strace s3  }
0x95: {  	s3 =	sld [smem:$0x3FFD];
	_ =	sdelay $0x3  }
0x96: {  	_ =	strace s3  }
0x97: {  	_ =	strace $0x8FFFFFFF  }
0x98: {  	s19 =	sld [smem:$0x3FDB];
	_ =	sdelay $0x1  }
0x99: {  	s4 =	simm.s32 $_scs_section_size  }
0x9a: {  	s5 =	simm.s32 $_size__tile_overlayer_lowered;
	s6 =	simm.s32 $_tile_overlayer_lowered  }
0x9b: {  	s22 =	simm.s32 $0x1BFF;
	s21 =	sshll.u32 s6, $0x1;
	s3 =	sadd.s32 s4, s19  }
0x9c: {  	s7 =	simm.s32 $0x0;
	s20 =	sshll.u32 s5, $0x1;
	s5 =	sadd.s32 s21, s3  }
0x9d: {  	[timem:s7], [sflag:s22] =	dma.local [hbm:s5], s20  }
0x9e: {  	_ =	swait.ge [sflag:s22], s20  }
0x9f: {  	s4 =	ssub.s32 $0x0, s20;
	[sflag:s22] =	ssyncset.done $0x0  }
0xa0: {  	[sflag:s22] =	ssyncadd.s32 s4;
	_ =	sdelay $0x1  }
0xa1: {  	s23 =	simm.s32 $0x1B8B  }
0xa2: {  	_ =	swait.ge [sflag:s23], $0x1  }
0xa3: {  	[sflag:s23] =	ssyncset.done $0x0  }
0xa4: {  	s25 =	simm.s32 $0x1B8E;
	s24 =	sld [smem:$0x3FFE];
	[sflag:s23] =	ssyncadd.s32 $0xFFFFFFFF  }
0xa5: {  	s26 =	simm.s32 $execute0_lowered;
	[smem:$0x3FD2] =	sst s25  }
0xa6: {  	s5 =	sshll.u32 s26, $0x1;
	_ =	strace $0x80000046;
	[dreg:$0x1] =	wrdreg $0xFFFFFFFF  }
0xa7: {  	s28 =	simm.s32 $_size_execute0_lowered;
	s3 =	sadd.s32 s3, s5;
	[dreg:$0x0] =	wrdreg $0x0  }
0xa8: {  	s5 =	sshll.u32 s28, $0x1;
	[dreg:$0x2] =	wrdreg s3  }
0xa9: {  	[dreg:$0x3] =	wrdreg s5  }
0xaa: {  	[dreg:$0x4] =	wrdreg $0xC0  }
0xab: {  	_ =	task [dreg:s7], $0x5FFFF  }
0xac: {  	[dreg:$0x1] =	wrdreg $0xFFFFFFFF  }
0xad: {  	[dreg:$0x0] =	wrdreg $0x60  }
0xae: {  	[dreg:$0x2] =	wrdreg s24  }
0xaf: {  	[dreg:$0x3] =	wrdreg s2  }
0xb0: {  	[dreg:$0x4] =	wrdreg $0x21000  }
0xb1: {  	[dreg:$0x5] =	wrdreg $0x9  }
0xb2: {  	_ =	task.clear_ibuf [dreg:s7], $0x6FFFF;
	_ =	strace $0x90000046  }
0xb3: {  	s29 =	simm.s32 $0x9;
	_ =	strace $0x80000048  }
0xb4: {  	_ =	swait.ge [sflag:s29], $0x1  }
0xb5: {  	[sflag:s29] =	ssyncadd.s32 $0xFFFFFFFF  }
0xb6: {  	_ =	strace $0x90000048  }
0xb7: {  	_ =	sfence  }
0xb8: {  	s30 =	sld [smem:$0x0];
	_ =	sdelay $0x2  }
0xb9: {  	s31 =	sshll.u32 s1, $0xD;
	s1 =	sshrl.u32 s1, $0x2  }
0xba: {  	s3 =	sand.u32 $0x4000, s31;
	s1 =	sadd.s32 s1, s30  }
0xbb: {  	s0 =	sor.u32 s3, s0;
	s1 =	sshll.u32 s1, $0x11  }
0xbc: {  	s0 =	sor.u32 s1, s0  }
0xbd: {  	s0 =	sadd.s32 $0x8F2B, s0  }
0xbe: {  	[sflag:s0] =	ssyncadd.remote.s32 $0x1  }
0xbf: {  	_ =	sfence.sel $0xFFFF  }
0xc0: {  	[dreg:$0x0] =	wrdreg $0xFFFFFFFF;
	(pc) =	sbr.abs _section_cstart, $3  }
0xc1: {  	[dreg:$0x1] =	wrdreg $0xFFFFFFFF  }
0xc2: {  	_ =	task.clear_ibuf [dreg:s7], $0x2FFFF;
	_ =	strace $0x9FFFFFFF  }
0xc3: {  	(tm) =	ssettm $0x7FFFFFFF  }
tec
execute0_lowered:
.L_overlay_start_1:
0x0: {  	(tag) =	ssettag $0x1  }
0x1: {  	s0 =	rddreg [dreg:$0x0]  }
0x2: {  	s1 =	rddreg [dreg:$0x1];
	s3 =	srdreg.scid  }
0x3: {  	s2 =	rddreg [dreg:$0x2];
	s11 =	stileid.u32  }
0x4: {  	s12 =	simm.s32 $0x3;
	s13 =	simm.s32 $0x80;
	s14 =	simm.s32 $0x800  }
0x5: {  	s15 =	simm.s32 $0x100;
	s16 =	simm.s32 $0x180;
	s17 =	simm.s32 $0x200  }
0x6: {  	s18 =	simm.s32 $0x280;
	s19 =	simm.s32 $0x300;
	s20 =	simm.s32 $0x380  }
0x7: {  	s28 =	simm.s32 $0x680;
	s29 =	simm.s32 $0x700;
	s30 =	simm.s32 $0x780  }
0x8: {  	s31 =	simm.s32 $0x2;
	s6 =	sand.u32 $0x1, s3;
	s3 =	simm.s32 $0x0  }
0x9: {  	s7 =	smul.u32 $0x1880, s11;
	s9 =	sadd.s32 $0x3200, s0;
	s0 =	sadd.s32 $0x65200, s0  }
0xa: {  	s4 =	sshll.u32 s6, $0x4;
	[smem:$0x7FF] =	sst s3;
	s21 =	ssub.s32 $0x2, s6  }
0xb: {  	s8 =	smul.u32 $0x3100, s6;
	p0 =	seq.s32 s6, $0x1;
	s4 =	sor.u32 s11, s4  }
0xc: {  	_ =	strace $0x80000047;
	s10 =	sshrl.u32 s21, $0x1;
	s11 =	smul.u32 $0x310, s11  }
0xd: {  	s23 =	sshrl.u32 s7, $0x3;
	s1 =	smov.u32 @p0 s0;
	s0 =	simm.s32 $0x0  }
0xe: {  	s5 =	smul.u32 $0x3100, s4;
	s10 =	ssub.s32 s21, s10;
	s4 =	sadd.s32 s7, s2  }
0xf: {  	s21 =	simm.s32 $0x400;
	s22 =	sadd.s32 s11, s8;
	s24 =	smax.u32 s10, $0x1  }
0x10: {  	s8 =	sadd.s32 s1, s23;
	s11 =	simm.s32 $0x880;
	s23 =	simm.s32 $0x480  }
0x11: {  	s5 =	sadd.s32 s9, s5;
	[dreg:$0x4] =	wrdreg s24;
	s6 =	sshll.u32 s22, $0x4  }
0x12: {  	s22 =	simm.s32 $0x1;
	s25 =	sadd.s32 $0x3080, s5;
	s26 =	sadd.s32 s6, s9  }
0x13: {  	s24 =	simm.s32 $0x500;
	[dreg:$0x5] =	wrdreg s25;
	s9 =	sadd.s32 $0x100, s26  }
0x14: {  	v0 =	vimm.f32 $1.000000000e+00;
	v1 =	vimm.f32 $0.0e+00;
	s10 =	sadd.s32 $0x80, s26;
	s25 =	simm.s32 $0x580;
	s26 =	simm.s32 $0x600  }
.LBB2_1:
0x15: {  	[tilespmem:$0x800] =	vst v0  }
0x16: {  	[tilespmem:$0x810] =	vst v0  }
0x17: {  	[tilespmem:$0x820] =	vst v0  }
0x18: {  	[tilespmem:$0x830] =	vst v0  }
0x19: {  	[tilespmem:$0x840] =	vst v0  }
0x1a: {  	[tilespmem:$0x850] =	vst v0  }
0x1b: {  	[tilespmem:$0x860] =	vst v0  }
0x1c: {  	[tilespmem:$0x870] =	vst v0;
	s1 =	simm.s32 $0x40;
	s6 =	simm.s32 $0x0  }
.LBB2_2:
0x1d: {  	p0 =	sne.s32 s1, $0x61C0;
	[tilespmem:s6+$0x880] =	vst v1;
	s6 =	smov.u32 s1;
	s1 =	sadd.s32 $0x40, s1  }
.Ltmp0:
0x1e: {  	(pc) =	sbr.rel @p0 .LBB2_2-.Ltmp0, $2  }
0x1f: {  	_ =	sdelay $0x2  }
0x20: {  	s6 =	sshra.s32 s6, $0x2  }
0x21: {  	[tilespmem:s6+$0x880] =	vst v1  }
0x22: {  	[spmem:s4] =	stream.linear.scatter [tilespmem:s11], [sflag:$0x3], $0x1880, $0x38;
	[tilespmem:$0x3980] =	vst v63  }
0x23: {  	_ =	swait.ge [sflag:s12], $0x1880  }
0x24: {  	[sflag:s12] =	ssyncset.done $0x0  }
0x25: {  	[sflag:s12] =	ssyncadd.s32 $0xFFFFE780  }
0x26: {  	s1 =	simm.s32 $0x0;
	[bflag:$0x0] =	sbarrier.arrive $0xFFFF  }
0x27: {  	[tilespmem:s1], [sflag:$0x3] =	stream.linear.gather [hbm4b:s5+s1], $0x400, $0x38;
	[tilespmem:$0x3980] =	vst v63  }
0x28: {  	_ =	swait.ge [sflag:s12], $0x400  }
0x29: {  	[sflag:s12] =	ssyncset.done $0x0  }
0x2a: {  	[sflag:s12] =	ssyncadd.s32 $0xFFFFFC00  }
0x2b: {  	[spmem:s2] =	stream.indirect.scatter.add.f32 [tilespmem:s14], [sflag:$0x1], $0x1, s3, s13, $0xb8;
	[tilespmem:$0x3980] =	vst v63  }
0x2c: {  	_ = 	snop  }
0x2d: {  	[spmem:s2] =	stream.indirect.scatter.add.f32 [tilespmem:s14], [sflag:$0x1], $0x1, s13, s13, $0xb8;
	[tilespmem:$0x3980] =	vst v63  }
0x2e: {  	_ = 	snop  }
0x2f: {  	[spmem:s2] =	stream.indirect.scatter.add.f32 [tilespmem:s14], [sflag:$0x1], $0x1, s15, s13, $0xb8;
	[tilespmem:$0x3980] =	vst v63  }
0x30: {  	_ = 	snop  }
0x31: {  	[spmem:s2] =	stream.indirect.scatter.add.f32 [tilespmem:s14], [sflag:$0x1], $0x1, s16, s13, $0xb8;
	[tilespmem:$0x3980] =	vst v63  }
0x32: {  	_ = 	snop  }
0x33: {  	[spmem:s2] =	stream.indirect.scatter.add.f32 [tilespmem:s14], [sflag:$0x1], $0x1, s17, s13, $0xb8;
	[tilespmem:$0x3980] =	vst v63  }
0x34: {  	_ = 	snop  }
0x35: {  	[spmem:s2] =	stream.indirect.scatter.add.f32 [tilespmem:s14], [sflag:$0x1], $0x1, s18, s13, $0xb8;
	[tilespmem:$0x3980] =	vst v63  }
0x36: {  	_ = 	snop  }
0x37: {  	[spmem:s2] =	stream.indirect.scatter.add.f32 [tilespmem:s14], [sflag:$0x1], $0x1, s19, s13, $0xb8;
	[tilespmem:$0x3980] =	vst v63  }
0x38: {  	_ = 	snop  }
0x39: {  	[spmem:s2] =	stream.indirect.scatter.add.f32 [tilespmem:s14], [sflag:$0x1], $0x1, s20, s13, $0xb8;
	[tilespmem:$0x3980] =	vst v63  }
0x3a: {  	s6 =	sadd.s32 $0x0, s10  }
0x3b: {  	[tilespmem:s21], [sflag:$0x3] =	stream.linear.gather [hbm4b:s6+s3], $0x400, $0x38;
	[tilespmem:$0x3980] =	vst v63  }
0x3c: {  	_ =	swait.ge [sflag:s12], $0x400  }
0x3d: {  	[sflag:s12] =	ssyncset.done $0x0  }
0x3e: {  	[sflag:s12] =	ssyncadd.s32 $0xFFFFFC00  }
0x3f: {  	_ =	swait.ge [sflag:s22], $0x400  }
0x40: {  	[sflag:s22] =	ssyncset.done $0x0  }
0x41: {  	[sflag:s22] =	ssyncadd.s32 $0xFFFFFC00  }
0x42: {  	[spmem:s2] =	stream.indirect.scatter.add.f32 [tilespmem:s14], [sflag:$0x2], $0x1, s21, s13, $0xb8;
	[tilespmem:$0x3980] =	vst v63  }
0x43: {  	_ = 	snop  }
0x44: {  	[spmem:s2] =	stream.indirect.scatter.add.f32 [tilespmem:s14], [sflag:$0x2], $0x1, s23, s13, $0xb8;
	[tilespmem:$0x3980] =	vst v63  }
0x45: {  	_ = 	snop  }
0x46: {  	[spmem:s2] =	stream.indirect.scatter.add.f32 [tilespmem:s14], [sflag:$0x2], $0x1, s24, s13, $0xb8;
	[tilespmem:$0x3980] =	vst v63  }
0x47: {  	_ = 	snop  }
0x48: {  	[spmem:s2] =	stream.indirect.scatter.add.f32 [tilespmem:s14], [sflag:$0x2], $0x1, s25, s13, $0xb8;
	[tilespmem:$0x3980] =	vst v63  }
0x49: {  	_ = 	snop  }
0x4a: {  	[spmem:s2] =	stream.indirect.scatter.add.f32 [tilespmem:s14], [sflag:$0x2], $0x1, s26, s13, $0xb8;
	[tilespmem:$0x3980] =	vst v63  }
0x4b: {  	_ = 	snop  }
0x4c: {  	[spmem:s2] =	stream.indirect.scatter.add.f32 [tilespmem:s14], [sflag:$0x2], $0x1, s28, s13, $0xb8;
	[tilespmem:$0x3980] =	vst v63  }
0x4d: {  	_ = 	snop  }
0x4e: {  	[spmem:s2] =	stream.indirect.scatter.add.f32 [tilespmem:s14], [sflag:$0x2], $0x1, s29, s13, $0xb8;
	[tilespmem:$0x3980] =	vst v63  }
0x4f: {  	_ = 	snop  }
0x50: {  	[spmem:s2] =	stream.indirect.scatter.add.f32 [tilespmem:s14], [sflag:$0x2], $0x1, s30, s13, $0xb8;
	[tilespmem:$0x3980] =	vst v63  }
0x51: {  	s7 =	sadd.s32 $0x0, s9  }
0x52: {  	[tilespmem:s3], [sflag:$0x3] =	stream.linear.gather [hbm4b:s7+s3], $0x400, $0x38;
	[tilespmem:$0x3980] =	vst v63  }
0x53: {  	_ =	swait.ge [sflag:s12], $0x400  }
0x54: {  	[sflag:s12] =	ssyncset.done $0x0  }
0x55: {  	[sflag:s12] =	ssyncadd.s32 $0xFFFFFC00  }
0x56: {  	_ =	swait.ge [sflag:s31], $0x400  }
0x57: {  	s1 =	simm.s32 $0x100;
	[sflag:s31] =	ssyncset.done $0x0  }
.LBB2_4:
0x58: {  	p0 =	sne.s32 s1, $0x2F00  }
0x59: {  	[sflag:s31] =	ssyncadd.s32 $0xFFFFFC00;
	s6 =	smov.u32 s1;
	s1 =	sadd.s32 $0x100, s1  }
0x5a: {  	[spmem:s2] =	stream.indirect.scatter.add.f32 [tilespmem:s14], [sflag:$0x1], $0x1, s3, s13, $0xb8;
	[tilespmem:$0x3980] =	vst v63  }
0x5b: {  	_ = 	snop  }
0x5c: {  	[spmem:s2] =	stream.indirect.scatter.add.f32 [tilespmem:s14], [sflag:$0x1], $0x1, s13, s13, $0xb8;
	[tilespmem:$0x3980] =	vst v63  }
0x5d: {  	_ = 	snop  }
0x5e: {  	[spmem:s2] =	stream.indirect.scatter.add.f32 [tilespmem:s14], [sflag:$0x1], $0x1, s15, s13, $0xb8;
	[tilespmem:$0x3980] =	vst v63  }
0x5f: {  	_ = 	snop  }
0x60: {  	[spmem:s2] =	stream.indirect.scatter.add.f32 [tilespmem:s14], [sflag:$0x1], $0x1, s16, s13, $0xb8;
	[tilespmem:$0x3980] =	vst v63  }
0x61: {  	_ = 	snop  }
0x62: {  	[spmem:s2] =	stream.indirect.scatter.add.f32 [tilespmem:s14], [sflag:$0x1], $0x1, s17, s13, $0xb8;
	[tilespmem:$0x3980] =	vst v63  }
0x63: {  	_ = 	snop  }
0x64: {  	[spmem:s2] =	stream.indirect.scatter.add.f32 [tilespmem:s14], [sflag:$0x1], $0x1, s18, s13, $0xb8;
	[tilespmem:$0x3980] =	vst v63  }
0x65: {  	_ = 	snop  }
0x66: {  	[spmem:s2] =	stream.indirect.scatter.add.f32 [tilespmem:s14], [sflag:$0x1], $0x1, s19, s13, $0xb8;
	[tilespmem:$0x3980] =	vst v63  }
0x67: {  	_ = 	snop  }
0x68: {  	[spmem:s2] =	stream.indirect.scatter.add.f32 [tilespmem:s14], [sflag:$0x1], $0x1, s20, s13, $0xb8;
	[tilespmem:$0x3980] =	vst v63  }
0x69: {  	s7 =	sadd.s32 s6, s10  }
0x6a: {  	[tilespmem:s21], [sflag:$0x3] =	stream.linear.gather [hbm4b:s7+s3], $0x400, $0x38;
	[tilespmem:$0x3980] =	vst v63  }
0x6b: {  	_ =	swait.ge [sflag:s12], $0x400  }
0x6c: {  	[sflag:s12] =	ssyncset.done $0x0  }
0x6d: {  	[sflag:s12] =	ssyncadd.s32 $0xFFFFFC00  }
0x6e: {  	_ =	swait.ge [sflag:s22], $0x400  }
0x6f: {  	[sflag:s22] =	ssyncset.done $0x0  }
0x70: {  	[sflag:s22] =	ssyncadd.s32 $0xFFFFFC00  }
0x71: {  	[spmem:s2] =	stream.indirect.scatter.add.f32 [tilespmem:s14], [sflag:$0x2], $0x1, s21, s13, $0xb8;
	[tilespmem:$0x3980] =	vst v63  }
0x72: {  	_ = 	snop  }
0x73: {  	[spmem:s2] =	stream.indirect.scatter.add.f32 [tilespmem:s14], [sflag:$0x2], $0x1, s23, s13, $0xb8;
	[tilespmem:$0x3980] =	vst v63  }
0x74: {  	_ = 	snop  }
0x75: {  	[spmem:s2] =	stream.indirect.scatter.add.f32 [tilespmem:s14], [sflag:$0x2], $0x1, s24, s13, $0xb8;
	[tilespmem:$0x3980] =	vst v63  }
0x76: {  	_ = 	snop  }
0x77: {  	[spmem:s2] =	stream.indirect.scatter.add.f32 [tilespmem:s14], [sflag:$0x2], $0x1, s25, s13, $0xb8;
	[tilespmem:$0x3980] =	vst v63  }
0x78: {  	_ = 	snop  }
0x79: {  	[spmem:s2] =	stream.indirect.scatter.add.f32 [tilespmem:s14], [sflag:$0x2], $0x1, s26, s13, $0xb8;
	[tilespmem:$0x3980] =	vst v63  }
0x7a: {  	_ = 	snop  }
0x7b: {  	[spmem:s2] =	stream.indirect.scatter.add.f32 [tilespmem:s14], [sflag:$0x2], $0x1, s28, s13, $0xb8;
	[tilespmem:$0x3980] =	vst v63  }
0x7c: {  	_ = 	snop  }
0x7d: {  	[spmem:s2] =	stream.indirect.scatter.add.f32 [tilespmem:s14], [sflag:$0x2], $0x1, s29, s13, $0xb8;
	[tilespmem:$0x3980] =	vst v63  }
0x7e: {  	_ = 	snop  }
0x7f: {  	[spmem:s2] =	stream.indirect.scatter.add.f32 [tilespmem:s14], [sflag:$0x2], $0x1, s30, s13, $0xb8;
	[tilespmem:$0x3980] =	vst v63  }
0x80: {  	s6 =	sadd.s32 s6, s9  }
0x81: {  	[tilespmem:s3], [sflag:$0x3] =	stream.linear.gather [hbm4b:s6+s3], $0x400, $0x38;
	[tilespmem:$0x3980] =	vst v63  }
.Ltmp1:
0x82: {  	_ =	swait.ge [sflag:s12], $0x400;
	(pc) =	sbr.rel @p0 .LBB2_4-.Ltmp1, $4  }
0x83: {  	[sflag:s12] =	ssyncset.done $0x0  }
0x84: {  	[sflag:s12] =	ssyncadd.s32 $0xFFFFFC00  }
0x85: {  	_ =	swait.ge [sflag:s31], $0x400  }
0x86: {  	[sflag:s31] =	ssyncset.done $0x0  }
0x87: {  	[sflag:s31] =	ssyncadd.s32 $0xFFFFFC00  }
0x88: {  	[spmem:s2] =	stream.indirect.scatter.add.f32 [tilespmem:s14], [sflag:$0x1], $0x1, s3, s13, $0xb8;
	[tilespmem:$0x3980] =	vst v63  }
0x89: {  	_ = 	snop  }
0x8a: {  	[spmem:s2] =	stream.indirect.scatter.add.f32 [tilespmem:s14], [sflag:$0x1], $0x1, s13, s13, $0xb8;
	[tilespmem:$0x3980] =	vst v63  }
0x8b: {  	_ = 	snop  }
0x8c: {  	[spmem:s2] =	stream.indirect.scatter.add.f32 [tilespmem:s14], [sflag:$0x1], $0x1, s15, s13, $0xb8;
	[tilespmem:$0x3980] =	vst v63  }
0x8d: {  	_ = 	snop  }
0x8e: {  	[spmem:s2] =	stream.indirect.scatter.add.f32 [tilespmem:s14], [sflag:$0x1], $0x1, s16, s13, $0xb8;
	[tilespmem:$0x3980] =	vst v63  }
0x8f: {  	_ = 	snop  }
0x90: {  	[spmem:s2] =	stream.indirect.scatter.add.f32 [tilespmem:s14], [sflag:$0x1], $0x1, s17, s13, $0xb8;
	[tilespmem:$0x3980] =	vst v63  }
0x91: {  	_ = 	snop  }
0x92: {  	[spmem:s2] =	stream.indirect.scatter.add.f32 [tilespmem:s14], [sflag:$0x1], $0x1, s18, s13, $0xb8;
	[tilespmem:$0x3980] =	vst v63  }
0x93: {  	_ = 	snop  }
0x94: {  	[spmem:s2] =	stream.indirect.scatter.add.f32 [tilespmem:s14], [sflag:$0x1], $0x1, s19, s13, $0xb8;
	[tilespmem:$0x3980] =	vst v63  }
0x95: {  	_ = 	snop  }
0x96: {  	[spmem:s2] =	stream.indirect.scatter.add.f32 [tilespmem:s14], [sflag:$0x1], $0x1, s20, s13, $0xb8;
	[tilespmem:$0x3980] =	vst v63  }
0x97: {  	s1 =	rddreg [dreg:$0x5]  }
0x98: {  	[tilespmem:s21], [sflag:$0x3] =	stream.linear.gather [hbm4b:s1+s3], $0x400, $0x38;
	[tilespmem:$0x3980] =	vst v63  }
0x99: {  	_ =	swait.ge [sflag:s12], $0x400  }
0x9a: {  	[sflag:s12] =	ssyncset.done $0x0  }
0x9b: {  	[sflag:s12] =	ssyncadd.s32 $0xFFFFFC00  }
0x9c: {  	_ =	swait.ge [sflag:s22], $0x400  }
0x9d: {  	[sflag:s22] =	ssyncset.done $0x0  }
0x9e: {  	[sflag:s22] =	ssyncadd.s32 $0xFFFFFC00  }
0x9f: {  	[spmem:s2] =	stream.indirect.scatter.add.f32 [tilespmem:s14], [sflag:$0x2], $0x1, s21, s13, $0xb8;
	[tilespmem:$0x3980] =	vst v63  }
0xa0: {  	_ = 	snop  }
0xa1: {  	[spmem:s2] =	stream.indirect.scatter.add.f32 [tilespmem:s14], [sflag:$0x2], $0x1, s23, s13, $0xb8;
	[tilespmem:$0x3980] =	vst v63  }
0xa2: {  	_ = 	snop  }
0xa3: {  	[spmem:s2] =	stream.indirect.scatter.add.f32 [tilespmem:s14], [sflag:$0x2], $0x1, s24, s13, $0xb8;
	[tilespmem:$0x3980] =	vst v63  }
0xa4: {  	_ = 	snop  }
0xa5: {  	[spmem:s2] =	stream.indirect.scatter.add.f32 [tilespmem:s14], [sflag:$0x2], $0x1, s25, s13, $0xb8;
	[tilespmem:$0x3980] =	vst v63  }
0xa6: {  	_ = 	snop  }
0xa7: {  	[spmem:s2] =	stream.indirect.scatter.add.f32 [tilespmem:s14], [sflag:$0x2], $0x1, s26, s13, $0xb8;
	[tilespmem:$0x3980] =	vst v63  }
0xa8: {  	_ = 	snop  }
0xa9: {  	[spmem:s2] =	stream.indirect.scatter.add.f32 [tilespmem:s14], [sflag:$0x2], $0x1, s28, s13, $0xb8;
	[tilespmem:$0x3980] =	vst v63  }
0xaa: {  	_ = 	snop  }
0xab: {  	[spmem:s2] =	stream.indirect.scatter.add.f32 [tilespmem:s14], [sflag:$0x2], $0x1, s29, s13, $0xb8;
	[tilespmem:$0x3980] =	vst v63  }
0xac: {  	_ = 	snop  }
0xad: {  	[spmem:s2] =	stream.indirect.scatter.add.f32 [tilespmem:s14], [sflag:$0x2], $0x1, s30, s13, $0xb8;
	[tilespmem:$0x3980] =	vst v63  }
0xae: {  	_ =	swait.ge [sflag:s31], $0x400  }
0xaf: {  	[sflag:s31] =	ssyncset.done $0x0  }
0xb0: {  	[sflag:s31] =	ssyncadd.s32 $0xFFFFFC00  }
0xb1: {  	[bflag:$0x0] =	sbarrier.arrive $0xFFFF  }
0xb2: {  	[tilespmem:s11], [sflag:$0x3] =	stream.linear.gather [spmem:s4], $0x1880, $0x38;
	[tilespmem:$0x3980] =	vst v63  }
0xb3: {  	_ =	swait.ge [sflag:s12], $0x1880  }
0xb4: {  	[sflag:s12] =	ssyncset.done $0x0  }
0xb5: {  	[sflag:s12] =	ssyncadd.s32 $0xFFFFE780  }
0xb6: {  	[hbm4b:s8+s3] =	stream.linear.scatter [tilespmem:s11], [sflag:$0x3], $0x1880, $0x38;
	[tilespmem:$0x3980] =	vst v63  }
0xb7: {  	_ =	swait.ge [sflag:s12], $0x1880  }
0xb8: {  	s0 =	sadd.s32 $0x1, s0;
	s7 =	rddreg [dreg:$0x4]  }
0xb9: {  	p0 =	sne.s32 s0, s7  }
.Ltmp2:
0xba: {  	_ = 	snop;
	(pc) =	sbr.rel @p0 .LBB2_1-.Ltmp2, $3  }
0xbb: {  	_ =	sdelay $0x1  }
0xbc: {  	[sflag:s12] =	ssyncset.done $0x0  }
0xbd: {  	[sflag:s12] =	ssyncadd.s32 $0xFFFFE780  }
0xbe: {  	_ =	sfence.sel $0x180000  }
0xbf: {  	[bflag:$0x0] =	sbarrier.arrive $0xFFFF  }
0xc0: {  	_ =	strace $0x90000047  }
0xc1: {  	s0 =	stileid.u32;
	[bflag:$0x2] =	sbarrier.arrive $0xFFFF  }
0xc2: {  	p0 =	sne.s32 s0, $0x0;
	s0 =	rddreg [dreg:$0x3]  }
0xc3: {  	s0 =	sadd.s32 @!p0 $0x100000, s0  }
0xc4: {  	[sflag:s0] =	ssyncadd.tile.s32 @!p0 $0x1;
	_ =	shalt  }
.Lfunc_end2:
_tile_overlayer_lowered:
.L_overlay_start_2:
0xc5: {  	(tag) =	ssettag $0x2  }
0xc6: {  	s0 =	rddreg [dreg:$0x0];
	s2 =	stileid.u32  }
0xc7: {  	s1 =	rddreg [dreg:$0x1];
	p0 =	sne.s32 s2, $0x0  }
0xc8: {  	s3 =	rddreg [dreg:$0x2];
	[bflag:$0x3] =	sbarrier.arrive $0xFFFF;
	s2 =	simm.s32 @!p0 $0x1C03  }
0xc9: {  	[timem:s3], [sflag:s2] =	dma.local @!p0 [hbm:s0], s1  }
0xca: {  	s0 =	simm.s32 @!p0 $0x3  }
0xcb: {  	_ =	swait.ge @!p0 [sflag:s0], s1  }
0xcc: {  	s1 =	ssub.s32 @!p0 $0x0, s1;
	[sflag:s0] =	ssyncset.done @!p0 $0x0  }
0xcd: {  	[sflag:s0] =	ssyncadd.s32 @!p0 s1  }
0xce: {  	[bflag:$0x3] =	sbarrier.arrive $0xFFFF  }
0xcf: {  	_ =	shalt  }

// kernel: gcn_scatter1.3.cloned.1.call-start
scs
__scs_entry_jumppad:
0x0: {  	(pc) =	sbr.rel $0x88, $3  }
0x1: {  	(tag) =	ssettag $0x0;
	lr =	simm.s32 $0x1  }
0x2: {  	[smem:$0x3F9B] =	sst lr;
	_ =	strace $0xD0000000  }
0x3: {  	_ = 	snop  }
0x4: {  	_ = 	snop  }
0x5: {  	_ = 	snop  }
0x6: {  	_ = 	snop  }
0x7: {  	_ = 	snop  }
__scs_overlays_trampoline_lowered:
0x8: {  	[smem:$0x3FAA] =	sst s0  }
0x9: {  	[smem:$0x3FAB] =	sst s1  }
0xa: {  	[smem:$0x3FAC] =	sst s2  }
0xb: {  	[smem:$0x3FAD] =	sst s3  }
0xc: {  	[smem:$0x3FAE] =	sst s4  }
0xd: {  	[smem:$0x3FAF] =	sst s5  }
0xe: {  	[smem:$0x3FB0] =	sst s6  }
0xf: {  	[smem:$0x3FB1] =	sst s7  }
0x10: {  	[smem:$0x3FB2] =	sst s8  }
0x11: {  	[smem:$0x3FB3] =	sst s9;
	s0 =	simm.s32 @!p0 $0x0  }
0x12: {  	s1 =	sld [smem:$0x3F99];
	s0 =	simm.s32 @p0 $0x1  }
0x13: {  	[smem:$0x3FB4] =	sst s0;
	s0 =	simm.s32 @!p1 $0x0  }
0x14: {  	s2 =	sld [smem:$0x3F98];
	s0 =	simm.s32 @p1 $0x1  }
0x15: {  	[smem:$0x3FB5] =	sst s0;
	s0 =	simm.s32 @!p2 $0x0  }
0x16: {  	s3 =	sld [smem:$0x3FDB];
	s0 =	simm.s32 @p2 $0x1  }
0x17: {  	s4 =	simm.s32 $0x1BF5;
	[smem:$0x3FB7] =	sst s0  }
0x18: {  	s0 =	sld [smem:$0x3F9A];
	_ =	swait.ge [sflag:s4], $0x0  }
0x19: {  	s7 =	sld [smem:$0x3F9B]  }
0x1a: {  	s8 =	sadd.s32 $0xFFFFE003, lr  }
0x1b: {  	s9 =	sadd.s32 $0xFFFFFEF7, lr;
	s5 =	simm.s32 $0xFFFFFFFF;
	p2 =	slt.u32 s8, $0xFFFFF086  }
0x1c: {  	p1 =	slt.u32 s9, $0xF7A;
	s5 =	simm.s32 @!p2 $0x0  }
0x1d: {  	s5 =	simm.s32 @p1 $0x1;
	p0 =	seq.s32 s7, s2  }
0x1e: {  	s7 =	smul.u32 @!p0 $0xF7A, s2;
	p2 =	seq.s32 @!p0 s5, $0x0  }
0x1f: {  	s9 =	smul.u32 $0xF7A, s1;
	s8 =	simm.s32 @!p0 $0x1BF5;
	p2 =	por !p2, p0  }
0x20: {  	[sflag:s8] =	ssyncset.s32 @!p0 $0xFFFFF086;
	s6 =	sadd.s32 @!p0 s3, s7;
	s7 =	simm.s32 @!p0 $0x108  }
0x21: {  	s3 =	sadd.s32 s3, s9;
	s6 =	sadd.s32 @!p0 $0x88, s6;
	s7 =	simm.s32 @p2 $0x1082  }
0x22: {  	[simem:s7], [sflag:s8] =	dma.local @!p0 [hbm:s6], $0xF7A  }
0x23: {  	s9 =	sor.u32 $0xD0000000, s2;
	s6 =	simm.s32 $0x108;
	_ =	swait.ge @!p0 [sflag:s8], $0x0  }
0x24: {  	s3 =	sadd.s32 $0x88, s3;
	s6 =	simm.s32 @!p1 $0x1082;
	[sflag:s4] =	ssyncset.s32 $0xFFFFF086  }
0x25: {  	[simem:s6], [sflag:s4] =	dma.local [hbm:s3], $0xF7A  }
0x26: {  	[smem:$0x3F9B] =	sst s1;
	(tag) =	ssettag s2;
	_ =	strace s9  }
0x27: {  	s1 =	sld [smem:$0x3FAB]  }
0x28: {  	s2 =	sld [smem:$0x3FAC]  }
0x29: {  	s4 =	sld [smem:$0x3FAE]  }
0x2a: {  	p0 =	seq.s32 s5, $0x0;
	s5 =	sld [smem:$0x3FAF]  }
0x2b: {  	s6 =	sld [smem:$0x3FB0]  }
0x2c: {  	s7 =	sld [smem:$0x3FB1]  }
0x2d: {  	s3 =	simm.s32 $0x108;
	s8 =	sld [smem:$0x3FB2]  }
0x2e: {  	s3 =	simm.s32 @!p0 $0x1082;
	s9 =	sld [smem:$0x3FB3]  }
0x2f: {  	lr =	sadd.s32 s0, s3;
	s0 =	sld [smem:$0x3FAA]  }
0x30: {  	s3 =	sld [smem:$0x3FAD]  }
0x31: {  	[smem:$0x3FB6] =	sst s10  }
0x32: {  	s10 =	sld [smem:$0x3FB4];
	_ =	sdelay $0x3  }
0x33: {  	p0 =	seq.s32 s10, $0x1;
	s10 =	sld [smem:$0x3FB6];
	_ =	sdelay $0x3  }
0x34: {  	[smem:$0x3FB6] =	sst s10  }
0x35: {  	s10 =	sld [smem:$0x3FB5];
	_ =	sdelay $0x3  }
0x36: {  	p1 =	seq.s32 s10, $0x1;
	s10 =	sld [smem:$0x3FB6];
	_ =	sdelay $0x3  }
0x37: {  	[smem:$0x3FB6] =	sst s10  }
0x38: {  	s10 =	sld [smem:$0x3FB7]  }
0x39: {  	_ = 	snop;
	(pc) =	sbr.ind lr, $3  }
0x3a: {  	_ = 	snop  }
0x3b: {  	_ = 	snop  }
0x3c: {  	p2 =	seq.s32 s10, $0x1;
	s10 =	sld [smem:$0x3FB6]  }
0x3d: {  	_ =	shalt  }
0x3e: {  	_ =	shalt  }
0x3f: {  	_ =	shalt  }
0x40: {  	_ =	shalt  }
0x41: {  	_ =	shalt  }
0x42: {  	_ =	shalt  }
0x43: {  	_ =	shalt  }
0x44: {  	_ =	shalt  }
0x45: {  	_ =	shalt  }
0x46: {  	_ =	shalt  }
0x47: {  	_ =	shalt  }
0x48: {  	_ =	shalt  }
0x49: {  	_ =	shalt  }
0x4a: {  	_ =	shalt  }
0x4b: {  	_ =	shalt  }
0x4c: {  	_ =	shalt  }
0x4d: {  	_ =	shalt  }
0x4e: {  	_ =	shalt  }
0x4f: {  	_ =	shalt  }
0x50: {  	_ =	shalt  }
0x51: {  	_ =	shalt  }
0x52: {  	_ =	shalt  }
0x53: {  	_ =	shalt  }
0x54: {  	_ =	shalt  }
0x55: {  	_ =	shalt  }
0x56: {  	_ =	shalt  }
0x57: {  	_ =	shalt  }
0x58: {  	_ =	shalt  }
0x59: {  	_ =	shalt  }
0x5a: {  	_ =	shalt  }
0x5b: {  	_ =	shalt  }
0x5c: {  	_ =	shalt  }
0x5d: {  	_ =	shalt  }
0x5e: {  	_ =	shalt  }
0x5f: {  	_ =	shalt  }
0x60: {  	_ =	shalt  }
0x61: {  	_ =	shalt  }
0x62: {  	_ =	shalt  }
0x63: {  	_ =	shalt  }
0x64: {  	_ =	shalt  }
0x65: {  	_ =	shalt  }
0x66: {  	_ =	shalt  }
0x67: {  	_ =	shalt  }
0x68: {  	_ =	shalt  }
0x69: {  	_ =	shalt  }
0x6a: {  	_ =	shalt  }
0x6b: {  	_ =	shalt  }
0x6c: {  	_ =	shalt  }
0x6d: {  	_ =	shalt  }
0x6e: {  	_ =	shalt  }
0x6f: {  	_ =	shalt  }
0x70: {  	_ =	shalt  }
0x71: {  	_ =	shalt  }
0x72: {  	_ =	shalt  }
0x73: {  	_ =	shalt  }
0x74: {  	_ =	shalt  }
0x75: {  	_ =	shalt  }
0x76: {  	_ =	shalt  }
0x77: {  	_ =	shalt  }
0x78: {  	_ =	shalt  }
0x79: {  	_ =	shalt  }
0x7a: {  	_ =	shalt  }
0x7b: {  	_ =	shalt  }
0x7c: {  	_ =	shalt  }
0x7d: {  	_ =	shalt  }
0x7e: {  	_ =	shalt  }
0x7f: {  	_ =	shalt  }
0x80: {  	_ =	shalt  }
0x81: {  	_ =	shalt  }
0x82: {  	_ =	shalt  }
0x83: {  	_ =	shalt  }
0x84: {  	_ =	shalt  }
0x85: {  	_ =	shalt  }
0x86: {  	_ =	shalt  }
0x87: {  	_ =	shalt  }
.Lfunc_end0:
.L_simem_size_0:
called_computation.1_lowered:
.L_overlay_start_0:
0x88: {  	s2 =	sld [smem:$0x3FD9]  }
0x89: {  	s3 =	sld [smem:$0x3FFE];
	_ =	sdelay $0x1  }
0x8a: {  	s1 =	srdreg.scid  }
0x8b: {  	s0 =	sand.u32 $0x1, s1  }
0x8c: {  	s16 =	sshll.u32 s0, $0xA;
	s2 =	sadd.s32 s3, s2  }
0x8d: {  	s2 =	sadd.s32 s2, s16  }
0x8e: {  	[smem:$0x3FC2] =	sst s2  }
0x8f: {  	_ = 	snop  }
0x90: {  	(tm) =	ssettm $0x1  }
0x91: {  	s17 =	sld [smem:$0x3FFB];
	_ =	sdelay $0x3  }
0x92: {  	_ =	strace s17  }
0x93: {  	s2 =	sld [smem:$0x3FFC];
	_ =	sdelay $0x3  }
0x94: {  	_ =	strace s2  }
0x95: {  	s2 =	sld [smem:$0x3FFD];
	_ =	sdelay $0x3  }
0x96: {  	_ =	strace s2  }
0x97: {  	_ =	strace $0x8FFFFFFF  }
0x98: {  	s18 =	sld [smem:$0x3FDB];
	_ =	sdelay $0x1  }
0x99: {  	s19 =	simm.s32 $_scs_section_size  }
0x9a: {  	s4 =	simm.s32 $_size__tile_overlayer_lowered;
	s5 =	simm.s32 $_tile_overlayer_lowered  }
0x9b: {  	s22 =	simm.s32 $0x1BFF;
	s21 =	sshll.u32 s5, $0x1;
	s2 =	sadd.s32 s19, s18  }
0x9c: {  	s6 =	simm.s32 $0x0;
	s20 =	sshll.u32 s4, $0x1;
	s4 =	sadd.s32 s21, s2  }
0x9d: {  	[timem:s6], [sflag:s22] =	dma.local [hbm:s4], s20  }
0x9e: {  	_ =	swait.ge [sflag:s22], s20  }
0x9f: {  	s3 =	ssub.s32 $0x0, s20;
	[sflag:s22] =	ssyncset.done $0x0  }
0xa0: {  	[sflag:s22] =	ssyncadd.s32 s3;
	_ =	sdelay $0x1  }
0xa1: {  	s23 =	simm.s32 $0x1B8B  }
0xa2: {  	_ =	swait.ge [sflag:s23], $0x1  }
0xa3: {  	[sflag:s23] =	ssyncset.done $0x0  }
0xa4: {  	s25 =	simm.s32 $0x1B8E;
	s24 =	sld [smem:$0x3FFE];
	[sflag:s23] =	ssyncadd.s32 $0xFFFFFFFF  }
0xa5: {  	s26 =	simm.s32 $execute0_lowered;
	[smem:$0x3FD2] =	sst s25  }
0xa6: {  	s4 =	sshll.u32 s26, $0x1;
	_ =	strace $0x80000049;
	[dreg:$0x1] =	wrdreg $0xFFFFFFFF  }
0xa7: {  	s28 =	simm.s32 $_size_execute0_lowered;
	s2 =	sadd.s32 s2, s4;
	[dreg:$0x0] =	wrdreg $0x0  }
0xa8: {  	s4 =	sshll.u32 s28, $0x1;
	[dreg:$0x2] =	wrdreg s2  }
0xa9: {  	[dreg:$0x3] =	wrdreg s4  }
0xaa: {  	[dreg:$0x4] =	wrdreg $0xC0  }
0xab: {  	_ =	task [dreg:s6], $0x5FFFF  }
0xac: {  	[dreg:$0x1] =	wrdreg $0xFFFFFFFF  }
0xad: {  	[dreg:$0x0] =	wrdreg $0x60  }
0xae: {  	[dreg:$0x2] =	wrdreg s24  }
0xaf: {  	[dreg:$0x3] =	wrdreg $0x68800  }
0xb0: {  	[dreg:$0x4] =	wrdreg $0x9  }
0xb1: {  	_ =	task.clear_ibuf [dreg:s6], $0x5FFFF;
	_ =	strace $0x90000049  }
0xb2: {  	s29 =	simm.s32 $0x9;
	_ =	strace $0x8000004B  }
0xb3: {  	_ =	swait.ge [sflag:s29], $0x1  }
0xb4: {  	[sflag:s29] =	ssyncadd.s32 $0xFFFFFFFF  }
0xb5: {  	_ =	strace $0x9000004B  }
0xb6: {  	_ =	sfence  }
0xb7: {  	s30 =	sld [smem:$0x0];
	_ =	sdelay $0x2  }
0xb8: {  	s31 =	sshll.u32 s1, $0xD;
	s1 =	sshrl.u32 s1, $0x2  }
0xb9: {  	s3 =	sand.u32 $0x4000, s31;
	s1 =	sadd.s32 s1, s30  }
0xba: {  	s0 =	sor.u32 s3, s0;
	s1 =	sshll.u32 s1, $0x11  }
0xbb: {  	s0 =	sor.u32 s1, s0  }
0xbc: {  	s0 =	sadd.s32 $0x8F2B, s0  }
0xbd: {  	[sflag:s0] =	ssyncadd.remote.s32 $0x1  }
0xbe: {  	_ =	sfence.sel $0xFFFF  }
0xbf: {  	[dreg:$0x0] =	wrdreg $0xFFFFFFFF;
	(pc) =	sbr.abs _section_cstart, $3  }
0xc0: {  	[dreg:$0x1] =	wrdreg $0xFFFFFFFF  }
0xc1: {  	_ =	task.clear_ibuf [dreg:s6], $0x2FFFF;
	_ =	strace $0x9FFFFFFF  }
0xc2: {  	(tm) =	ssettm $0x7FFFFFFF  }
0xc3: {  	_ =	shalt  }
tec
execute0_lowered:
.L_overlay_start_1:
0x0: {  	(tag) =	ssettag $0x1  }
0x1: {  	s0 =	rddreg [dreg:$0x0]  }
0x2: {  	s1 =	rddreg [dreg:$0x1];
	s3 =	simm.s32 $0x0;
	s2 =	srdreg.scid  }
0x3: {  	s12 =	stileid.u32;
	s24 =	simm.s32 $0x100;
	s25 =	simm.s32 $0x180  }
0x4: {  	s26 =	simm.s32 $0x200;
	s14 =	simm.s32 $0x580;
	s15 =	simm.s32 $0x600  }
0x5: {  	s16 =	simm.s32 $0x680;
	s28 =	simm.s32 $0x2;
	s31 =	simm.s32 $0xE80  }
0x6: {  	s30 =	simm.s32 $0x400;
	[smem:$0x7FF] =	sst s3;
	s2 =	sand.u32 $0x1, s2  }
0x7: {  	s7 =	smul.u32 $0x310, s12;
	_ =	strace $0x8000004A;
	[dreg:$0x7] =	wrdreg s24  }
0x8: {  	s6 =	sadd.s32 $0x68400, s0;
	s10 =	smul.u32 $0x3100, s12;
	[dreg:$0x8] =	wrdreg s25  }
0x9: {  	s8 =	sadd.s32 $0x3200, s0;
	s29 =	smul.u32 $0x62000, s12;
	[dreg:$0x9] =	wrdreg s26  }
0xa: {  	s4 =	sadd.s32 $0x252400, s0;
	s5 =	smul.u32 $0x3100, s2;
	[dreg:$0xf] =	wrdreg s14  }
0xb: {  	s9 =	sshll.u32 s2, $0x4;
	s17 =	ssub.s32 $0x2, s2;
	[dreg:$0x10] =	wrdreg s15  }
0xc: {  	p0 =	seq.s32 s2, $0x0;
	s14 =	simm.s32 $0x80;
	[dreg:$0x11] =	wrdreg s16  }
0xd: {  	s15 =	simm.s32 $0x1000;
	s16 =	simm.s32 $0x1800;
	s24 =	simm.s32 $0xB00  }
0xe: {  	s25 =	simm.s32 $0xB80;
	s26 =	simm.s32 $0xC80;
	s2 =	simm.s32 $0xF80  }
0xf: {  	s9 =	sor.u32 s12, s9;
	s0 =	sadd.s32 s10, s0;
	[dreg:$0x19] =	wrdreg s24  }
0x10: {  	s18 =	sshrl.u32 s17, $0x1;
	s10 =	simm.s32 $0x380;
	[dreg:$0x1a] =	wrdreg s25  }
0x11: {  	s12 =	simm.s32 $0x500;
	[dreg:$0x1b] =	wrdreg s26;
	s24 =	simm.s32 $0x4  }
0x12: {  	s25 =	simm.s32 $0xC00;
	s26 =	simm.s32 $0x1;
	s5 =	sadd.s32 s7, s5  }
0x13: {  	s9 =	smul.u32 $0x3100, s9;
	s7 =	ssub.s32 s17, s18;
	[dreg:$0xc] =	wrdreg s10  }
0x14: {  	[dreg:$0xe] =	wrdreg s12;
	s12 =	simm.s32 $0x3;
	s17 =	simm.s32 $0x700  }
0x15: {  	s18 =	simm.s32 $0x780;
	s24 =	simm.s32 @!p0 $0x3;
	[dreg:$0x12] =	wrdreg s17  }
0x16: {  	s5 =	sshll.u32 s5, $0x4;
	s23 =	smax.u32 s7, $0x1;
	[dreg:$0x13] =	wrdreg s18  }
0x17: {  	s7 =	simm.s32 $0x280;
	s17 =	simm.s32 $0x2000;
	[dreg:$0x1f] =	wrdreg s23  }
0x18: {  	s18 =	simm.s32 $0x2800;
	s19 =	sadd.s32 s6, s9;
	[dreg:$0xa] =	wrdreg s7  }
0x19: {  	s11 =	sadd.s32 $0x100, s5;
	s9 =	sadd.s32 s8, s9;
	[dreg:$0x1d] =	wrdreg s19  }
0x1a: {  	s5 =	sor.u32 $0x80, s5;
	s23 =	simm.s32 $0xA80;
	[dreg:$0x1e] =	wrdreg s9  }
0x1b: {  	s7 =	simm.s32 $0x0;
	s20 =	sadd.s32 s11, s6;
	[dreg:$0x18] =	wrdreg s23  }
0x1c: {  	s21 =	sadd.s32 s11, s8;
	s6 =	sadd.s32 s5, s6;
	[dreg:$0x3] =	wrdreg s20  }
0x1d: {  	s22 =	sadd.s32 s5, s8;
	s5 =	simm.s32 $0x2B4400;
	[dreg:$0x4] =	wrdreg s21  }
0x1e: {  	s8 =	sadd.s32 $0x283400, s0;
	s9 =	simm.s32 $0x300;
	[dreg:$0x5] =	wrdreg s6  }
0x1f: {  	s11 =	simm.s32 $0x480;
	s19 =	simm.s32 $0x880;
	[dreg:$0x6] =	wrdreg s22  }
0x20: {  	s23 =	simm.s32 $0x800;
	s5 =	simm.s32 @!p0 $0x2E5400;
	[dreg:$0xb] =	wrdreg s9  }
0x21: {  	s6 =	sshrl.u32 s29, $0x2;
	[dreg:$0xd] =	wrdreg s11;
	s11 =	simm.s32 $0x5000  }
0x22: {  	[dreg:$0x14] =	wrdreg s19;
	s20 =	simm.s32 $0x900;
	s21 =	simm.s32 $0x980  }
0x23: {  	s19 =	simm.s32 $0x3000;
	s22 =	simm.s32 $0xA00;
	[dreg:$0x15] =	wrdreg s20  }
0x24: {  	s29 =	simm.s32 $0xD00;
	s13 =	sadd.s32 s6, s1;
	[dreg:$0x16] =	wrdreg s21  }
0x25: {  	s10 =	sadd.s32 s5, s0;
	s20 =	simm.s32 $0x3800;
	[dreg:$0x17] =	wrdreg s22  }
0x26: {  	s21 =	simm.s32 $0x4000;
	s22 =	simm.s32 $0x4800;
	[dreg:$0x1c] =	wrdreg s29  }
0x27: {  	s0 =	simm.s32 $0xF00;
	s5 =	simm.s32 $0x4;
	[smem:$0x7FD] =	sst s13  }
.LBB2_1:
0x28: {  	[smem:$0x7FC] =	sst s7;
	s6 =	sadd.s32 $0x0, s8  }
0x29: {  	[tilespmem:s11], [sflag:$0x3] =	stream.linear.gather [hbm4b:s6+s3], $0x1880, $0x38;
	[tilespmem:$0x1F080] =	vst v63  }
0x2a: {  	_ =	swait.ge [sflag:s12], $0x1880  }
0x2b: {  	[sflag:s12] =	ssyncset.done $0x0  }
0x2c: {  	[sflag:s12] =	ssyncadd.s32 $0xFFFFE780  }
0x2d: {  	[spmem:s13] =	stream.linear.scatter [tilespmem:s11], [sflag:$0x3], $0x1880, $0x38;
	[tilespmem:$0x1F080] =	vst v63  }
0x2e: {  	s9 =	simm.s32 $0x310;
	_ =	swait.ge [sflag:s12], $0x1880  }
0x2f: {  	s7 =	sadd.s32 $0x1880, s13;
	s6 =	simm.s32 $0x620;
	[sflag:s12] =	ssyncset.done $0x0  }
.LBB2_2:
0x30: {  	s13 =	sadd.s32 s9, s8  }
0x31: {  	[sflag:s12] =	ssyncadd.s32 $0xFFFFE780;
	s9 =	smov.u32 s6;
	s29 =	sadd.s32 $0x310, s6  }
0x32: {  	[tilespmem:s11], [sflag:$0x3] =	stream.linear.gather [hbm4b:s13+s3], $0x1880, $0x38;
	[tilespmem:$0x1F080] =	vst v63  }
0x33: {  	p0 =	sne.s32 s6, $0x2DF0;
	_ =	swait.ge [sflag:s12], $0x1880  }
.Ltmp0:
0x34: {  	[sflag:s12] =	ssyncset.done $0x0;
	(pc) =	sbr.rel @p0 .LBB2_2-.Ltmp0, $4  }
0x35: {  	[sflag:s12] =	ssyncadd.s32 $0xFFFFE780  }
0x36: {  	[spmem:s7] =	stream.linear.scatter [tilespmem:s11], [sflag:$0x3], $0x1880, $0x38;
	[tilespmem:$0x1F080] =	vst v63  }
0x37: {  	_ =	swait.ge [sflag:s12], $0x1880  }
0x38: {  	s6 =	smov.u32 s29;
	s7 =	sadd.s32 $0x1880, s7;
	[sflag:s12] =	ssyncset.done $0x0  }
0x39: {  	s6 =	sadd.s32 s9, s8;
	[sflag:s12] =	ssyncadd.s32 $0xFFFFE780  }
0x3a: {  	[tilespmem:s11], [sflag:$0x3] =	stream.linear.gather [hbm4b:s6+s3], $0x1880, $0x38;
	[tilespmem:$0x1F080] =	vst v63  }
0x3b: {  	_ =	swait.ge [sflag:s12], $0x1880  }
0x3c: {  	[sflag:s12] =	ssyncset.done $0x0  }
0x3d: {  	[sflag:s12] =	ssyncadd.s32 $0xFFFFE780  }
0x3e: {  	[spmem:s7] =	stream.linear.scatter [tilespmem:s11], [sflag:$0x3], $0x1880, $0x38;
	[tilespmem:$0x1F080] =	vst v63  }
0x3f: {  	_ =	swait.ge [sflag:s12], $0x1880  }
0x40: {  	[sflag:s12] =	ssyncset.done $0x0  }
0x41: {  	[sflag:s12] =	ssyncadd.s32 $0xFFFFE780  }
0x42: {  	[bflag:$0x0] =	sbarrier.arrive $0xFFFF  }
0x43: {  	s9 =	simm.s32 $0x0;
	s13 =	rddreg [dreg:$0x1d]  }
0x44: {  	[tilespmem:s9], [sflag:$0x3] =	stream.linear.gather [hbm4b:s13+s9], $0x400, $0x38;
	[tilespmem:$0x1F080] =	vst v63  }
0x45: {  	_ =	swait.ge [sflag:s12], $0x400  }
0x46: {  	[sflag:s12] =	ssyncset.done $0x0  }
0x47: {  	s29 =	rddreg [dreg:$0x1e];
	[sflag:s12] =	ssyncadd.s32 $0xFFFFFC00  }
0x48: {  	[tilespmem:s30], [sflag:$0x3] =	stream.linear.gather [hbm4b:s29+s9], $0x400, $0x38;
	[tilespmem:$0x1F080] =	vst v63  }
0x49: {  	_ =	swait.ge [sflag:s12], $0x400  }
0x4a: {  	[sflag:s12] =	ssyncset.done $0x0  }
0x4b: {  	[sflag:s12] =	ssyncadd.s32 $0xFFFFFC00  }
0x4c: {  	[tilespmem:s15], [sflag:$0x1] =	stream.indirect.gather [hbm4b:s4+s14], $0x10, s3, s14, $0xb8;
	[tilespmem:$0x1F080] =	vst v63  }
0x4d: {  	s6 =	rddreg [dreg:$0x5]  }
0x4e: {  	[tilespmem:s16], [sflag:$0x1] =	stream.indirect.gather [hbm4b:s4+s14], $0x10, s14, s14, $0xb8;
	[tilespmem:$0x1F080] =	vst v63  }
0x4f: {  	s9 =	rddreg [dreg:$0x7]  }
0x50: {  	[tilespmem:s17], [sflag:$0x1] =	stream.indirect.gather [hbm4b:s4+s14], $0x10, s9, s14, $0xb8;
	[tilespmem:$0x1F080] =	vst v63  }
0x51: {  	s13 =	rddreg [dreg:$0x8]  }
0x52: {  	[tilespmem:s18], [sflag:$0x1] =	stream.indirect.gather [hbm4b:s4+s14], $0x10, s13, s14, $0xb8;
	[tilespmem:$0x1F080] =	vst v63  }
0x53: {  	s29 =	rddreg [dreg:$0x9]  }
0x54: {  	[tilespmem:s19], [sflag:$0x1] =	stream.indirect.gather [hbm4b:s4+s14], $0x10, s29, s14, $0xb8;
	[tilespmem:$0x1F080] =	vst v63  }
0x55: {  	s13 =	rddreg [dreg:$0xa]  }
0x56: {  	[tilespmem:s20], [sflag:$0x1] =	stream.indirect.gather [hbm4b:s4+s14], $0x10, s13, s14, $0xb8;
	[tilespmem:$0x1F080] =	vst v63  }
0x57: {  	s29 =	rddreg [dreg:$0xb]  }
0x58: {  	[tilespmem:s21], [sflag:$0x1] =	stream.indirect.gather [hbm4b:s4+s14], $0x10, s29, s14, $0xb8;
	[tilespmem:$0x1F080] =	vst v63  }
0x59: {  	s13 =	rddreg [dreg:$0xc]  }
0x5a: {  	[tilespmem:s22], [sflag:$0x1] =	stream.indirect.gather [hbm4b:s4+s14], $0x10, s13, s14, $0xb8;
	[tilespmem:$0x1F080] =	vst v63  }
0x5b: {  	s6 =	sadd.s32 $0x0, s6  }
0x5c: {  	[tilespmem:s23], [sflag:$0x3] =	stream.linear.gather [hbm4b:s6+s3], $0x400, $0x38;
	[tilespmem:$0x1F080] =	vst v63  }
0x5d: {  	_ =	swait.ge [sflag:s12], $0x400  }
0x5e: {  	s29 =	rddreg [dreg:$0x6];
	[sflag:s12] =	ssyncset.done $0x0  }
0x5f: {  	[sflag:s12] =	ssyncadd.s32 $0xFFFFFC00;
	s6 =	sadd.s32 $0x0, s29  }
0x60: {  	[tilespmem:s25], [sflag:$0x3] =	stream.linear.gather [hbm4b:s6+s3], $0x400, $0x38;
	[tilespmem:$0x1F080] =	vst v63  }
0x61: {  	_ =	swait.ge [sflag:s12], $0x400  }
0x62: {  	[sflag:s12] =	ssyncset.done $0x0  }
0x63: {  	[sflag:s12] =	ssyncadd.s32 $0xFFFFFC00  }
0x64: {  	_ =	swait.ge [sflag:s26], $0x4000  }
0x65: {  	[sflag:s26] =	ssyncset.done $0x0  }
0x66: {  	[sflag:s26] =	ssyncadd.s32 $0xFFFFC000  }
0x67: {  	[spmem:s1] =	stream.indirect.scatter.add.f32 [tilespmem:s15], [sflag:$0x2], $0x10, s30, s14, $0xb8;
	[tilespmem:$0x1F080] =	vst v63  }
0x68: {  	s7 =	rddreg [dreg:$0xd]  }
0x69: {  	[spmem:s1] =	stream.indirect.scatter.add.f32 [tilespmem:s16], [sflag:$0x2], $0x10, s7, s14, $0xb8;
	[tilespmem:$0x1F080] =	vst v63  }
0x6a: {  	s9 =	rddreg [dreg:$0xe]  }
0x6b: {  	[spmem:s1] =	stream.indirect.scatter.add.f32 [tilespmem:s17], [sflag:$0x2], $0x10, s9, s14, $0xb8;
	[tilespmem:$0x1F080] =	vst v63  }
0x6c: {  	s13 =	rddreg [dreg:$0xf]  }
0x6d: {  	[spmem:s1] =	stream.indirect.scatter.add.f32 [tilespmem:s18], [sflag:$0x2], $0x10, s13, s14, $0xb8;
	[tilespmem:$0x1F080] =	vst v63  }
0x6e: {  	s29 =	rddreg [dreg:$0x10]  }
0x6f: {  	[spmem:s1] =	stream.indirect.scatter.add.f32 [tilespmem:s19], [sflag:$0x2], $0x10, s29, s14, $0xb8;
	[tilespmem:$0x1F080] =	vst v63  }
0x70: {  	s9 =	rddreg [dreg:$0x11]  }
0x71: {  	[spmem:s1] =	stream.indirect.scatter.add.f32 [tilespmem:s20], [sflag:$0x2], $0x10, s9, s14, $0xb8;
	[tilespmem:$0x1F080] =	vst v63  }
0x72: {  	s13 =	rddreg [dreg:$0x12]  }
0x73: {  	[spmem:s1] =	stream.indirect.scatter.add.f32 [tilespmem:s21], [sflag:$0x2], $0x10, s13, s14, $0xb8;
	[tilespmem:$0x1F080] =	vst v63  }
0x74: {  	s29 =	rddreg [dreg:$0x13]  }
0x75: {  	[spmem:s1] =	stream.indirect.scatter.add.f32 [tilespmem:s22], [sflag:$0x2], $0x10, s29, s14, $0xb8;
	[tilespmem:$0x1F080] =	vst v63  }
0x76: {  	_ =	swait.ge [sflag:s28], $0x4000  }
0x77: {  	[sflag:s28] =	ssyncset.done $0x0  }
0x78: {  	s6 =	rddreg [dreg:$0x3];
	[sflag:s28] =	ssyncadd.s32 $0xFFFFC000  }
0x79: {  	[tilespmem:s15], [sflag:$0x1] =	stream.indirect.gather [hbm4b:s4+s14], $0x10, s23, s14, $0xb8;
	[tilespmem:$0x1F080] =	vst v63  }
0x7a: {  	s9 =	rddreg [dreg:$0x14]  }
0x7b: {  	[tilespmem:s16], [sflag:$0x1] =	stream.indirect.gather [hbm4b:s4+s14], $0x10, s9, s14, $0xb8;
	[tilespmem:$0x1F080] =	vst v63  }
0x7c: {  	s13 =	rddreg [dreg:$0x15]  }
0x7d: {  	[tilespmem:s17], [sflag:$0x1] =	stream.indirect.gather [hbm4b:s4+s14], $0x10, s13, s14, $0xb8;
	[tilespmem:$0x1F080] =	vst v63  }
0x7e: {  	s29 =	rddreg [dreg:$0x16]  }
0x7f: {  	[tilespmem:s18], [sflag:$0x1] =	stream.indirect.gather [hbm4b:s4+s14], $0x10, s29, s14, $0xb8;
	[tilespmem:$0x1F080] =	vst v63  }
0x80: {  	s13 =	rddreg [dreg:$0x17]  }
0x81: {  	[tilespmem:s19], [sflag:$0x1] =	stream.indirect.gather [hbm4b:s4+s14], $0x10, s13, s14, $0xb8;
	[tilespmem:$0x1F080] =	vst v63  }
0x82: {  	s29 =	rddreg [dreg:$0x18]  }
0x83: {  	[tilespmem:s20], [sflag:$0x1] =	stream.indirect.gather [hbm4b:s4+s14], $0x10, s29, s14, $0xb8;
	[tilespmem:$0x1F080] =	vst v63  }
0x84: {  	s13 =	rddreg [dreg:$0x19]  }
0x85: {  	[tilespmem:s21], [sflag:$0x1] =	stream.indirect.gather [hbm4b:s4+s14], $0x10, s13, s14, $0xb8;
	[tilespmem:$0x1F080] =	vst v63  }
0x86: {  	p0 =	por $0x0, $0x0;
	s29 =	rddreg [dreg:$0x1a]  }
0x87: {  	[tilespmem:s22], [sflag:$0x1] =	stream.indirect.gather [hbm4b:s4+s14], $0x10, s29, s14, $0xb8;
	[tilespmem:$0x1F080] =	vst v63  }
0x88: {  	s7 =	simm.s32 @!p0 $0x0;
	s6 =	sadd.s32 @!p0 $0x0, s6;
	s9 =	simm.s32 @!p0 $0x3  }
0x89: {  	[tilespmem:s7], [sflag:$0x3] =	stream.linear.gather @!p0 [hbm4b:s6+s7], $0x400, $0x38;
	[tilespmem:$0x1F080] =	vst v63  }
0x8a: {  	_ =	swait.ge @!p0 [sflag:s9], $0x400  }
0x8b: {  	s6 =	rddreg [dreg:$0x4];
	[sflag:s9] =	ssyncset.done @!p0 $0x0  }
0x8c: {  	s13 =	simm.s32 @!p0 $0x400;
	[sflag:s9] =	ssyncadd.s32 @!p0 $0xFFFFFC00;
	s6 =	sadd.s32 @!p0 $0x0, s6  }
0x8d: {  	[tilespmem:s13], [sflag:$0x3] =	stream.linear.gather @!p0 [hbm4b:s6+s7], $0x400, $0x38;
	[tilespmem:$0x1F080] =	vst v63  }
0x8e: {  	_ =	swait.ge @!p0 [sflag:s9], $0x400  }
0x8f: {  	[sflag:s9] =	ssyncset.done @!p0 $0x0  }
0x90: {  	[sflag:s9] =	ssyncadd.s32 @!p0 $0xFFFFFC00  }
0x91: {  	_ =	swait.ge [sflag:s26], $0x4000  }
0x92: {  	[sflag:s26] =	ssyncset.done $0x0  }
0x93: {  	[sflag:s26] =	ssyncadd.s32 $0xFFFFC000  }
0x94: {  	[spmem:s1] =	stream.indirect.scatter.add.f32 [tilespmem:s15], [sflag:$0x2], $0x10, s25, s14, $0xb8;
	[tilespmem:$0x1F080] =	vst v63  }
0x95: {  	s7 =	rddreg [dreg:$0x1b]  }
0x96: {  	[spmem:s1] =	stream.indirect.scatter.add.f32 [tilespmem:s16], [sflag:$0x2], $0x10, s7, s14, $0xb8;
	[tilespmem:$0x1F080] =	vst v63  }
0x97: {  	s9 =	rddreg [dreg:$0x1c]  }
0x98: {  	[spmem:s1] =	stream.indirect.scatter.add.f32 [tilespmem:s17], [sflag:$0x2], $0x10, s9, s14, $0xb8;
	[tilespmem:$0x1F080] =	vst v63  }
0x99: {  	s13 =	simm.s32 $0xD80  }
0x9a: {  	[spmem:s1] =	stream.indirect.scatter.add.f32 [tilespmem:s18], [sflag:$0x2], $0x10, s13, s14, $0xb8;
	[tilespmem:$0x1F080] =	vst v63  }
0x9b: {  	s29 =	simm.s32 $0xE00  }
0x9c: {  	[spmem:s1] =	stream.indirect.scatter.add.f32 [tilespmem:s19], [sflag:$0x2], $0x10, s29, s14, $0xb8;
	[tilespmem:$0x1F080] =	vst v63  }
0x9d: {  	_ = 	snop  }
0x9e: {  	[spmem:s1] =	stream.indirect.scatter.add.f32 [tilespmem:s20], [sflag:$0x2], $0x10, s31, s14, $0xb8;
	[tilespmem:$0x1F080] =	vst v63  }
0x9f: {  	_ = 	snop  }
0xa0: {  	[spmem:s1] =	stream.indirect.scatter.add.f32 [tilespmem:s21], [sflag:$0x2], $0x10, s0, s14, $0xb8;
	[tilespmem:$0x1F080] =	vst v63  }
0xa1: {  	_ = 	snop  }
0xa2: {  	[spmem:s1] =	stream.indirect.scatter.add.f32 [tilespmem:s22], [sflag:$0x2], $0x10, s2, s14, $0xb8;
	[tilespmem:$0x1F080] =	vst v63  }
0xa3: {  	_ =	swait.ge [sflag:s28], $0x4000  }
0xa4: {  	s7 =	simm.s32 $0x100;
	[sflag:s28] =	ssyncset.done $0x0  }
.LBB2_4:
0xa5: {  	[sflag:s28] =	ssyncadd.s32 $0xFFFFC000  }
0xa6: {  	[tilespmem:s15], [sflag:$0x1] =	stream.indirect.gather [hbm4b:s4+s14], $0x10, s3, s14, $0xb8;
	[tilespmem:$0x1F080] =	vst v63  }
0xa7: {  	s6 =	rddreg [dreg:$0x5]  }
0xa8: {  	[tilespmem:s16], [sflag:$0x1] =	stream.indirect.gather [hbm4b:s4+s14], $0x10, s14, s14, $0xb8;
	[tilespmem:$0x1F080] =	vst v63  }
0xa9: {  	s13 =	rddreg [dreg:$0x7]  }
0xaa: {  	[tilespmem:s17], [sflag:$0x1] =	stream.indirect.gather [hbm4b:s4+s14], $0x10, s13, s14, $0xb8;
	[tilespmem:$0x1F080] =	vst v63  }
0xab: {  	s29 =	rddreg [dreg:$0x8]  }
0xac: {  	[tilespmem:s18], [sflag:$0x1] =	stream.indirect.gather [hbm4b:s4+s14], $0x10, s29, s14, $0xb8;
	[tilespmem:$0x1F080] =	vst v63  }
0xad: {  	s13 =	rddreg [dreg:$0x9]  }
0xae: {  	[tilespmem:s19], [sflag:$0x1] =	stream.indirect.gather [hbm4b:s4+s14], $0x10, s13, s14, $0xb8;
	[tilespmem:$0x1F080] =	vst v63  }
0xaf: {  	s29 =	rddreg [dreg:$0xa]  }
0xb0: {  	[tilespmem:s20], [sflag:$0x1] =	stream.indirect.gather [hbm4b:s4+s14], $0x10, s29, s14, $0xb8;
	[tilespmem:$0x1F080] =	vst v63  }
0xb1: {  	s13 =	rddreg [dreg:$0xb]  }
0xb2: {  	[tilespmem:s21], [sflag:$0x1] =	stream.indirect.gather [hbm4b:s4+s14], $0x10, s13, s14, $0xb8;
	[tilespmem:$0x1F080] =	vst v63  }
0xb3: {  	s9 =	smov.u32 s7;
	s29 =	rddreg [dreg:$0xc]  }
0xb4: {  	[tilespmem:s22], [sflag:$0x1] =	stream.indirect.gather [hbm4b:s4+s14], $0x10, s29, s14, $0xb8;
	[tilespmem:$0x1F080] =	vst v63  }
0xb5: {  	s6 =	sadd.s32 s9, s6  }
0xb6: {  	[tilespmem:s23], [sflag:$0x3] =	stream.linear.gather [hbm4b:s6+s3], $0x400, $0x38;
	[tilespmem:$0x1F080] =	vst v63  }
0xb7: {  	_ =	swait.ge [sflag:s12], $0x400  }
0xb8: {  	s13 =	rddreg [dreg:$0x6];
	[sflag:s12] =	ssyncset.done $0x0  }
0xb9: {  	[sflag:s12] =	ssyncadd.s32 $0xFFFFFC00;
	s6 =	sadd.s32 s9, s13  }
0xba: {  	[tilespmem:s25], [sflag:$0x3] =	stream.linear.gather [hbm4b:s6+s3], $0x400, $0x38;
	[tilespmem:$0x1F080] =	vst v63  }
0xbb: {  	_ =	swait.ge [sflag:s12], $0x400  }
0xbc: {  	[sflag:s12] =	ssyncset.done $0x0  }
0xbd: {  	[sflag:s12] =	ssyncadd.s32 $0xFFFFFC00  }
0xbe: {  	_ =	swait.ge [sflag:s26], $0x4000  }
0xbf: {  	[sflag:s26] =	ssyncset.done $0x0  }
0xc0: {  	[sflag:s26] =	ssyncadd.s32 $0xFFFFC000  }
0xc1: {  	[spmem:s1] =	stream.indirect.scatter.add.f32 [tilespmem:s15], [sflag:$0x2], $0x10, s30, s14, $0xb8;
	[tilespmem:$0x1F080] =	vst v63  }
0xc2: {  	s29 =	rddreg [dreg:$0xd]  }
0xc3: {  	[spmem:s1] =	stream.indirect.scatter.add.f32 [tilespmem:s16], [sflag:$0x2], $0x10, s29, s14, $0xb8;
	[tilespmem:$0x1F080] =	vst v63  }
0xc4: {  	s13 =	rddreg [dreg:$0xe]  }
0xc5: {  	[spmem:s1] =	stream.indirect.scatter.add.f32 [tilespmem:s17], [sflag:$0x2], $0x10, s13, s14, $0xb8;
	[tilespmem:$0x1F080] =	vst v63  }
0xc6: {  	s29 =	rddreg [dreg:$0xf]  }
0xc7: {  	[spmem:s1] =	stream.indirect.scatter.add.f32 [tilespmem:s18], [sflag:$0x2], $0x10, s29, s14, $0xb8;
	[tilespmem:$0x1F080] =	vst v63  }
0xc8: {  	s13 =	rddreg [dreg:$0x10]  }
0xc9: {  	[spmem:s1] =	stream.indirect.scatter.add.f32 [tilespmem:s19], [sflag:$0x2], $0x10, s13, s14, $0xb8;
	[tilespmem:$0x1F080] =	vst v63  }
0xca: {  	s29 =	rddreg [dreg:$0x11]  }
0xcb: {  	[spmem:s1] =	stream.indirect.scatter.add.f32 [tilespmem:s20], [sflag:$0x2], $0x10, s29, s14, $0xb8;
	[tilespmem:$0x1F080] =	vst v63  }
0xcc: {  	s13 =	rddreg [dreg:$0x12]  }
0xcd: {  	[spmem:s1] =	stream.indirect.scatter.add.f32 [tilespmem:s21], [sflag:$0x2], $0x10, s13, s14, $0xb8;
	[tilespmem:$0x1F080] =	vst v63  }
0xce: {  	s29 =	rddreg [dreg:$0x13]  }
0xcf: {  	[spmem:s1] =	stream.indirect.scatter.add.f32 [tilespmem:s22], [sflag:$0x2], $0x10, s29, s14, $0xb8;
	[tilespmem:$0x1F080] =	vst v63  }
0xd0: {  	_ =	swait.ge [sflag:s28], $0x4000  }
0xd1: {  	[sflag:s28] =	ssyncset.done $0x0  }
0xd2: {  	s6 =	rddreg [dreg:$0x3];
	[sflag:s28] =	ssyncadd.s32 $0xFFFFC000  }
0xd3: {  	[tilespmem:s15], [sflag:$0x1] =	stream.indirect.gather [hbm4b:s4+s14], $0x10, s23, s14, $0xb8;
	[tilespmem:$0x1F080] =	vst v63  }
0xd4: {  	s13 =	rddreg [dreg:$0x14]  }
0xd5: {  	[tilespmem:s16], [sflag:$0x1] =	stream.indirect.gather [hbm4b:s4+s14], $0x10, s13, s14, $0xb8;
	[tilespmem:$0x1F080] =	vst v63  }
0xd6: {  	s29 =	rddreg [dreg:$0x15]  }
0xd7: {  	[tilespmem:s17], [sflag:$0x1] =	stream.indirect.gather [hbm4b:s4+s14], $0x10, s29, s14, $0xb8;
	[tilespmem:$0x1F080] =	vst v63  }
0xd8: {  	s13 =	rddreg [dreg:$0x16]  }
0xd9: {  	[tilespmem:s18], [sflag:$0x1] =	stream.indirect.gather [hbm4b:s4+s14], $0x10, s13, s14, $0xb8;
	[tilespmem:$0x1F080] =	vst v63  }
0xda: {  	s29 =	rddreg [dreg:$0x17]  }
0xdb: {  	[tilespmem:s19], [sflag:$0x1] =	stream.indirect.gather [hbm4b:s4+s14], $0x10, s29, s14, $0xb8;
	[tilespmem:$0x1F080] =	vst v63  }
0xdc: {  	s13 =	rddreg [dreg:$0x18]  }
0xdd: {  	[tilespmem:s20], [sflag:$0x1] =	stream.indirect.gather [hbm4b:s4+s14], $0x10, s13, s14, $0xb8;
	[tilespmem:$0x1F080] =	vst v63  }
0xde: {  	s29 =	rddreg [dreg:$0x19]  }
0xdf: {  	[tilespmem:s21], [sflag:$0x1] =	stream.indirect.gather [hbm4b:s4+s14], $0x10, s29, s14, $0xb8;
	[tilespmem:$0x1F080] =	vst v63  }
0xe0: {  	p1 =	seq.s32 s9, $0x3000;
	s13 =	rddreg [dreg:$0x1a]  }
0xe1: {  	[tilespmem:s22], [sflag:$0x1] =	stream.indirect.gather [hbm4b:s4+s14], $0x10, s13, s14, $0xb8;
	[tilespmem:$0x1F080] =	vst v63  }
0xe2: {  	s6 =	sadd.s32 @!p1 s9, s6;
	s29 =	simm.s32 @!p1 $0x3;
	s13 =	simm.s32 @!p1 $0x0  }
0xe3: {  	[tilespmem:s13], [sflag:$0x3] =	stream.linear.gather @!p1 [hbm4b:s6+s13], $0x400, $0x38;
	[tilespmem:$0x1F080] =	vst v63  }
0xe4: {  	_ =	swait.ge @!p1 [sflag:s29], $0x400  }
0xe5: {  	s6 =	rddreg [dreg:$0x4];
	[sflag:s29] =	ssyncset.done @!p1 $0x0  }
0xe6: {  	[sflag:s29] =	ssyncadd.s32 @!p1 $0xFFFFFC00;
	s6 =	sadd.s32 @!p1 s9, s6;
	s9 =	simm.s32 @!p1 $0x400  }
0xe7: {  	[tilespmem:s9], [sflag:$0x3] =	stream.linear.gather @!p1 [hbm4b:s6+s13], $0x400, $0x38;
	[tilespmem:$0x1F080] =	vst v63  }
0xe8: {  	_ =	swait.ge @!p1 [sflag:s29], $0x400  }
0xe9: {  	[sflag:s29] =	ssyncset.done @!p1 $0x0  }
0xea: {  	[sflag:s29] =	ssyncadd.s32 @!p1 $0xFFFFFC00  }
0xeb: {  	_ =	swait.ge [sflag:s26], $0x4000  }
0xec: {  	[sflag:s26] =	ssyncset.done $0x0  }
0xed: {  	[sflag:s26] =	ssyncadd.s32 $0xFFFFC000  }
0xee: {  	[spmem:s1] =	stream.indirect.scatter.add.f32 [tilespmem:s15], [sflag:$0x2], $0x10, s25, s14, $0xb8;
	[tilespmem:$0x1F080] =	vst v63  }
0xef: {  	s6 =	rddreg [dreg:$0x1b]  }
0xf0: {  	[spmem:s1] =	stream.indirect.scatter.add.f32 [tilespmem:s16], [sflag:$0x2], $0x10, s6, s14, $0xb8;
	[tilespmem:$0x1F080] =	vst v63  }
0xf1: {  	s9 =	rddreg [dreg:$0x1c]  }
0xf2: {  	[spmem:s1] =	stream.indirect.scatter.add.f32 [tilespmem:s17], [sflag:$0x2], $0x10, s9, s14, $0xb8;
	[tilespmem:$0x1F080] =	vst v63  }
0xf3: {  	s13 =	simm.s32 $0xD80  }
0xf4: {  	[spmem:s1] =	stream.indirect.scatter.add.f32 [tilespmem:s18], [sflag:$0x2], $0x10, s13, s14, $0xb8;
	[tilespmem:$0x1F080] =	vst v63  }
0xf5: {  	s29 =	simm.s32 $0xE00  }
0xf6: {  	[spmem:s1] =	stream.indirect.scatter.add.f32 [tilespmem:s19], [sflag:$0x2], $0x10, s29, s14, $0xb8;
	[tilespmem:$0x1F080] =	vst v63  }
0xf7: {  	s7 =	sadd.s32 $0x100, s7  }
0xf8: {  	[spmem:s1] =	stream.indirect.scatter.add.f32 [tilespmem:s20], [sflag:$0x2], $0x10, s31, s14, $0xb8;
	[tilespmem:$0x1F080] =	vst v63  }
0xf9: {  	p0 =	sne.s32 s7, $0x3100  }
0xfa: {  	[spmem:s1] =	stream.indirect.scatter.add.f32 [tilespmem:s21], [sflag:$0x2], $0x10, s0, s14, $0xb8;
	[tilespmem:$0x1F080] =	vst v63  }
.Ltmp1:
0xfb: {  	_ = 	snop;
	(pc) =	sbr.rel @p0 .LBB2_4-.Ltmp1, $4  }
0xfc: {  	_ = 	snop  }
0xfd: {  	[spmem:s1] =	stream.indirect.scatter.add.f32 [tilespmem:s22], [sflag:$0x2], $0x10, s2, s14, $0xb8;
	[tilespmem:$0x1F080] =	vst v63  }
0xfe: {  	_ =	swait.ge [sflag:s28], $0x4000  }
0xff: {  	[sflag:s28] =	ssyncset.done $0x0  }
0x100: {  	[sflag:s28] =	ssyncadd.s32 $0xFFFFC000  }
0x101: {  	[bflag:$0x0] =	sbarrier.arrive $0xFFFF  }
0x102: {  	s13 =	sld [smem:$0x7FD];
	_ =	sdelay $0x2  }
0x103: {  	[tilespmem:s11], [sflag:$0x4] =	stream.linear.gather [spmem:s13], $0x1880, $0x38;
	[tilespmem:$0x1F080] =	vst v63  }
0x104: {  	_ =	swait.ge [sflag:s5], $0x1880  }
0x105: {  	[sflag:s5] =	ssyncset.done $0x0  }
0x106: {  	s6 =	sadd.s32 $0x0, s10;
	[sflag:s5] =	ssyncadd.s32 $0xFFFFE780  }
0x107: {  	[hbm4b:s6+s3] =	stream.linear.scatter [tilespmem:s11], [sflag:s24], $0x1880, $0x38;
	[tilespmem:$0x1F080] =	vst v63  }
0x108: {  	_ =	swait.ge [sflag:s24], $0x1880  }
0x109: {  	s7 =	simm.s32 $0x310;
	s9 =	smov.u32 s13;
	[sflag:s24] =	ssyncset.done $0x0  }
.LBB2_6:
0x10a: {  	p0 =	sne.s32 s7, $0x2DF0;
	[sflag:s24] =	ssyncadd.s32 $0xFFFFE780;
	s9 =	sadd.s32 $0x1880, s9  }
0x10b: {  	[tilespmem:s11], [sflag:$0x4] =	stream.linear.gather [spmem:s9], $0x1880, $0x38;
	[tilespmem:$0x1F080] =	vst v63  }
0x10c: {  	s6 =	smov.u32 s7;
	s7 =	sadd.s32 $0x310, s7;
	_ =	swait.ge [sflag:s5], $0x1880  }
.Ltmp2:
0x10d: {  	[sflag:s5] =	ssyncset.done $0x0;
	(pc) =	sbr.rel @p0 .LBB2_6-.Ltmp2, $4  }
0x10e: {  	s6 =	sadd.s32 s6, s10;
	[sflag:s5] =	ssyncadd.s32 $0xFFFFE780  }
0x10f: {  	[hbm4b:s6+s3] =	stream.linear.scatter [tilespmem:s11], [sflag:s24], $0x1880, $0x38;
	[tilespmem:$0x1F080] =	vst v63  }
0x110: {  	_ =	swait.ge [sflag:s24], $0x1880  }
0x111: {  	[sflag:s24] =	ssyncset.done $0x0  }
0x112: {  	s7 =	sld [smem:$0x7FC];
	_ =	sdelay $0x2  }
0x113: {  	s6 =	rddreg [dreg:$0x1f];
	s7 =	sadd.s32 $0x1, s7  }
0x114: {  	p0 =	sne.s32 s7, s6  }
.Ltmp3:
0x115: {  	_ = 	snop;
	(pc) =	sbr.rel @p0 .LBB2_1-.Ltmp3, $2  }
0x116: {  	_ =	sdelay $0x2  }
0x117: {  	[sflag:s24] =	ssyncadd.s32 $0xFFFFE780  }
0x118: {  	_ =	sfence.sel $0x180000  }
0x119: {  	[bflag:$0x0] =	sbarrier.arrive $0xFFFF  }
0x11a: {  	_ =	strace $0x9000004A  }
0x11b: {  	s0 =	stileid.u32;
	[bflag:$0x2] =	sbarrier.arrive $0xFFFF  }
0x11c: {  	p0 =	sne.s32 s0, $0x0;
	s0 =	rddreg [dreg:$0x2]  }
0x11d: {  	s0 =	sadd.s32 @!p0 $0x100000, s0  }
0x11e: {  	[sflag:s0] =	ssyncadd.tile.s32 @!p0 $0x1;
	_ =	shalt  }
.Lfunc_end2:
_tile_overlayer_lowered:
.L_overlay_start_2:
0x11f: {  	(tag) =	ssettag $0x2  }
0x120: {  	s0 =	rddreg [dreg:$0x0];
	s2 =	stileid.u32  }
0x121: {  	s1 =	rddreg [dreg:$0x1];
	p0 =	sne.s32 s2, $0x0  }
0x122: {  	s3 =	rddreg [dreg:$0x2];
	[bflag:$0x3] =	sbarrier.arrive $0xFFFF;
	s2 =	simm.s32 @!p0 $0x1C03  }
0x123: {  	[timem:s3], [sflag:s2] =	dma.local @!p0 [hbm:s0], s1  }
0x124: {  	s0 =	simm.s32 @!p0 $0x3  }
0x125: {  	_ =	swait.ge @!p0 [sflag:s0], s1  }
0x126: {  	s1 =	ssub.s32 @!p0 $0x0, s1;
	[sflag:s0] =	ssyncset.done @!p0 $0x0  }
0x127: {  	[sflag:s0] =	ssyncadd.s32 @!p0 s1  }
0x128: {  	[bflag:$0x3] =	sbarrier.arrive $0xFFFF  }
0x129: {  	_ =	shalt  }

// kernel: gcn_scatter2.3.cloned.1.call-start
scs
__scs_entry_jumppad:
0x0: {  	(pc) =	sbr.rel $0x88, $3  }
0x1: {  	(tag) =	ssettag $0x0;
	lr =	simm.s32 $0x1  }
0x2: {  	[smem:$0x3F9B] =	sst lr;
	_ =	strace $0xD0000000  }
0x3: {  	_ = 	snop  }
0x4: {  	_ = 	snop  }
0x5: {  	_ = 	snop  }
0x6: {  	_ = 	snop  }
0x7: {  	_ = 	snop  }
__scs_overlays_trampoline_lowered:
0x8: {  	[smem:$0x3FAA] =	sst s0  }
0x9: {  	[smem:$0x3FAB] =	sst s1  }
0xa: {  	[smem:$0x3FAC] =	sst s2  }
0xb: {  	[smem:$0x3FAD] =	sst s3  }
0xc: {  	[smem:$0x3FAE] =	sst s4  }
0xd: {  	[smem:$0x3FAF] =	sst s5  }
0xe: {  	[smem:$0x3FB0] =	sst s6  }
0xf: {  	[smem:$0x3FB1] =	sst s7  }
0x10: {  	[smem:$0x3FB2] =	sst s8  }
0x11: {  	[smem:$0x3FB3] =	sst s9;
	s0 =	simm.s32 @!p0 $0x0  }
0x12: {  	s1 =	sld [smem:$0x3F99];
	s0 =	simm.s32 @p0 $0x1  }
0x13: {  	[smem:$0x3FB4] =	sst s0;
	s0 =	simm.s32 @!p1 $0x0  }
0x14: {  	s2 =	sld [smem:$0x3F98];
	s0 =	simm.s32 @p1 $0x1  }
0x15: {  	[smem:$0x3FB5] =	sst s0;
	s0 =	simm.s32 @!p2 $0x0  }
0x16: {  	s3 =	sld [smem:$0x3FDB];
	s0 =	simm.s32 @p2 $0x1  }
0x17: {  	s4 =	simm.s32 $0x1BF5;
	[smem:$0x3FB7] =	sst s0  }
0x18: {  	s0 =	sld [smem:$0x3F9A];
	_ =	swait.ge [sflag:s4], $0x0  }
0x19: {  	s7 =	sld [smem:$0x3F9B]  }
0x1a: {  	s8 =	sadd.s32 $0xFFFFE003, lr  }
0x1b: {  	s9 =	sadd.s32 $0xFFFFFEF7, lr;
	s5 =	simm.s32 $0xFFFFFFFF;
	p2 =	slt.u32 s8, $0xFFFFF086  }
0x1c: {  	p1 =	slt.u32 s9, $0xF7A;
	s5 =	simm.s32 @!p2 $0x0  }
0x1d: {  	s5 =	simm.s32 @p1 $0x1;
	p0 =	seq.s32 s7, s2  }
0x1e: {  	s7 =	smul.u32 @!p0 $0xF7A, s2;
	p2 =	seq.s32 @!p0 s5, $0x0  }
0x1f: {  	s9 =	smul.u32 $0xF7A, s1;
	s8 =	simm.s32 @!p0 $0x1BF5;
	p2 =	por !p2, p0  }
0x20: {  	[sflag:s8] =	ssyncset.s32 @!p0 $0xFFFFF086;
	s6 =	sadd.s32 @!p0 s3, s7;
	s7 =	simm.s32 @!p0 $0x108  }
0x21: {  	s3 =	sadd.s32 s3, s9;
	s6 =	sadd.s32 @!p0 $0x88, s6;
	s7 =	simm.s32 @p2 $0x1082  }
0x22: {  	[simem:s7], [sflag:s8] =	dma.local @!p0 [hbm:s6], $0xF7A  }
0x23: {  	s9 =	sor.u32 $0xD0000000, s2;
	s6 =	simm.s32 $0x108;
	_ =	swait.ge @!p0 [sflag:s8], $0x0  }
0x24: {  	s3 =	sadd.s32 $0x88, s3;
	s6 =	simm.s32 @!p1 $0x1082;
	[sflag:s4] =	ssyncset.s32 $0xFFFFF086  }
0x25: {  	[simem:s6], [sflag:s4] =	dma.local [hbm:s3], $0xF7A  }
0x26: {  	[smem:$0x3F9B] =	sst s1;
	(tag) =	ssettag s2;
	_ =	strace s9  }
0x27: {  	s1 =	sld [smem:$0x3FAB]  }
0x28: {  	s2 =	sld [smem:$0x3FAC]  }
0x29: {  	s4 =	sld [smem:$0x3FAE]  }
0x2a: {  	p0 =	seq.s32 s5, $0x0;
	s5 =	sld [smem:$0x3FAF]  }
0x2b: {  	s6 =	sld [smem:$0x3FB0]  }
0x2c: {  	s7 =	sld [smem:$0x3FB1]  }
0x2d: {  	s3 =	simm.s32 $0x108;
	s8 =	sld [smem:$0x3FB2]  }
0x2e: {  	s3 =	simm.s32 @!p0 $0x1082;
	s9 =	sld [smem:$0x3FB3]  }
0x2f: {  	lr =	sadd.s32 s0, s3;
	s0 =	sld [smem:$0x3FAA]  }
0x30: {  	s3 =	sld [smem:$0x3FAD]  }
0x31: {  	[smem:$0x3FB6] =	sst s10  }
0x32: {  	s10 =	sld [smem:$0x3FB4];
	_ =	sdelay $0x3  }
0x33: {  	p0 =	seq.s32 s10, $0x1;
	s10 =	sld [smem:$0x3FB6];
	_ =	sdelay $0x3  }
0x34: {  	[smem:$0x3FB6] =	sst s10  }
0x35: {  	s10 =	sld [smem:$0x3FB5];
	_ =	sdelay $0x3  }
0x36: {  	p1 =	seq.s32 s10, $0x1;
	s10 =	sld [smem:$0x3FB6];
	_ =	sdelay $0x3  }
0x37: {  	[smem:$0x3FB6] =	sst s10  }
0x38: {  	s10 =	sld [smem:$0x3FB7]  }
0x39: {  	_ = 	snop;
	(pc) =	sbr.ind lr, $3  }
0x3a: {  	_ = 	snop  }
0x3b: {  	_ = 	snop  }
0x3c: {  	p2 =	seq.s32 s10, $0x1;
	s10 =	sld [smem:$0x3FB6]  }
0x3d: {  	_ =	shalt  }
0x3e: {  	_ =	shalt  }
0x3f: {  	_ =	shalt  }
0x40: {  	_ =	shalt  }
0x41: {  	_ =	shalt  }
0x42: {  	_ =	shalt  }
0x43: {  	_ =	shalt  }
0x44: {  	_ =	shalt  }
0x45: {  	_ =	shalt  }
0x46: {  	_ =	shalt  }
0x47: {  	_ =	shalt  }
0x48: {  	_ =	shalt  }
0x49: {  	_ =	shalt  }
0x4a: {  	_ =	shalt  }
0x4b: {  	_ =	shalt  }
0x4c: {  	_ =	shalt  }
0x4d: {  	_ =	shalt  }
0x4e: {  	_ =	shalt  }
0x4f: {  	_ =	shalt  }
0x50: {  	_ =	shalt  }
0x51: {  	_ =	shalt  }
0x52: {  	_ =	shalt  }
0x53: {  	_ =	shalt  }
0x54: {  	_ =	shalt  }
0x55: {  	_ =	shalt  }
0x56: {  	_ =	shalt  }
0x57: {  	_ =	shalt  }
0x58: {  	_ =	shalt  }
0x59: {  	_ =	shalt  }
0x5a: {  	_ =	shalt  }
0x5b: {  	_ =	shalt  }
0x5c: {  	_ =	shalt  }
0x5d: {  	_ =	shalt  }
0x5e: {  	_ =	shalt  }
0x5f: {  	_ =	shalt  }
0x60: {  	_ =	shalt  }
0x61: {  	_ =	shalt  }
0x62: {  	_ =	shalt  }
0x63: {  	_ =	shalt  }
0x64: {  	_ =	shalt  }
0x65: {  	_ =	shalt  }
0x66: {  	_ =	shalt  }
0x67: {  	_ =	shalt  }
0x68: {  	_ =	shalt  }
0x69: {  	_ =	shalt  }
0x6a: {  	_ =	shalt  }
0x6b: {  	_ =	shalt  }
0x6c: {  	_ =	shalt  }
0x6d: {  	_ =	shalt  }
0x6e: {  	_ =	shalt  }
0x6f: {  	_ =	shalt  }
0x70: {  	_ =	shalt  }
0x71: {  	_ =	shalt  }
0x72: {  	_ =	shalt  }
0x73: {  	_ =	shalt  }
0x74: {  	_ =	shalt  }
0x75: {  	_ =	shalt  }
0x76: {  	_ =	shalt  }
0x77: {  	_ =	shalt  }
0x78: {  	_ =	shalt  }
0x79: {  	_ =	shalt  }
0x7a: {  	_ =	shalt  }
0x7b: {  	_ =	shalt  }
0x7c: {  	_ =	shalt  }
0x7d: {  	_ =	shalt  }
0x7e: {  	_ =	shalt  }
0x7f: {  	_ =	shalt  }
0x80: {  	_ =	shalt  }
0x81: {  	_ =	shalt  }
0x82: {  	_ =	shalt  }
0x83: {  	_ =	shalt  }
0x84: {  	_ =	shalt  }
0x85: {  	_ =	shalt  }
0x86: {  	_ =	shalt  }
0x87: {  	_ =	shalt  }
.Lfunc_end0:
.L_simem_size_0:
called_computation.2_lowered:
.L_overlay_start_0:
0x88: {  	s2 =	sld [smem:$0x3FD9]  }
0x89: {  	s3 =	sld [smem:$0x3FFE];
	_ =	sdelay $0x1  }
0x8a: {  	s1 =	srdreg.scid  }
0x8b: {  	s0 =	sand.u32 $0x1, s1  }
0x8c: {  	s16 =	sshll.u32 s0, $0xA;
	s2 =	sadd.s32 s3, s2  }
0x8d: {  	s2 =	sadd.s32 s2, s16  }
0x8e: {  	[smem:$0x3FC2] =	sst s2  }
0x8f: {  	_ = 	snop  }
0x90: {  	(tm) =	ssettm $0x1  }
0x91: {  	s17 =	sld [smem:$0x3FFB];
	_ =	sdelay $0x3  }
0x92: {  	_ =	strace s17  }
0x93: {  	s2 =	sld [smem:$0x3FFC];
	_ =	sdelay $0x3  }
0x94: {  	_ =	strace s2  }
0x95: {  	s2 =	sld [smem:$0x3FFD];
	_ =	sdelay $0x3  }
0x96: {  	_ =	strace s2  }
0x97: {  	_ =	strace $0x8FFFFFFF  }
0x98: {  	s18 =	sld [smem:$0x3FDB];
	_ =	sdelay $0x1  }
0x99: {  	s19 =	simm.s32 $_scs_section_size  }
0x9a: {  	s4 =	simm.s32 $_size__tile_overlayer_lowered;
	s5 =	simm.s32 $_tile_overlayer_lowered  }
0x9b: {  	s22 =	simm.s32 $0x1BFF;
	s21 =	sshll.u32 s5, $0x1;
	s2 =	sadd.s32 s19, s18  }
0x9c: {  	s6 =	simm.s32 $0x0;
	s20 =	sshll.u32 s4, $0x1;
	s4 =	sadd.s32 s21, s2  }
0x9d: {  	[timem:s6], [sflag:s22] =	dma.local [hbm:s4], s20  }
0x9e: {  	_ =	swait.ge [sflag:s22], s20  }
0x9f: {  	s3 =	ssub.s32 $0x0, s20;
	[sflag:s22] =	ssyncset.done $0x0  }
0xa0: {  	[sflag:s22] =	ssyncadd.s32 s3;
	_ =	sdelay $0x1  }
0xa1: {  	s23 =	simm.s32 $0x1B8B  }
0xa2: {  	_ =	swait.ge [sflag:s23], $0x1  }
0xa3: {  	[sflag:s23] =	ssyncset.done $0x0  }
0xa4: {  	s25 =	simm.s32 $0x1B8E;
	s24 =	sld [smem:$0x3FFE];
	[sflag:s23] =	ssyncadd.s32 $0xFFFFFFFF  }
0xa5: {  	s26 =	simm.s32 $execute0_lowered;
	[smem:$0x3FD2] =	sst s25  }
0xa6: {  	s4 =	sshll.u32 s26, $0x1;
	_ =	strace $0x8000004C;
	[dreg:$0x1] =	wrdreg $0xFFFFFFFF  }
0xa7: {  	s28 =	simm.s32 $_size_execute0_lowered;
	s2 =	sadd.s32 s2, s4;
	[dreg:$0x0] =	wrdreg $0x0  }
0xa8: {  	s4 =	sshll.u32 s28, $0x1;
	[dreg:$0x2] =	wrdreg s2  }
0xa9: {  	[dreg:$0x3] =	wrdreg s4  }
0xaa: {  	[dreg:$0x4] =	wrdreg $0xC0  }
0xab: {  	_ =	task [dreg:s6], $0x5FFFF  }
0xac: {  	[dreg:$0x1] =	wrdreg $0xFFFFFFFF  }
0xad: {  	[dreg:$0x0] =	wrdreg $0x60  }
0xae: {  	[dreg:$0x2] =	wrdreg s24  }
0xaf: {  	[dreg:$0x3] =	wrdreg $0x3C400  }
0xb0: {  	[dreg:$0x4] =	wrdreg $0x9  }
0xb1: {  	_ =	task.clear_ibuf [dreg:s6], $0x5FFFF;
	_ =	strace $0x9000004C  }
0xb2: {  	s29 =	simm.s32 $0x9;
	_ =	strace $0x8000004E  }
0xb3: {  	_ =	swait.ge [sflag:s29], $0x1  }
0xb4: {  	[sflag:s29] =	ssyncadd.s32 $0xFFFFFFFF  }
0xb5: {  	_ =	strace $0x9000004E  }
0xb6: {  	_ =	sfence  }
0xb7: {  	s30 =	sld [smem:$0x0];
	_ =	sdelay $0x2  }
0xb8: {  	s31 =	sshll.u32 s1, $0xD;
	s1 =	sshrl.u32 s1, $0x2  }
0xb9: {  	s3 =	sand.u32 $0x4000, s31;
	s1 =	sadd.s32 s1, s30  }
0xba: {  	s0 =	sor.u32 s3, s0;
	s1 =	sshll.u32 s1, $0x11  }
0xbb: {  	s0 =	sor.u32 s1, s0  }
0xbc: {  	s0 =	sadd.s32 $0x8F2B, s0  }
0xbd: {  	[sflag:s0] =	ssyncadd.remote.s32 $0x1  }
0xbe: {  	_ =	sfence.sel $0xFFFF  }
0xbf: {  	[dreg:$0x0] =	wrdreg $0xFFFFFFFF;
	(pc) =	sbr.abs _section_cstart, $3  }
0xc0: {  	[dreg:$0x1] =	wrdreg $0xFFFFFFFF  }
0xc1: {  	_ =	task.clear_ibuf [dreg:s6], $0x2FFFF;
	_ =	strace $0x9FFFFFFF  }
0xc2: {  	(tm) =	ssettm $0x7FFFFFFF  }
0xc3: {  	_ =	shalt  }
tec
execute0_lowered:
.L_overlay_start_1:
0x0: {  	(tag) =	ssettag $0x1  }
0x1: {  	s0 =	rddreg [dreg:$0x0]  }
0x2: {  	s1 =	rddreg [dreg:$0x1];
	s3 =	simm.s32 $0x0;
	s2 =	srdreg.scid  }
0x3: {  	s12 =	stileid.u32;
	s24 =	simm.s32 $0x100;
	s25 =	simm.s32 $0x180  }
0x4: {  	s26 =	simm.s32 $0x200;
	s14 =	simm.s32 $0x580;
	s15 =	simm.s32 $0x600  }
0x5: {  	s16 =	simm.s32 $0x680;
	s28 =	simm.s32 $0x2;
	s31 =	simm.s32 $0xE80  }
0x6: {  	s30 =	simm.s32 $0x400;
	[smem:$0x7FF] =	sst s3;
	s2 =	sand.u32 $0x1, s2  }
0x7: {  	s7 =	smul.u32 $0x310, s12;
	_ =	strace $0x8000004D;
	[dreg:$0x7] =	wrdreg s24  }
0x8: {  	s6 =	sadd.s32 $0x68400, s0;
	s10 =	smul.u32 $0x1880, s12;
	[dreg:$0x8] =	wrdreg s25  }
0x9: {  	s8 =	sadd.s32 $0x3200, s0;
	s29 =	smul.u32 $0x31000, s12;
	[dreg:$0x9] =	wrdreg s26  }
0xa: {  	s4 =	sadd.s32 $0xCA400, s0;
	s5 =	smul.u32 $0x3100, s2;
	[dreg:$0xf] =	wrdreg s14  }
0xb: {  	s9 =	sshll.u32 s2, $0x4;
	s17 =	ssub.s32 $0x2, s2;
	[dreg:$0x10] =	wrdreg s15  }
0xc: {  	p0 =	seq.s32 s2, $0x0;
	s14 =	simm.s32 $0x80;
	[dreg:$0x11] =	wrdreg s16  }
0xd: {  	s15 =	simm.s32 $0x1000;
	s16 =	simm.s32 $0x1400;
	s24 =	simm.s32 $0xB00  }
0xe: {  	s25 =	simm.s32 $0xB80;
	s26 =	simm.s32 $0xC80;
	s2 =	simm.s32 $0xF80  }
0xf: {  	s9 =	sor.u32 s12, s9;
	s0 =	sadd.s32 s10, s0;
	[dreg:$0x19] =	wrdreg s24  }
0x10: {  	s18 =	sshrl.u32 s17, $0x1;
	s10 =	simm.s32 $0x380;
	[dreg:$0x1a] =	wrdreg s25  }
0x11: {  	s12 =	simm.s32 $0x500;
	[dreg:$0x1b] =	wrdreg s26;
	s24 =	simm.s32 $0x4  }
0x12: {  	s25 =	simm.s32 $0xC00;
	s26 =	simm.s32 $0x1;
	s5 =	sadd.s32 s7, s5  }
0x13: {  	s9 =	smul.u32 $0x3100, s9;
	s7 =	ssub.s32 s17, s18;
	[dreg:$0xc] =	wrdreg s10  }
0x14: {  	[dreg:$0xe] =	wrdreg s12;
	s12 =	simm.s32 $0x3;
	s17 =	simm.s32 $0x700  }
0x15: {  	s18 =	simm.s32 $0x780;
	s24 =	simm.s32 @!p0 $0x3;
	[dreg:$0x12] =	wrdreg s17  }
0x16: {  	s5 =	sshll.u32 s5, $0x4;
	s23 =	smax.u32 s7, $0x1;
	[dreg:$0x13] =	wrdreg s18  }
0x17: {  	s7 =	simm.s32 $0x280;
	s17 =	simm.s32 $0x1800;
	[dreg:$0x1f] =	wrdreg s23  }
0x18: {  	s18 =	simm.s32 $0x1C00;
	s19 =	sadd.s32 s6, s9;
	[dreg:$0xa] =	wrdreg s7  }
0x19: {  	s11 =	sadd.s32 $0x100, s5;
	s9 =	sadd.s32 s8, s9;
	[dreg:$0x1d] =	wrdreg s19  }
0x1a: {  	s5 =	sor.u32 $0x80, s5;
	s23 =	simm.s32 $0xA80;
	[dreg:$0x1e] =	wrdreg s9  }
0x1b: {  	s7 =	simm.s32 $0x0;
	s20 =	sadd.s32 s11, s6;
	[dreg:$0x18] =	wrdreg s23  }
0x1c: {  	s21 =	sadd.s32 s11, s8;
	s6 =	sadd.s32 s5, s6;
	[dreg:$0x3] =	wrdreg s20  }
0x1d: {  	s22 =	sadd.s32 s5, s8;
	s5 =	simm.s32 $0xFB400;
	[dreg:$0x4] =	wrdreg s21  }
0x1e: {  	s8 =	sadd.s32 $0xE2C00, s0;
	s9 =	simm.s32 $0x300;
	[dreg:$0x5] =	wrdreg s6  }
0x1f: {  	s11 =	simm.s32 $0x480;
	s19 =	simm.s32 $0x880;
	[dreg:$0x6] =	wrdreg s22  }
0x20: {  	s23 =	simm.s32 $0x800;
	s5 =	simm.s32 @!p0 $0x113C00;
	[dreg:$0xb] =	wrdreg s9  }
0x21: {  	s6 =	sshrl.u32 s29, $0x2;
	[dreg:$0xd] =	wrdreg s11;
	s11 =	simm.s32 $0x3000  }
0x22: {  	[dreg:$0x14] =	wrdreg s19;
	s20 =	simm.s32 $0x900;
	s21 =	simm.s32 $0x980  }
0x23: {  	s19 =	simm.s32 $0x2000;
	s22 =	simm.s32 $0xA00;
	[dreg:$0x15] =	wrdreg s20  }
0x24: {  	s29 =	simm.s32 $0xD00;
	s13 =	sadd.s32 s6, s1;
	[dreg:$0x16] =	wrdreg s21  }
0x25: {  	s10 =	sadd.s32 s5, s0;
	s20 =	simm.s32 $0x2400;
	[dreg:$0x17] =	wrdreg s22  }
0x26: {  	s21 =	simm.s32 $0x2800;
	s22 =	simm.s32 $0x2C00;
	[dreg:$0x1c] =	wrdreg s29  }
0x27: {  	s0 =	simm.s32 $0xF00;
	s5 =	simm.s32 $0x4;
	[smem:$0x7FD] =	sst s13  }
.LBB2_1:
0x28: {  	[smem:$0x7FC] =	sst s7;
	s6 =	sadd.s32 $0x0, s8  }
0x29: {  	[tilespmem:s11], [sflag:$0x3] =	stream.linear.gather [hbm4b:s6+s3], $0xC40, $0x38;
	[tilespmem:$0x10040] =	vst v63  }
0x2a: {  	_ =	swait.ge [sflag:s12], $0xC40  }
0x2b: {  	[sflag:s12] =	ssyncset.done $0x0  }
0x2c: {  	[sflag:s12] =	ssyncadd.s32 $0xFFFFF3C0  }
0x2d: {  	[spmem:s13] =	stream.linear.scatter [tilespmem:s11], [sflag:$0x3], $0xC40, $0x38;
	[tilespmem:$0x10040] =	vst v63  }
0x2e: {  	s9 =	simm.s32 $0x188;
	_ =	swait.ge [sflag:s12], $0xC40  }
0x2f: {  	s7 =	sadd.s32 $0xC40, s13;
	s6 =	simm.s32 $0x310;
	[sflag:s12] =	ssyncset.done $0x0  }
.LBB2_2:
0x30: {  	s13 =	sadd.s32 s9, s8  }
0x31: {  	[sflag:s12] =	ssyncadd.s32 $0xFFFFF3C0;
	s9 =	smov.u32 s6;
	s29 =	sadd.s32 $0x188, s6  }
0x32: {  	[tilespmem:s11], [sflag:$0x3] =	stream.linear.gather [hbm4b:s13+s3], $0xC40, $0x38;
	[tilespmem:$0x10040] =	vst v63  }
0x33: {  	p0 =	sne.s32 s6, $0x16F8;
	_ =	swait.ge [sflag:s12], $0xC40  }
.Ltmp0:
0x34: {  	[sflag:s12] =	ssyncset.done $0x0;
	(pc) =	sbr.rel @p0 .LBB2_2-.Ltmp0, $4  }
0x35: {  	[sflag:s12] =	ssyncadd.s32 $0xFFFFF3C0  }
0x36: {  	[spmem:s7] =	stream.linear.scatter [tilespmem:s11], [sflag:$0x3], $0xC40, $0x38;
	[tilespmem:$0x10040] =	vst v63  }
0x37: {  	_ =	swait.ge [sflag:s12], $0xC40  }
0x38: {  	s6 =	smov.u32 s29;
	s7 =	sadd.s32 $0xC40, s7;
	[sflag:s12] =	ssyncset.done $0x0  }
0x39: {  	s6 =	sadd.s32 s9, s8;
	[sflag:s12] =	ssyncadd.s32 $0xFFFFF3C0  }
0x3a: {  	[tilespmem:s11], [sflag:$0x3] =	stream.linear.gather [hbm4b:s6+s3], $0xC40, $0x38;
	[tilespmem:$0x10040] =	vst v63  }
0x3b: {  	_ =	swait.ge [sflag:s12], $0xC40  }
0x3c: {  	[sflag:s12] =	ssyncset.done $0x0  }
0x3d: {  	[sflag:s12] =	ssyncadd.s32 $0xFFFFF3C0  }
0x3e: {  	[spmem:s7] =	stream.linear.scatter [tilespmem:s11], [sflag:$0x3], $0xC40, $0x38;
	[tilespmem:$0x10040] =	vst v63  }
0x3f: {  	_ =	swait.ge [sflag:s12], $0xC40  }
0x40: {  	[sflag:s12] =	ssyncset.done $0x0  }
0x41: {  	[sflag:s12] =	ssyncadd.s32 $0xFFFFF3C0  }
0x42: {  	[bflag:$0x0] =	sbarrier.arrive $0xFFFF  }
0x43: {  	s9 =	simm.s32 $0x0;
	s13 =	rddreg [dreg:$0x1d]  }
0x44: {  	[tilespmem:s9], [sflag:$0x3] =	stream.linear.gather [hbm4b:s13+s9], $0x400, $0x38;
	[tilespmem:$0x10040] =	vst v63  }
0x45: {  	_ =	swait.ge [sflag:s12], $0x400  }
0x46: {  	[sflag:s12] =	ssyncset.done $0x0  }
0x47: {  	s29 =	rddreg [dreg:$0x1e];
	[sflag:s12] =	ssyncadd.s32 $0xFFFFFC00  }
0x48: {  	[tilespmem:s30], [sflag:$0x3] =	stream.linear.gather [hbm4b:s29+s9], $0x400, $0x38;
	[tilespmem:$0x10040] =	vst v63  }
0x49: {  	_ =	swait.ge [sflag:s12], $0x400  }
0x4a: {  	[sflag:s12] =	ssyncset.done $0x0  }
0x4b: {  	[sflag:s12] =	ssyncadd.s32 $0xFFFFFC00  }
0x4c: {  	[tilespmem:s15], [sflag:$0x1] =	stream.indirect.gather [hbm4b:s4+s14], $0x8, s3, s14, $0xb8;
	[tilespmem:$0x10040] =	vst v63  }
0x4d: {  	s6 =	rddreg [dreg:$0x5]  }
0x4e: {  	[tilespmem:s16], [sflag:$0x1] =	stream.indirect.gather [hbm4b:s4+s14], $0x8, s14, s14, $0xb8;
	[tilespmem:$0x10040] =	vst v63  }
0x4f: {  	s9 =	rddreg [dreg:$0x7]  }
0x50: {  	[tilespmem:s17], [sflag:$0x1] =	stream.indirect.gather [hbm4b:s4+s14], $0x8, s9, s14, $0xb8;
	[tilespmem:$0x10040] =	vst v63  }
0x51: {  	s13 =	rddreg [dreg:$0x8]  }
0x52: {  	[tilespmem:s18], [sflag:$0x1] =	stream.indirect.gather [hbm4b:s4+s14], $0x8, s13, s14, $0xb8;
	[tilespmem:$0x10040] =	vst v63  }
0x53: {  	s29 =	rddreg [dreg:$0x9]  }
0x54: {  	[tilespmem:s19], [sflag:$0x1] =	stream.indirect.gather [hbm4b:s4+s14], $0x8, s29, s14, $0xb8;
	[tilespmem:$0x10040] =	vst v63  }
0x55: {  	s13 =	rddreg [dreg:$0xa]  }
0x56: {  	[tilespmem:s20], [sflag:$0x1] =	stream.indirect.gather [hbm4b:s4+s14], $0x8, s13, s14, $0xb8;
	[tilespmem:$0x10040] =	vst v63  }
0x57: {  	s29 =	rddreg [dreg:$0xb]  }
0x58: {  	[tilespmem:s21], [sflag:$0x1] =	stream.indirect.gather [hbm4b:s4+s14], $0x8, s29, s14, $0xb8;
	[tilespmem:$0x10040] =	vst v63  }
0x59: {  	s13 =	rddreg [dreg:$0xc]  }
0x5a: {  	[tilespmem:s22], [sflag:$0x1] =	stream.indirect.gather [hbm4b:s4+s14], $0x8, s13, s14, $0xb8;
	[tilespmem:$0x10040] =	vst v63  }
0x5b: {  	s6 =	sadd.s32 $0x0, s6  }
0x5c: {  	[tilespmem:s23], [sflag:$0x3] =	stream.linear.gather [hbm4b:s6+s3], $0x400, $0x38;
	[tilespmem:$0x10040] =	vst v63  }
0x5d: {  	_ =	swait.ge [sflag:s12], $0x400  }
0x5e: {  	s29 =	rddreg [dreg:$0x6];
	[sflag:s12] =	ssyncset.done $0x0  }
0x5f: {  	[sflag:s12] =	ssyncadd.s32 $0xFFFFFC00;
	s6 =	sadd.s32 $0x0, s29  }
0x60: {  	[tilespmem:s25], [sflag:$0x3] =	stream.linear.gather [hbm4b:s6+s3], $0x400, $0x38;
	[tilespmem:$0x10040] =	vst v63  }
0x61: {  	_ =	swait.ge [sflag:s12], $0x400  }
0x62: {  	[sflag:s12] =	ssyncset.done $0x0  }
0x63: {  	[sflag:s12] =	ssyncadd.s32 $0xFFFFFC00  }
0x64: {  	_ =	swait.ge [sflag:s26], $0x2000  }
0x65: {  	[sflag:s26] =	ssyncset.done $0x0  }
0x66: {  	[sflag:s26] =	ssyncadd.s32 $0xFFFFE000  }
0x67: {  	[spmem:s1] =	stream.indirect.scatter.add.f32 [tilespmem:s15], [sflag:$0x2], $0x8, s30, s14, $0xb8;
	[tilespmem:$0x10040] =	vst v63  }
0x68: {  	s7 =	rddreg [dreg:$0xd]  }
0x69: {  	[spmem:s1] =	stream.indirect.scatter.add.f32 [tilespmem:s16], [sflag:$0x2], $0x8, s7, s14, $0xb8;
	[tilespmem:$0x10040] =	vst v63  }
0x6a: {  	s9 =	rddreg [dreg:$0xe]  }
0x6b: {  	[spmem:s1] =	stream.indirect.scatter.add.f32 [tilespmem:s17], [sflag:$0x2], $0x8, s9, s14, $0xb8;
	[tilespmem:$0x10040] =	vst v63  }
0x6c: {  	s13 =	rddreg [dreg:$0xf]  }
0x6d: {  	[spmem:s1] =	stream.indirect.scatter.add.f32 [tilespmem:s18], [sflag:$0x2], $0x8, s13, s14, $0xb8;
	[tilespmem:$0x10040] =	vst v63  }
0x6e: {  	s29 =	rddreg [dreg:$0x10]  }
0x6f: {  	[spmem:s1] =	stream.indirect.scatter.add.f32 [tilespmem:s19], [sflag:$0x2], $0x8, s29, s14, $0xb8;
	[tilespmem:$0x10040] =	vst v63  }
0x70: {  	s9 =	rddreg [dreg:$0x11]  }
0x71: {  	[spmem:s1] =	stream.indirect.scatter.add.f32 [tilespmem:s20], [sflag:$0x2], $0x8, s9, s14, $0xb8;
	[tilespmem:$0x10040] =	vst v63  }
0x72: {  	s13 =	rddreg [dreg:$0x12]  }
0x73: {  	[spmem:s1] =	stream.indirect.scatter.add.f32 [tilespmem:s21], [sflag:$0x2], $0x8, s13, s14, $0xb8;
	[tilespmem:$0x10040] =	vst v63  }
0x74: {  	s29 =	rddreg [dreg:$0x13]  }
0x75: {  	[spmem:s1] =	stream.indirect.scatter.add.f32 [tilespmem:s22], [sflag:$0x2], $0x8, s29, s14, $0xb8;
	[tilespmem:$0x10040] =	vst v63  }
0x76: {  	_ =	swait.ge [sflag:s28], $0x2000  }
0x77: {  	[sflag:s28] =	ssyncset.done $0x0  }
0x78: {  	s6 =	rddreg [dreg:$0x3];
	[sflag:s28] =	ssyncadd.s32 $0xFFFFE000  }
0x79: {  	[tilespmem:s15], [sflag:$0x1] =	stream.indirect.gather [hbm4b:s4+s14], $0x8, s23, s14, $0xb8;
	[tilespmem:$0x10040] =	vst v63  }
0x7a: {  	s9 =	rddreg [dreg:$0x14]  }
0x7b: {  	[tilespmem:s16], [sflag:$0x1] =	stream.indirect.gather [hbm4b:s4+s14], $0x8, s9, s14, $0xb8;
	[tilespmem:$0x10040] =	vst v63  }
0x7c: {  	s13 =	rddreg [dreg:$0x15]  }
0x7d: {  	[tilespmem:s17], [sflag:$0x1] =	stream.indirect.gather [hbm4b:s4+s14], $0x8, s13, s14, $0xb8;
	[tilespmem:$0x10040] =	vst v63  }
0x7e: {  	s29 =	rddreg [dreg:$0x16]  }
0x7f: {  	[tilespmem:s18], [sflag:$0x1] =	stream.indirect.gather [hbm4b:s4+s14], $0x8, s29, s14, $0xb8;
	[tilespmem:$0x10040] =	vst v63  }
0x80: {  	s13 =	rddreg [dreg:$0x17]  }
0x81: {  	[tilespmem:s19], [sflag:$0x1] =	stream.indirect.gather [hbm4b:s4+s14], $0x8, s13, s14, $0xb8;
	[tilespmem:$0x10040] =	vst v63  }
0x82: {  	s29 =	rddreg [dreg:$0x18]  }
0x83: {  	[tilespmem:s20], [sflag:$0x1] =	stream.indirect.gather [hbm4b:s4+s14], $0x8, s29, s14, $0xb8;
	[tilespmem:$0x10040] =	vst v63  }
0x84: {  	s13 =	rddreg [dreg:$0x19]  }
0x85: {  	[tilespmem:s21], [sflag:$0x1] =	stream.indirect.gather [hbm4b:s4+s14], $0x8, s13, s14, $0xb8;
	[tilespmem:$0x10040] =	vst v63  }
0x86: {  	p0 =	por $0x0, $0x0;
	s29 =	rddreg [dreg:$0x1a]  }
0x87: {  	[tilespmem:s22], [sflag:$0x1] =	stream.indirect.gather [hbm4b:s4+s14], $0x8, s29, s14, $0xb8;
	[tilespmem:$0x10040] =	vst v63  }
0x88: {  	s7 =	simm.s32 @!p0 $0x0;
	s6 =	sadd.s32 @!p0 $0x0, s6;
	s9 =	simm.s32 @!p0 $0x3  }
0x89: {  	[tilespmem:s7], [sflag:$0x3] =	stream.linear.gather @!p0 [hbm4b:s6+s7], $0x400, $0x38;
	[tilespmem:$0x10040] =	vst v63  }
0x8a: {  	_ =	swait.ge @!p0 [sflag:s9], $0x400  }
0x8b: {  	s6 =	rddreg [dreg:$0x4];
	[sflag:s9] =	ssyncset.done @!p0 $0x0  }
0x8c: {  	s13 =	simm.s32 @!p0 $0x400;
	[sflag:s9] =	ssyncadd.s32 @!p0 $0xFFFFFC00;
	s6 =	sadd.s32 @!p0 $0x0, s6  }
0x8d: {  	[tilespmem:s13], [sflag:$0x3] =	stream.linear.gather @!p0 [hbm4b:s6+s7], $0x400, $0x38;
	[tilespmem:$0x10040] =	vst v63  }
0x8e: {  	_ =	swait.ge @!p0 [sflag:s9], $0x400  }
0x8f: {  	[sflag:s9] =	ssyncset.done @!p0 $0x0  }
0x90: {  	[sflag:s9] =	ssyncadd.s32 @!p0 $0xFFFFFC00  }
0x91: {  	_ =	swait.ge [sflag:s26], $0x2000  }
0x92: {  	[sflag:s26] =	ssyncset.done $0x0  }
0x93: {  	[sflag:s26] =	ssyncadd.s32 $0xFFFFE000  }
0x94: {  	[spmem:s1] =	stream.indirect.scatter.add.f32 [tilespmem:s15], [sflag:$0x2], $0x8, s25, s14, $0xb8;
	[tilespmem:$0x10040] =	vst v63  }
0x95: {  	s7 =	rddreg [dreg:$0x1b]  }
0x96: {  	[spmem:s1] =	stream.indirect.scatter.add.f32 [tilespmem:s16], [sflag:$0x2], $0x8, s7, s14, $0xb8;
	[tilespmem:$0x10040] =	vst v63  }
0x97: {  	s9 =	rddreg [dreg:$0x1c]  }
0x98: {  	[spmem:s1] =	stream.indirect.scatter.add.f32 [tilespmem:s17], [sflag:$0x2], $0x8, s9, s14, $0xb8;
	[tilespmem:$0x10040] =	vst v63  }
0x99: {  	s13 =	simm.s32 $0xD80  }
0x9a: {  	[spmem:s1] =	stream.indirect.scatter.add.f32 [tilespmem:s18], [sflag:$0x2], $0x8, s13, s14, $0xb8;
	[tilespmem:$0x10040] =	vst v63  }
0x9b: {  	s29 =	simm.s32 $0xE00  }
0x9c: {  	[spmem:s1] =	stream.indirect.scatter.add.f32 [tilespmem:s19], [sflag:$0x2], $0x8, s29, s14, $0xb8;
	[tilespmem:$0x10040] =	vst v63  }
0x9d: {  	_ = 	snop  }
0x9e: {  	[spmem:s1] =	stream.indirect.scatter.add.f32 [tilespmem:s20], [sflag:$0x2], $0x8, s31, s14, $0xb8;
	[tilespmem:$0x10040] =	vst v63  }
0x9f: {  	_ = 	snop  }
0xa0: {  	[spmem:s1] =	stream.indirect.scatter.add.f32 [tilespmem:s21], [sflag:$0x2], $0x8, s0, s14, $0xb8;
	[tilespmem:$0x10040] =	vst v63  }
0xa1: {  	_ = 	snop  }
0xa2: {  	[spmem:s1] =	stream.indirect.scatter.add.f32 [tilespmem:s22], [sflag:$0x2], $0x8, s2, s14, $0xb8;
	[tilespmem:$0x10040] =	vst v63  }
0xa3: {  	_ =	swait.ge [sflag:s28], $0x2000  }
0xa4: {  	s7 =	simm.s32 $0x100;
	[sflag:s28] =	ssyncset.done $0x0  }
.LBB2_4:
0xa5: {  	[sflag:s28] =	ssyncadd.s32 $0xFFFFE000  }
0xa6: {  	[tilespmem:s15], [sflag:$0x1] =	stream.indirect.gather [hbm4b:s4+s14], $0x8, s3, s14, $0xb8;
	[tilespmem:$0x10040] =	vst v63  }
0xa7: {  	s6 =	rddreg [dreg:$0x5]  }
0xa8: {  	[tilespmem:s16], [sflag:$0x1] =	stream.indirect.gather [hbm4b:s4+s14], $0x8, s14, s14, $0xb8;
	[tilespmem:$0x10040] =	vst v63  }
0xa9: {  	s13 =	rddreg [dreg:$0x7]  }
0xaa: {  	[tilespmem:s17], [sflag:$0x1] =	stream.indirect.gather [hbm4b:s4+s14], $0x8, s13, s14, $0xb8;
	[tilespmem:$0x10040] =	vst v63  }
0xab: {  	s29 =	rddreg [dreg:$0x8]  }
0xac: {  	[tilespmem:s18], [sflag:$0x1] =	stream.indirect.gather [hbm4b:s4+s14], $0x8, s29, s14, $0xb8;
	[tilespmem:$0x10040] =	vst v63  }
0xad: {  	s13 =	rddreg [dreg:$0x9]  }
0xae: {  	[tilespmem:s19], [sflag:$0x1] =	stream.indirect.gather [hbm4b:s4+s14], $0x8, s13, s14, $0xb8;
	[tilespmem:$0x10040] =	vst v63  }
0xaf: {  	s29 =	rddreg [dreg:$0xa]  }
0xb0: {  	[tilespmem:s20], [sflag:$0x1] =	stream.indirect.gather [hbm4b:s4+s14], $0x8, s29, s14, $0xb8;
	[tilespmem:$0x10040] =	vst v63  }
0xb1: {  	s13 =	rddreg [dreg:$0xb]  }
0xb2: {  	[tilespmem:s21], [sflag:$0x1] =	stream.indirect.gather [hbm4b:s4+s14], $0x8, s13, s14, $0xb8;
	[tilespmem:$0x10040] =	vst v63  }
0xb3: {  	s9 =	smov.u32 s7;
	s29 =	rddreg [dreg:$0xc]  }
0xb4: {  	[tilespmem:s22], [sflag:$0x1] =	stream.indirect.gather [hbm4b:s4+s14], $0x8, s29, s14, $0xb8;
	[tilespmem:$0x10040] =	vst v63  }
0xb5: {  	s6 =	sadd.s32 s9, s6  }
0xb6: {  	[tilespmem:s23], [sflag:$0x3] =	stream.linear.gather [hbm4b:s6+s3], $0x400, $0x38;
	[tilespmem:$0x10040] =	vst v63  }
0xb7: {  	_ =	swait.ge [sflag:s12], $0x400  }
0xb8: {  	s13 =	rddreg [dreg:$0x6];
	[sflag:s12] =	ssyncset.done $0x0  }
0xb9: {  	[sflag:s12] =	ssyncadd.s32 $0xFFFFFC00;
	s6 =	sadd.s32 s9, s13  }
0xba: {  	[tilespmem:s25], [sflag:$0x3] =	stream.linear.gather [hbm4b:s6+s3], $0x400, $0x38;
	[tilespmem:$0x10040] =	vst v63  }
0xbb: {  	_ =	swait.ge [sflag:s12], $0x400  }
0xbc: {  	[sflag:s12] =	ssyncset.done $0x0  }
0xbd: {  	[sflag:s12] =	ssyncadd.s32 $0xFFFFFC00  }
0xbe: {  	_ =	swait.ge [sflag:s26], $0x2000  }
0xbf: {  	[sflag:s26] =	ssyncset.done $0x0  }
0xc0: {  	[sflag:s26] =	ssyncadd.s32 $0xFFFFE000  }
0xc1: {  	[spmem:s1] =	stream.indirect.scatter.add.f32 [tilespmem:s15], [sflag:$0x2], $0x8, s30, s14, $0xb8;
	[tilespmem:$0x10040] =	vst v63  }
0xc2: {  	s29 =	rddreg [dreg:$0xd]  }
0xc3: {  	[spmem:s1] =	stream.indirect.scatter.add.f32 [tilespmem:s16], [sflag:$0x2], $0x8, s29, s14, $0xb8;
	[tilespmem:$0x10040] =	vst v63  }
0xc4: {  	s13 =	rddreg [dreg:$0xe]  }
0xc5: {  	[spmem:s1] =	stream.indirect.scatter.add.f32 [tilespmem:s17], [sflag:$0x2], $0x8, s13, s14, $0xb8;
	[tilespmem:$0x10040] =	vst v63  }
0xc6: {  	s29 =	rddreg [dreg:$0xf]  }
0xc7: {  	[spmem:s1] =	stream.indirect.scatter.add.f32 [tilespmem:s18], [sflag:$0x2], $0x8, s29, s14, $0xb8;
	[tilespmem:$0x10040] =	vst v63  }
0xc8: {  	s13 =	rddreg [dreg:$0x10]  }
0xc9: {  	[spmem:s1] =	stream.indirect.scatter.add.f32 [tilespmem:s19], [sflag:$0x2], $0x8, s13, s14, $0xb8;
	[tilespmem:$0x10040] =	vst v63  }
0xca: {  	s29 =	rddreg [dreg:$0x11]  }
0xcb: {  	[spmem:s1] =	stream.indirect.scatter.add.f32 [tilespmem:s20], [sflag:$0x2], $0x8, s29, s14, $0xb8;
	[tilespmem:$0x10040] =	vst v63  }
0xcc: {  	s13 =	rddreg [dreg:$0x12]  }
0xcd: {  	[spmem:s1] =	stream.indirect.scatter.add.f32 [tilespmem:s21], [sflag:$0x2], $0x8, s13, s14, $0xb8;
	[tilespmem:$0x10040] =	vst v63  }
0xce: {  	s29 =	rddreg [dreg:$0x13]  }
0xcf: {  	[spmem:s1] =	stream.indirect.scatter.add.f32 [tilespmem:s22], [sflag:$0x2], $0x8, s29, s14, $0xb8;
	[tilespmem:$0x10040] =	vst v63  }
0xd0: {  	_ =	swait.ge [sflag:s28], $0x2000  }
0xd1: {  	[sflag:s28] =	ssyncset.done $0x0  }
0xd2: {  	s6 =	rddreg [dreg:$0x3];
	[sflag:s28] =	ssyncadd.s32 $0xFFFFE000  }
0xd3: {  	[tilespmem:s15], [sflag:$0x1] =	stream.indirect.gather [hbm4b:s4+s14], $0x8, s23, s14, $0xb8;
	[tilespmem:$0x10040] =	vst v63  }
0xd4: {  	s13 =	rddreg [dreg:$0x14]  }
0xd5: {  	[tilespmem:s16], [sflag:$0x1] =	stream.indirect.gather [hbm4b:s4+s14], $0x8, s13, s14, $0xb8;
	[tilespmem:$0x10040] =	vst v63  }
0xd6: {  	s29 =	rddreg [dreg:$0x15]  }
0xd7: {  	[tilespmem:s17], [sflag:$0x1] =	stream.indirect.gather [hbm4b:s4+s14], $0x8, s29, s14, $0xb8;
	[tilespmem:$0x10040] =	vst v63  }
0xd8: {  	s13 =	rddreg [dreg:$0x16]  }
0xd9: {  	[tilespmem:s18], [sflag:$0x1] =	stream.indirect.gather [hbm4b:s4+s14], $0x8, s13, s14, $0xb8;
	[tilespmem:$0x10040] =	vst v63  }
0xda: {  	s29 =	rddreg [dreg:$0x17]  }
0xdb: {  	[tilespmem:s19], [sflag:$0x1] =	stream.indirect.gather [hbm4b:s4+s14], $0x8, s29, s14, $0xb8;
	[tilespmem:$0x10040] =	vst v63  }
0xdc: {  	s13 =	rddreg [dreg:$0x18]  }
0xdd: {  	[tilespmem:s20], [sflag:$0x1] =	stream.indirect.gather [hbm4b:s4+s14], $0x8, s13, s14, $0xb8;
	[tilespmem:$0x10040] =	vst v63  }
0xde: {  	s29 =	rddreg [dreg:$0x19]  }
0xdf: {  	[tilespmem:s21], [sflag:$0x1] =	stream.indirect.gather [hbm4b:s4+s14], $0x8, s29, s14, $0xb8;
	[tilespmem:$0x10040] =	vst v63  }
0xe0: {  	p1 =	seq.s32 s9, $0x3000;
	s13 =	rddreg [dreg:$0x1a]  }
0xe1: {  	[tilespmem:s22], [sflag:$0x1] =	stream.indirect.gather [hbm4b:s4+s14], $0x8, s13, s14, $0xb8;
	[tilespmem:$0x10040] =	vst v63  }
0xe2: {  	s6 =	sadd.s32 @!p1 s9, s6;
	s29 =	simm.s32 @!p1 $0x3;
	s13 =	simm.s32 @!p1 $0x0  }
0xe3: {  	[tilespmem:s13], [sflag:$0x3] =	stream.linear.gather @!p1 [hbm4b:s6+s13], $0x400, $0x38;
	[tilespmem:$0x10040] =	vst v63  }
0xe4: {  	_ =	swait.ge @!p1 [sflag:s29], $0x400  }
0xe5: {  	s6 =	rddreg [dreg:$0x4];
	[sflag:s29] =	ssyncset.done @!p1 $0x0  }
0xe6: {  	[sflag:s29] =	ssyncadd.s32 @!p1 $0xFFFFFC00;
	s6 =	sadd.s32 @!p1 s9, s6;
	s9 =	simm.s32 @!p1 $0x400  }
0xe7: {  	[tilespmem:s9], [sflag:$0x3] =	stream.linear.gather @!p1 [hbm4b:s6+s13], $0x400, $0x38;
	[tilespmem:$0x10040] =	vst v63  }
0xe8: {  	_ =	swait.ge @!p1 [sflag:s29], $0x400  }
0xe9: {  	[sflag:s29] =	ssyncset.done @!p1 $0x0  }
0xea: {  	[sflag:s29] =	ssyncadd.s32 @!p1 $0xFFFFFC00  }
0xeb: {  	_ =	swait.ge [sflag:s26], $0x2000  }
0xec: {  	[sflag:s26] =	ssyncset.done $0x0  }
0xed: {  	[sflag:s26] =	ssyncadd.s32 $0xFFFFE000  }
0xee: {  	[spmem:s1] =	stream.indirect.scatter.add.f32 [tilespmem:s15], [sflag:$0x2], $0x8, s25, s14, $0xb8;
	[tilespmem:$0x10040] =	vst v63  }
0xef: {  	s6 =	rddreg [dreg:$0x1b]  }
0xf0: {  	[spmem:s1] =	stream.indirect.scatter.add.f32 [tilespmem:s16], [sflag:$0x2], $0x8, s6, s14, $0xb8;
	[tilespmem:$0x10040] =	vst v63  }
0xf1: {  	s9 =	rddreg [dreg:$0x1c]  }
0xf2: {  	[spmem:s1] =	stream.indirect.scatter.add.f32 [tilespmem:s17], [sflag:$0x2], $0x8, s9, s14, $0xb8;
	[tilespmem:$0x10040] =	vst v63  }
0xf3: {  	s13 =	simm.s32 $0xD80  }
0xf4: {  	[spmem:s1] =	stream.indirect.scatter.add.f32 [tilespmem:s18], [sflag:$0x2], $0x8, s13, s14, $0xb8;
	[tilespmem:$0x10040] =	vst v63  }
0xf5: {  	s29 =	simm.s32 $0xE00  }
0xf6: {  	[spmem:s1] =	stream.indirect.scatter.add.f32 [tilespmem:s19], [sflag:$0x2], $0x8, s29, s14, $0xb8;
	[tilespmem:$0x10040] =	vst v63  }
0xf7: {  	s7 =	sadd.s32 $0x100, s7  }
0xf8: {  	[spmem:s1] =	stream.indirect.scatter.add.f32 [tilespmem:s20], [sflag:$0x2], $0x8, s31, s14, $0xb8;
	[tilespmem:$0x10040] =	vst v63  }
0xf9: {  	p0 =	sne.s32 s7, $0x3100  }
0xfa: {  	[spmem:s1] =	stream.indirect.scatter.add.f32 [tilespmem:s21], [sflag:$0x2], $0x8, s0, s14, $0xb8;
	[tilespmem:$0x10040] =	vst v63  }
.Ltmp1:
0xfb: {  	_ = 	snop;
	(pc) =	sbr.rel @p0 .LBB2_4-.Ltmp1, $4  }
0xfc: {  	_ = 	snop  }
0xfd: {  	[spmem:s1] =	stream.indirect.scatter.add.f32 [tilespmem:s22], [sflag:$0x2], $0x8, s2, s14, $0xb8;
	[tilespmem:$0x10040] =	vst v63  }
0xfe: {  	_ =	swait.ge [sflag:s28], $0x2000  }
0xff: {  	[sflag:s28] =	ssyncset.done $0x0  }
0x100: {  	[sflag:s28] =	ssyncadd.s32 $0xFFFFE000  }
0x101: {  	[bflag:$0x0] =	sbarrier.arrive $0xFFFF  }
0x102: {  	s13 =	sld [smem:$0x7FD];
	_ =	sdelay $0x2  }
0x103: {  	[tilespmem:s11], [sflag:$0x4] =	stream.linear.gather [spmem:s13], $0xC40, $0x38;
	[tilespmem:$0x10040] =	vst v63  }
0x104: {  	_ =	swait.ge [sflag:s5], $0xC40  }
0x105: {  	[sflag:s5] =	ssyncset.done $0x0  }
0x106: {  	s6 =	sadd.s32 $0x0, s10;
	[sflag:s5] =	ssyncadd.s32 $0xFFFFF3C0  }
0x107: {  	[hbm4b:s6+s3] =	stream.linear.scatter [tilespmem:s11], [sflag:s24], $0xC40, $0x38;
	[tilespmem:$0x10040] =	vst v63  }
0x108: {  	_ =	swait.ge [sflag:s24], $0xC40  }
0x109: {  	s7 =	simm.s32 $0x188;
	s9 =	smov.u32 s13;
	[sflag:s24] =	ssyncset.done $0x0  }
.LBB2_6:
0x10a: {  	p0 =	sne.s32 s7, $0x16F8;
	[sflag:s24] =	ssyncadd.s32 $0xFFFFF3C0;
	s9 =	sadd.s32 $0xC40, s9  }
0x10b: {  	[tilespmem:s11], [sflag:$0x4] =	stream.linear.gather [spmem:s9], $0xC40, $0x38;
	[tilespmem:$0x10040] =	vst v63  }
0x10c: {  	s6 =	smov.u32 s7;
	s7 =	sadd.s32 $0x188, s7;
	_ =	swait.ge [sflag:s5], $0xC40  }
.Ltmp2:
0x10d: {  	[sflag:s5] =	ssyncset.done $0x0;
	(pc) =	sbr.rel @p0 .LBB2_6-.Ltmp2, $4  }
0x10e: {  	s6 =	sadd.s32 s6, s10;
	[sflag:s5] =	ssyncadd.s32 $0xFFFFF3C0  }
0x10f: {  	[hbm4b:s6+s3] =	stream.linear.scatter [tilespmem:s11], [sflag:s24], $0xC40, $0x38;
	[tilespmem:$0x10040] =	vst v63  }
0x110: {  	_ =	swait.ge [sflag:s24], $0xC40  }
0x111: {  	[sflag:s24] =	ssyncset.done $0x0  }
0x112: {  	s7 =	sld [smem:$0x7FC];
	_ =	sdelay $0x2  }
0x113: {  	s6 =	rddreg [dreg:$0x1f];
	s7 =	sadd.s32 $0x1, s7  }
0x114: {  	p0 =	sne.s32 s7, s6  }
.Ltmp3:
0x115: {  	_ = 	snop;
	(pc) =	sbr.rel @p0 .LBB2_1-.Ltmp3, $2  }
0x116: {  	_ =	sdelay $0x2  }
0x117: {  	[sflag:s24] =	ssyncadd.s32 $0xFFFFF3C0  }
0x118: {  	_ =	sfence.sel $0x180000  }
0x119: {  	[bflag:$0x0] =	sbarrier.arrive $0xFFFF  }
0x11a: {  	_ =	strace $0x9000004D  }
0x11b: {  	s0 =	stileid.u32;
	[bflag:$0x2] =	sbarrier.arrive $0xFFFF  }
0x11c: {  	p0 =	sne.s32 s0, $0x0;
	s0 =	rddreg [dreg:$0x2]  }
0x11d: {  	s0 =	sadd.s32 @!p0 $0x100000, s0  }
0x11e: {  	[sflag:s0] =	ssyncadd.tile.s32 @!p0 $0x1;
	_ =	shalt  }
.Lfunc_end2:
_tile_overlayer_lowered:
.L_overlay_start_2:
0x11f: {  	(tag) =	ssettag $0x2  }
0x120: {  	s0 =	rddreg [dreg:$0x0];
	s2 =	stileid.u32  }
0x121: {  	s1 =	rddreg [dreg:$0x1];
	p0 =	sne.s32 s2, $0x0  }
0x122: {  	s3 =	rddreg [dreg:$0x2];
	[bflag:$0x3] =	sbarrier.arrive $0xFFFF;
	s2 =	simm.s32 @!p0 $0x1C03  }
0x123: {  	[timem:s3], [sflag:s2] =	dma.local @!p0 [hbm:s0], s1  }
0x124: {  	s0 =	simm.s32 @!p0 $0x3  }
0x125: {  	_ =	swait.ge @!p0 [sflag:s0], s1  }
0x126: {  	s1 =	ssub.s32 @!p0 $0x0, s1;
	[sflag:s0] =	ssyncset.done @!p0 $0x0  }
0x127: {  	[sflag:s0] =	ssyncadd.s32 @!p0 s1  }
0x128: {  	[bflag:$0x3] =	sbarrier.arrive $0xFFFF  }
0x129: {  	_ =	shalt  }

</sc_bundles>
